<compile_context>
chip_gen: v7x
topology: tpu7x:2x2x1
jax: 0.10.2.dev20260603
libtpu: 0.0.44.dev20260713+nightly
codegen_flags: <defaults>
</compile_context>

<pallas_src>
import functools

import jax
import jax.numpy as jnp
from jax import lax
from jax.experimental import pallas as pl
from jax.experimental.pallas import tpu as pltpu
from jax.experimental.pallas import tpu_sc as plsc

BLK = 256
G_POOL = 64
F32 = jnp.float32


def _dot(a, b):
    return jnp.dot(a, b, preferred_element_type=F32)


@functools.lru_cache(maxsize=None)
def _make_agg(NP, steps, HH):
    mesh = plsc.VectorSubcoreMesh(core_axis_name="c", subcore_axis_name="s")
    zr = NP // 16

    @functools.partial(
        pl.kernel,
        out_type=jax.ShapeDtypeStruct((2, NP, HH), F32),
        mesh=mesh,
        scratch_types=[
            pltpu.VMEM((128,), jnp.int32),
            pltpu.VMEM((128,), jnp.int32),
            pltpu.VMEM((128,), jnp.int32),
            pltpu.VMEM((128,), jnp.int32),
            pltpu.VMEM((128, HH), F32),
            pltpu.VMEM((128, HH), F32),
            pltpu.VMEM_SHARED((NP, HH), F32),
            pltpu.SemaphoreType.DMA,
            pltpu.SemaphoreType.DMA,
        ],
    )
    def agg(hf, srcs, dsts, zeros, out,
            is0, is1, id0, id1, rows0, rows1, agg_sh, gs0, gs1):
        c = lax.axis_index("c")
        s = lax.axis_index("s")
        pltpu.sync_copy(zeros, agg_sh.at[pl.ds(s * zr, zr)])

        def ildx(g, isb, idb):
            row = s * steps + g
            pltpu.sync_copy(srcs.at[c, row], isb)
            pltpu.sync_copy(dsts.at[row], idb)

        ildx(0, is0, id0)
        plsc.subcore_barrier()
        pltpu.async_copy(hf.at[is0], rows0, gs0)

        def body(p, carry):
            g = 2 * p
            ildx(g + 1, is1, id1)
            pltpu.async_copy(hf.at[is1], rows1, gs1)
            pltpu.make_async_copy(hf.at[is0], rows0, gs0).wait()
            pltpu.sync_copy(rows0, agg_sh.at[id0], add=True)

            @pl.when(g + 2 < steps)
            def _():
                ildx(g + 2, is0, id0)
                pltpu.async_copy(hf.at[is0], rows0, gs0)

            pltpu.make_async_copy(hf.at[is1], rows1, gs1).wait()
            pltpu.sync_copy(rows1, agg_sh.at[id1], add=True)
            return carry

        lax.fori_loop(0, steps // 2, body, 0)
        plsc.subcore_barrier()
        pltpu.sync_copy(agg_sh.at[pl.ds(s * zr, zr)], out.at[c, pl.ds(s * zr, zr)])

    return agg


def _enc_body(HH, x_ref, w_ref, b_ref, out_ref):
    h = jnp.maximum(_dot(x_ref[...], w_ref[...]) + b_ref[...], 0.0)
    out_ref[0, :, :] = h[:, :HH]
    out_ref[1, :, :] = h[:, HH:]


def _mlp1_body(N, NBLK, HH, hf_ref, agg_ref, eps_ref, w_ref, b_ref,
               z_ref, sums_ref, s1_ref, s2_ref):
    i = pl.program_id(0)

    @pl.when(i == 0)
    def _():
        s1_ref[...] = jnp.zeros_like(s1_ref)
        s2_ref[...] = jnp.zeros_like(s2_ref)

    e = 1.0 + eps_ref[0, 0]
    z = (_dot(e * hf_ref[0] + agg_ref[0], w_ref[:HH, :])
         + _dot(e * hf_ref[1] + agg_ref[1], w_ref[HH:, :]) + b_ref[...])
    z_ref[...] = z
    mask = (lax.broadcasted_iota(jnp.int32, (BLK, 1), 0) + i * BLK) < N
    zm = jnp.where(mask, z, 0.0)
    s1_ref[...] += jnp.sum(zm, axis=0, keepdims=True)
    s2_ref[...] += jnp.sum(zm * z, axis=0, keepdims=True)

    @pl.when(i == NBLK - 1)
    def _():
        sums_ref[0:1, :] = s1_ref[...]
        sums_ref[1:2, :] = s2_ref[...]


def _bn_relu(z, sums_ref, g_ref, b_ref, N):
    m = sums_ref[0:1, :] / N
    v = sums_ref[1:2, :] / N - m * m
    inv = lax.rsqrt(v + 1e-5)
    return jnp.maximum((z - m) * inv * g_ref[...] + b_ref[...], 0.0)


def _mlp2_body(N, NBLK, z1_ref, sums1_ref, g_ref, be_ref, w_ref, b_ref,
               z_ref, sums_ref, s1_ref, s2_ref):
    i = pl.program_id(0)

    @pl.when(i == 0)
    def _():
        s1_ref[...] = jnp.zeros_like(s1_ref)
        s2_ref[...] = jnp.zeros_like(s2_ref)

    a = _bn_relu(z1_ref[...], sums1_ref, g_ref, be_ref, N)
    z = _dot(a, w_ref[...]) + b_ref[...]
    z_ref[...] = z
    mask = (lax.broadcasted_iota(jnp.int32, (BLK, 1), 0) + i * BLK) < N
    zm = jnp.where(mask, z, 0.0)
    s1_ref[...] += jnp.sum(zm, axis=0, keepdims=True)
    s2_ref[...] += jnp.sum(zm * z, axis=0, keepdims=True)

    @pl.when(i == NBLK - 1)
    def _():
        sums_ref[0:1, :] = s1_ref[...]
        sums_ref[1:2, :] = s2_ref[...]


def _hnext_body(N, HH, z2_ref, sums_ref, g_ref, b_ref, out_ref):
    h = _bn_relu(z2_ref[...], sums_ref, g_ref, b_ref, N)
    out_ref[0, :, :] = h[:, :HH]
    out_ref[1, :, :] = h[:, HH:]


def _pool_body(N, NBLK, z2_ref, sums_ref, g_ref, b_ref, batch_ref,
               wo_ref, bo_ref, out_ref, acc_ref):
    i = pl.program_id(0)

    @pl.when(i == 0)
    def _():
        acc_ref[...] = jnp.zeros_like(acc_ref)

    h = _bn_relu(z2_ref[...], sums_ref, g_ref, b_ref, N)
    gi = lax.broadcasted_iota(jnp.int32, (G_POOL, 1), 0)
    msk = (gi == batch_ref[0]).astype(F32)
    acc_ref[...] += _dot(msk, h)

    @pl.when(i == NBLK - 1)
    def _():
        out_ref[...] = _dot(acc_ref[...], wo_ref[...]) + bo_ref[...]


def _row_spec(w):
    return pl.BlockSpec((BLK, w), lambda i: (i, 0))


def _full_spec(*shape):
    nd = len(shape)
    return pl.BlockSpec(shape, lambda i: (0,) * nd)


def _split_spec(HH):
    return pl.BlockSpec((2, BLK, HH), lambda i: (0, i, 0))


def kernel(x, edge_index, batch, W_enc, b_enc, eps, W1, b1, g1, be1,
           W2, b2, g_bn, b_bn, W_out, b_out):
    N, D = x.shape
    H = W_enc.shape[1]
    HH = H // 2
    H2 = W1.shape[2]
    L = W1.shape[0]
    OUT = W_out.shape[1]
    E = edge_index.shape[1]

    NP = ((N + BLK - 1) // BLK) * BLK
    NBLK = NP // BLK
    EP = ((E + 4096 - 1) // 4096) * 4096
    steps = EP // 2048
    if steps % 32 == 0:
        EP += 4096
        steps = EP // 2048

    src = edge_index[0]
    dst = edge_index[1]
    E16 = ((E + 15) // 16) * 16
    if E16 != E:
        src = jnp.concatenate([src, src[: E16 - E]])
        dst = jnp.concatenate([dst, N + jnp.arange(E16 - E, dtype=jnp.int32)])
    per = EP // 16
    real = E16 // 16
    src16 = src.reshape(16, real)
    dst16 = dst.reshape(16, real)
    pad_src = src16[:, : per - real]
    pad_dst = N + (jnp.arange(16 * (per - real), dtype=jnp.int32)
                   % (NP - N)).reshape(16, per - real)
    src_p = jnp.concatenate([src16, pad_src], axis=1).reshape(EP)
    dst_p = jnp.concatenate([dst16, pad_dst], axis=1).reshape(EP)
    srcs = jnp.stack([src_p, src_p + NP]).reshape(2, EP // 128, 128)
    dsts = dst_p.reshape(EP // 128, 128)
    zeros = jnp.zeros((NP // 16, HH), F32)
    x_pad = jnp.pad(x, ((0, NP - N), (0, 0)))
    batch2d = jnp.pad(batch, (0, NP - N), constant_values=G_POOL).reshape(NBLK, 1, BLK)

    grid = (NBLK,)
    cp = pltpu.CompilerParams(dimension_semantics=("arbitrary",))

    hf = pl.pallas_call(
        functools.partial(_enc_body, HH),
        grid=grid,
        in_specs=[_row_spec(D), _full_spec(D, H), _full_spec(1, H)],
        out_specs=_split_spec(HH),
        out_shape=jax.ShapeDtypeStruct((2, NP, HH), F32),
        compiler_params=cp,
    )(x_pad, W_enc, b_enc.reshape(1, H))

    agg_fn = _make_agg(NP, steps, HH)

    for l in range(L):
        agg = agg_fn(hf.reshape(2 * NP, HH), srcs, dsts, zeros)

        z1, sums1 = pl.pallas_call(
            functools.partial(_mlp1_body, N, NBLK, HH),
            grid=grid,
            in_specs=[_split_spec(HH), _split_spec(HH), _full_spec(1, 1),
                      _full_spec(H, H2), _full_spec(1, H2)],
            out_specs=[_row_spec(H2), _full_spec(2, H2)],
            out_shape=[jax.ShapeDtypeStruct((NP, H2), F32),
                       jax.ShapeDtypeStruct((2, H2), F32)],
            scratch_shapes=[pltpu.VMEM((1, H2), F32), pltpu.VMEM((1, H2), F32)],
            compiler_params=cp,
        )(hf, agg, eps[l].reshape(1, 1), W1[l], b1[l].reshape(1, H2))

        z2, sums2 = pl.pallas_call(
            functools.partial(_mlp2_body, N, NBLK),
            grid=grid,
            in_specs=[_row_spec(H2), _full_spec(2, H2), _full_spec(1, H2),
                      _full_spec(1, H2), _full_spec(H2, H), _full_spec(1, H)],
            out_specs=[_row_spec(H), _full_spec(2, H)],
            out_shape=[jax.ShapeDtypeStruct((NP, H), F32),
                       jax.ShapeDtypeStruct((2, H), F32)],
            scratch_shapes=[pltpu.VMEM((1, H), F32), pltpu.VMEM((1, H), F32)],
            compiler_params=cp,
        )(z1, sums1, g1[l].reshape(1, H2), be1[l].reshape(1, H2),
          W2[l], b2[l].reshape(1, H))

        if l < L - 1:
            hf = pl.pallas_call(
                functools.partial(_hnext_body, N, HH),
                grid=grid,
                in_specs=[_row_spec(H), _full_spec(2, H), _full_spec(1, H),
                          _full_spec(1, H)],
                out_specs=_split_spec(HH),
                out_shape=jax.ShapeDtypeStruct((2, NP, HH), F32),
                compiler_params=cp,
            )(z2, sums2, g_bn[l].reshape(1, H), b_bn[l].reshape(1, H))
        else:
            out = pl.pallas_call(
                functools.partial(_pool_body, N, NBLK),
                grid=grid,
                in_specs=[_row_spec(H), _full_spec(2, H), _full_spec(1, H),
                          _full_spec(1, H), pl.BlockSpec((1, 1, BLK), lambda i: (i, 0, 0)),
                          _full_spec(H, OUT), _full_spec(1, OUT)],
                out_specs=_full_spec(G_POOL, OUT),
                out_shape=jax.ShapeDtypeStruct((G_POOL, OUT), F32),
                scratch_shapes=[pltpu.VMEM((G_POOL, H), F32)],
                compiler_params=cp,
            )(z2, sums2, g_bn[l].reshape(1, H), b_bn[l].reshape(1, H),
              batch2d, W_out, b_out.reshape(1, OUT))

    return out

# --- scband reference (transcript-rebuilt; emitter-appended) ---
"""Pipeline reference for scband-ginencoder-34299608826264 (READ-ONLY COPY).

The authoritative reference and input builder live on the scoring server;
editing this copy changes nothing except your own understanding.
"""

import jax, jax.numpy as jnp
import numpy as np

N = 10000
E = 320000
D_IN = 128
H = 256
OUT = 256
L = 3
G = 64

def setup_inputs(seed: int = 0) -> dict:
    key = jax.random.key(seed)
    ks = jax.random.split(key, 24)
    s = 0.05
    inp = {}
    inp['x'] = jax.random.normal(ks[0], (N, D_IN), dtype=jnp.float32)
    inp['edge_index'] = jax.random.randint(ks[1], (2, E), 0, N, dtype=jnp.int32)
    inp['batch'] = jnp.sort(jax.random.randint(ks[2], (N,), 0, G, dtype=jnp.int32))
    inp['W_enc'] = jax.random.normal(ks[3], (D_IN, H), dtype=jnp.float32) * s
    inp['b_enc'] = jnp.zeros((H,), dtype=jnp.float32)
    inp['eps'] = jnp.zeros((L,), dtype=jnp.float32)
    inp['W1'] = jax.random.normal(ks[4], (L, H, 2 * H), dtype=jnp.float32) * s
    inp['b1'] = jnp.zeros((L, 2 * H), dtype=jnp.float32)
    inp['g1'] = jnp.ones((L, 2 * H), dtype=jnp.float32)
    inp['be1'] = jnp.zeros((L, 2 * H), dtype=jnp.float32)
    inp['W2'] = jax.random.normal(ks[5], (L, 2 * H, H), dtype=jnp.float32) * s
    inp['b2'] = jnp.zeros((L, H), dtype=jnp.float32)
    inp['g_bn'] = jnp.ones((L, H), dtype=jnp.float32)
    inp['b_bn'] = jnp.zeros((L, H), dtype=jnp.float32)
    inp['W_out'] = jax.random.normal(ks[6], (H, OUT), dtype=jnp.float32) * s
    inp['b_out'] = jnp.zeros((OUT,), dtype=jnp.float32)
    return inp

def _bn(h, g, b):
    m = h.mean(axis=0, keepdims=True)
    v = h.var(axis=0, keepdims=True)
    return g * (h - m) / jnp.sqrt(v + 1e-5) + b

def reference(x, edge_index, batch, W_enc, b_enc, eps, W1, b1, g1, be1, W2, b2, g_bn, b_bn, W_out, b_out):
    # node encoder + relu
    h = jax.nn.relu(x @ W_enc + b_enc)
    src = edge_index[0]
    dst = edge_index[1]
    for l in range(L):
        # GINConv: (1+eps)*x_i + sum_{j in N(i)} x_j, then MLP
        agg = jax.ops.segment_sum(h[src], dst, num_segments=N)
        z = (1.0 + eps[l]) * h + agg
        z = z @ W1[l] + b1[l]
        z = jax.nn.relu(_bn(z, g1[l], be1[l]))
        z = z @ W2[l] + b2[l]
        # outer batch norm + relu (dropout is identity at eval)
        h = jax.nn.relu(_bn(z, g_bn[l], b_bn[l]))
    # global_add_pool
    pooled = jax.ops.segment_sum(h, batch, num_segments=G)
    out = pooled @ W_out + b_out
    return out

if __name__ == "__main__":
    import jax
    _d = setup_inputs()
    print(jax.jit(kernel)(*tuple(_d.values())))

</pallas_src>

<mosaic_0001>
#map = affine_map<(d0, d1) -> (0, 0)>
#map1 = affine_map<(d0, d1) -> (0, 0, 0)>
module attributes {stable_mosaic.version = 14 : i64} {
  func.func @agg(%arg0: i32, %arg1: i32, %arg2: memref<20480x128xf32, #tpu.memory_space<hbm>>, %arg3: memref<2x2528x128xi32, #tpu.memory_space<hbm>>, %arg4: memref<2528x128xi32, #tpu.memory_space<hbm>>, %arg5: memref<640x128xf32, #tpu.memory_space<hbm>>, %arg6: memref<2x10240x128xf32, #tpu.memory_space<hbm>>, %arg7: memref<128xi32, #tpu.memory_space<vmem>>, %arg8: memref<128xi32, #tpu.memory_space<vmem>>, %arg9: memref<128xi32, #tpu.memory_space<vmem>>, %arg10: memref<128xi32, #tpu.memory_space<vmem>>, %arg11: memref<128x128xf32, #tpu.memory_space<vmem>>, %arg12: memref<128x128xf32, #tpu.memory_space<vmem>>, %arg13: memref<10240x128xf32, #tpu.memory_space<vmem_shared>>, %arg14: memref<!tpu.dma_semaphore, #tpu.memory_space<semaphore_mem>>, %arg15: memref<!tpu.dma_semaphore, #tpu.memory_space<semaphore_mem>>) attributes {dimension_semantics = [#tpu.dimension_semantics<core_parallel>, #tpu.dimension_semantics<subcore_parallel>], iteration_bounds = array<i64: 2, 16>, scalar_prefetch = 0 : i64, scratch_operands = 9 : i64, tpu.core_type = #tpu.core_type<sc_vector_subcore>, window_params = [{transform_indices = #map}, {transform_indices = #map1}, {transform_indices = #map}, {transform_indices = #map}, {transform_indices = #map1}]} {
    %mul3A = arith.constant 640 : i32
    %mul3A_0 = arith.muli %arg1, %mul3A : i32
    "tpu.region"() ({
      %run_scoped3A = tpu.sem_alloc : memref<!tpu.dma_semaphore, #tpu.memory_space<semaphore_mem>>
      %dma_start3A_16 = arith.constant 0 : i32
      %dma_start3A_17 = tpu.memref_slice %arg13[%mul3A_0, %dma_start3A_16] : memref<10240x128xf32, #tpu.memory_space<vmem_shared>> -> memref<640x128xf32, #tpu.memory_space<vmem_shared>>
      tpu.enqueue_dma source(%arg5 : memref<640x128xf32, #tpu.memory_space<hbm>>) target(%dma_start3A_17 : memref<640x128xf32, #tpu.memory_space<vmem_shared>>) target_semaphore(%run_scoped3A : memref<!tpu.dma_semaphore, #tpu.memory_space<semaphore_mem>>)
      %dma_wait3A = arith.constant 0 : i32
      %dma_wait3A_18 = tpu.memref_slice %arg13[%mul3A_0, %dma_wait3A] : memref<10240x128xf32, #tpu.memory_space<vmem_shared>> -> memref<640x128xf32, #tpu.memory_space<vmem_shared>>
      tpu.wait_dma2 semaphore(%run_scoped3A : memref<!tpu.dma_semaphore, #tpu.memory_space<semaphore_mem>>) src(%arg5 : memref<640x128xf32, #tpu.memory_space<hbm>>) dst(%dma_wait3A_18 : memref<640x128xf32, #tpu.memory_space<vmem_shared>>)
      tpu.yield
    }) : () -> ()
    %mul3A_1 = arith.constant 158 : i32
    %mul3A_2 = arith.muli %arg1, %mul3A_1 : i32
    %add3A = arith.constant 0 : i32
    %add3A_3 = arith.addi %mul3A_2, %add3A : i32
    "tpu.region"() ({
      %run_scoped3A = tpu.sem_alloc : memref<!tpu.dma_semaphore, #tpu.memory_space<semaphore_mem>>
      %dma_start3A_16 = arith.constant 0 : i32
      %dma_start3A_17 = tpu.memref_slice %arg3[%arg0, %add3A_3, %dma_start3A_16] : memref<2x2528x128xi32, #tpu.memory_space<hbm>> -> memref<1x1x128xi32, #tpu.memory_space<hbm>>
      %dma_start3A_18 = tpu.memref_squeeze %dma_start3A_17 : memref<1x1x128xi32, #tpu.memory_space<hbm>> -> memref<128xi32, #tpu.memory_space<hbm>>
      %dma_start3A_19 = arith.constant 0 : i32
      %dma_start3A_20 = tpu.memref_slice %arg3[%arg0, %add3A_3, %dma_start3A_19] : memref<2x2528x128xi32, #tpu.memory_space<hbm>> -> memref<1x1x128xi32, #tpu.memory_space<hbm>>
      %dma_start3A_21 = tpu.memref_squeeze %dma_start3A_20 : memref<1x1x128xi32, #tpu.memory_space<hbm>> -> memref<128xi32, #tpu.memory_space<hbm>>
      tpu.enqueue_dma source(%dma_start3A_21 : memref<128xi32, #tpu.memory_space<hbm>>) target(%arg7 : memref<128xi32, #tpu.memory_space<vmem>>) target_semaphore(%run_scoped3A : memref<!tpu.dma_semaphore, #tpu.memory_space<semaphore_mem>>)
      %dma_wait3A = arith.constant 0 : i32
      %dma_wait3A_22 = tpu.memref_slice %arg3[%arg0, %add3A_3, %dma_wait3A] : memref<2x2528x128xi32, #tpu.memory_space<hbm>> -> memref<1x1x128xi32, #tpu.memory_space<hbm>>
      %dma_wait3A_23 = tpu.memref_squeeze %dma_wait3A_22 : memref<1x1x128xi32, #tpu.memory_space<hbm>> -> memref<128xi32, #tpu.memory_space<hbm>>
      %dma_wait3A_24 = arith.constant 0 : i32
      %dma_wait3A_25 = tpu.memref_slice %arg3[%arg0, %add3A_3, %dma_wait3A_24] : memref<2x2528x128xi32, #tpu.memory_space<hbm>> -> memref<1x1x128xi32, #tpu.memory_space<hbm>>
      %dma_wait3A_26 = tpu.memref_squeeze %dma_wait3A_25 : memref<1x1x128xi32, #tpu.memory_space<hbm>> -> memref<128xi32, #tpu.memory_space<hbm>>
      tpu.wait_dma2 semaphore(%run_scoped3A : memref<!tpu.dma_semaphore, #tpu.memory_space<semaphore_mem>>) src(%dma_wait3A_26 : memref<128xi32, #tpu.memory_space<hbm>>) dst(%arg7 : memref<128xi32, #tpu.memory_space<vmem>>)
      tpu.yield
    }) : () -> ()
    "tpu.region"() ({
      %run_scoped3A = tpu.sem_alloc : memref<!tpu.dma_semaphore, #tpu.memory_space<semaphore_mem>>
      %dma_start3A_16 = arith.constant 0 : i32
      %dma_start3A_17 = tpu.memref_slice %arg4[%add3A_3, %dma_start3A_16] : memref<2528x128xi32, #tpu.memory_space<hbm>> -> memref<1x128xi32, #tpu.memory_space<hbm>>
      %dma_start3A_18 = tpu.memref_squeeze %dma_start3A_17 : memref<1x128xi32, #tpu.memory_space<hbm>> -> memref<128xi32, #tpu.memory_space<hbm>>
      %dma_start3A_19 = arith.constant 0 : i32
      %dma_start3A_20 = tpu.memref_slice %arg4[%add3A_3, %dma_start3A_19] : memref<2528x128xi32, #tpu.memory_space<hbm>> -> memref<1x128xi32, #tpu.memory_space<hbm>>
      %dma_start3A_21 = tpu.memref_squeeze %dma_start3A_20 : memref<1x128xi32, #tpu.memory_space<hbm>> -> memref<128xi32, #tpu.memory_space<hbm>>
      tpu.enqueue_dma source(%dma_start3A_21 : memref<128xi32, #tpu.memory_space<hbm>>) target(%arg9 : memref<128xi32, #tpu.memory_space<vmem>>) target_semaphore(%run_scoped3A : memref<!tpu.dma_semaphore, #tpu.memory_space<semaphore_mem>>)
      %dma_wait3A = arith.constant 0 : i32
      %dma_wait3A_22 = tpu.memref_slice %arg4[%add3A_3, %dma_wait3A] : memref<2528x128xi32, #tpu.memory_space<hbm>> -> memref<1x128xi32, #tpu.memory_space<hbm>>
      %dma_wait3A_23 = tpu.memref_squeeze %dma_wait3A_22 : memref<1x128xi32, #tpu.memory_space<hbm>> -> memref<128xi32, #tpu.memory_space<hbm>>
      %dma_wait3A_24 = arith.constant 0 : i32
      %dma_wait3A_25 = tpu.memref_slice %arg4[%add3A_3, %dma_wait3A_24] : memref<2528x128xi32, #tpu.memory_space<hbm>> -> memref<1x128xi32, #tpu.memory_space<hbm>>
      %dma_wait3A_26 = tpu.memref_squeeze %dma_wait3A_25 : memref<1x128xi32, #tpu.memory_space<hbm>> -> memref<128xi32, #tpu.memory_space<hbm>>
      tpu.wait_dma2 semaphore(%run_scoped3A : memref<!tpu.dma_semaphore, #tpu.memory_space<semaphore_mem>>) src(%dma_wait3A_26 : memref<128xi32, #tpu.memory_space<hbm>>) dst(%arg9 : memref<128xi32, #tpu.memory_space<vmem>>)
      tpu.yield
    }) : () -> ()
    %barrier3A = arith.constant 0 : index
    tpu.barrier barrier_id(%barrier3A)
    %dma_start3A = arith.constant 0 : i32
    %dma_start3A_4 = arith.constant 0 : i32
    %dma_start3A_5 = tpu.memref_slice %arg2[%dma_start3A, %dma_start3A_4] : memref<20480x128xf32, #tpu.memory_space<hbm>> -> memref<20480x128xf32, #tpu.memory_space<hbm>>
    tpu.enqueue_indirect_dma source(%dma_start3A_5 : memref<20480x128xf32, #tpu.memory_space<hbm>>) target(%arg11 : memref<128x128xf32, #tpu.memory_space<vmem>>) offsets(%arg7 : memref<128xi32, #tpu.memory_space<vmem>>) semaphore(%arg14 : memref<!tpu.dma_semaphore, #tpu.memory_space<semaphore_mem>>)
    %scan3A = arith.constant 0 : i32
    %scan3A_6 = arith.constant 0 : i32
    %scan3A_7 = arith.constant 79 : i32
    %scan3A_8 = arith.addi %scan3A_6, %scan3A_7 : i32
    %scan3A_9 = arith.constant 1 : i32
    scf.for %scan3A_16 = %scan3A_6 to %scan3A_8 step %scan3A_9  : i32 {
      %mul3A_17 = arith.constant 2 : i32
      %mul3A_18 = arith.muli %mul3A_17, %scan3A_16 : i32
      %add3A_19 = arith.constant 1 : i32
      %add3A_20 = arith.addi %mul3A_18, %add3A_19 : i32
      %mul3A_21 = arith.constant 158 : i32
      %mul3A_22 = arith.muli %arg1, %mul3A_21 : i32
      %add3A_23 = arith.addi %mul3A_22, %add3A_20 : i32
      "tpu.region"() ({
        %run_scoped3A = tpu.sem_alloc : memref<!tpu.dma_semaphore, #tpu.memory_space<semaphore_mem>>
        %dma_start3A_36 = arith.constant 0 : i32
        %dma_start3A_37 = tpu.memref_slice %arg3[%arg0, %add3A_23, %dma_start3A_36] : memref<2x2528x128xi32, #tpu.memory_space<hbm>> -> memref<1x1x128xi32, #tpu.memory_space<hbm>>
        %dma_start3A_38 = tpu.memref_squeeze %dma_start3A_37 : memref<1x1x128xi32, #tpu.memory_space<hbm>> -> memref<128xi32, #tpu.memory_space<hbm>>
        %dma_start3A_39 = arith.constant 0 : i32
        %dma_start3A_40 = tpu.memref_slice %arg3[%arg0, %add3A_23, %dma_start3A_39] : memref<2x2528x128xi32, #tpu.memory_space<hbm>> -> memref<1x1x128xi32, #tpu.memory_space<hbm>>
        %dma_start3A_41 = tpu.memref_squeeze %dma_start3A_40 : memref<1x1x128xi32, #tpu.memory_space<hbm>> -> memref<128xi32, #tpu.memory_space<hbm>>
        tpu.enqueue_dma source(%dma_start3A_41 : memref<128xi32, #tpu.memory_space<hbm>>) target(%arg8 : memref<128xi32, #tpu.memory_space<vmem>>) target_semaphore(%run_scoped3A : memref<!tpu.dma_semaphore, #tpu.memory_space<semaphore_mem>>)
        %dma_wait3A_42 = arith.constant 0 : i32
        %dma_wait3A_43 = tpu.memref_slice %arg3[%arg0, %add3A_23, %dma_wait3A_42] : memref<2x2528x128xi32, #tpu.memory_space<hbm>> -> memref<1x1x128xi32, #tpu.memory_space<hbm>>
        %dma_wait3A_44 = tpu.memref_squeeze %dma_wait3A_43 : memref<1x1x128xi32, #tpu.memory_space<hbm>> -> memref<128xi32, #tpu.memory_space<hbm>>
        %dma_wait3A_45 = arith.constant 0 : i32
        %dma_wait3A_46 = tpu.memref_slice %arg3[%arg0, %add3A_23, %dma_wait3A_45] : memref<2x2528x128xi32, #tpu.memory_space<hbm>> -> memref<1x1x128xi32, #tpu.memory_space<hbm>>
        %dma_wait3A_47 = tpu.memref_squeeze %dma_wait3A_46 : memref<1x1x128xi32, #tpu.memory_space<hbm>> -> memref<128xi32, #tpu.memory_space<hbm>>
        tpu.wait_dma2 semaphore(%run_scoped3A : memref<!tpu.dma_semaphore, #tpu.memory_space<semaphore_mem>>) src(%dma_wait3A_47 : memref<128xi32, #tpu.memory_space<hbm>>) dst(%arg8 : memref<128xi32, #tpu.memory_space<vmem>>)
        tpu.yield
      }) : () -> ()
      "tpu.region"() ({
        %run_scoped3A = tpu.sem_alloc : memref<!tpu.dma_semaphore, #tpu.memory_space<semaphore_mem>>
        %dma_start3A_36 = arith.constant 0 : i32
        %dma_start3A_37 = tpu.memref_slice %arg4[%add3A_23, %dma_start3A_36] : memref<2528x128xi32, #tpu.memory_space<hbm>> -> memref<1x128xi32, #tpu.memory_space<hbm>>
        %dma_start3A_38 = tpu.memref_squeeze %dma_start3A_37 : memref<1x128xi32, #tpu.memory_space<hbm>> -> memref<128xi32, #tpu.memory_space<hbm>>
        %dma_start3A_39 = arith.constant 0 : i32
        %dma_start3A_40 = tpu.memref_slice %arg4[%add3A_23, %dma_start3A_39] : memref<2528x128xi32, #tpu.memory_space<hbm>> -> memref<1x128xi32, #tpu.memory_space<hbm>>
        %dma_start3A_41 = tpu.memref_squeeze %dma_start3A_40 : memref<1x128xi32, #tpu.memory_space<hbm>> -> memref<128xi32, #tpu.memory_space<hbm>>
        tpu.enqueue_dma source(%dma_start3A_41 : memref<128xi32, #tpu.memory_space<hbm>>) target(%arg10 : memref<128xi32, #tpu.memory_space<vmem>>) target_semaphore(%run_scoped3A : memref<!tpu.dma_semaphore, #tpu.memory_space<semaphore_mem>>)
        %dma_wait3A_42 = arith.constant 0 : i32
        %dma_wait3A_43 = tpu.memref_slice %arg4[%add3A_23, %dma_wait3A_42] : memref<2528x128xi32, #tpu.memory_space<hbm>> -> memref<1x128xi32, #tpu.memory_space<hbm>>
        %dma_wait3A_44 = tpu.memref_squeeze %dma_wait3A_43 : memref<1x128xi32, #tpu.memory_space<hbm>> -> memref<128xi32, #tpu.memory_space<hbm>>
        %dma_wait3A_45 = arith.constant 0 : i32
        %dma_wait3A_46 = tpu.memref_slice %arg4[%add3A_23, %dma_wait3A_45] : memref<2528x128xi32, #tpu.memory_space<hbm>> -> memref<1x128xi32, #tpu.memory_space<hbm>>
        %dma_wait3A_47 = tpu.memref_squeeze %dma_wait3A_46 : memref<1x128xi32, #tpu.memory_space<hbm>> -> memref<128xi32, #tpu.memory_space<hbm>>
        tpu.wait_dma2 semaphore(%run_scoped3A : memref<!tpu.dma_semaphore, #tpu.memory_space<semaphore_mem>>) src(%dma_wait3A_47 : memref<128xi32, #tpu.memory_space<hbm>>) dst(%arg10 : memref<128xi32, #tpu.memory_space<vmem>>)
        tpu.yield
      }) : () -> ()
      %dma_start3A_24 = arith.constant 0 : i32
      %dma_start3A_25 = arith.constant 0 : i32
      %dma_start3A_26 = tpu.memref_slice %arg2[%dma_start3A_24, %dma_start3A_25] : memref<20480x128xf32, #tpu.memory_space<hbm>> -> memref<20480x128xf32, #tpu.memory_space<hbm>>
      tpu.enqueue_indirect_dma source(%dma_start3A_26 : memref<20480x128xf32, #tpu.memory_space<hbm>>) target(%arg12 : memref<128x128xf32, #tpu.memory_space<vmem>>) offsets(%arg8 : memref<128xi32, #tpu.memory_space<vmem>>) semaphore(%arg15 : memref<!tpu.dma_semaphore, #tpu.memory_space<semaphore_mem>>)
      %dma_wait3A = arith.constant 0 : i32
      %dma_wait3A_27 = arith.constant 0 : i32
      %dma_wait3A_28 = tpu.memref_slice %arg2[%dma_wait3A, %dma_wait3A_27] : memref<20480x128xf32, #tpu.memory_space<hbm>> -> memref<20480x128xf32, #tpu.memory_space<hbm>>
      tpu.wait_indirect_dma semaphore(%arg14 : memref<!tpu.dma_semaphore, #tpu.memory_space<semaphore_mem>>) src(%dma_wait3A_28 : memref<20480x128xf32, #tpu.memory_space<hbm>>) dst(%arg11 : memref<128x128xf32, #tpu.memory_space<vmem>>)
      "tpu.region"() ({
        %run_scoped3A = tpu.sem_alloc : memref<!tpu.dma_semaphore, #tpu.memory_space<semaphore_mem>>
        %dma_start3A_36 = arith.constant 0 : i32
        %dma_start3A_37 = arith.constant 0 : i32
        %dma_start3A_38 = tpu.memref_slice %arg13[%dma_start3A_36, %dma_start3A_37] : memref<10240x128xf32, #tpu.memory_space<vmem_shared>> -> memref<10240x128xf32, #tpu.memory_space<vmem_shared>>
        tpu.enqueue_indirect_dma source(%arg11 : memref<128x128xf32, #tpu.memory_space<vmem>>) target(%dma_start3A_38 : memref<10240x128xf32, #tpu.memory_space<vmem_shared>>) offsets(%arg9 : memref<128xi32, #tpu.memory_space<vmem>>) semaphore(%run_scoped3A : memref<!tpu.dma_semaphore, #tpu.memory_space<semaphore_mem>>) {add = true}
        %dma_wait3A_39 = arith.constant 0 : i32
        %dma_wait3A_40 = arith.constant 0 : i32
        %dma_wait3A_41 = tpu.memref_slice %arg13[%dma_wait3A_39, %dma_wait3A_40] : memref<10240x128xf32, #tpu.memory_space<vmem_shared>> -> memref<10240x128xf32, #tpu.memory_space<vmem_shared>>
        tpu.wait_indirect_dma semaphore(%run_scoped3A : memref<!tpu.dma_semaphore, #tpu.memory_space<semaphore_mem>>) src(%arg11 : memref<128x128xf32, #tpu.memory_space<vmem>>) dst(%dma_wait3A_41 : memref<10240x128xf32, #tpu.memory_space<vmem_shared>>)
        tpu.yield
      }) : () -> ()
      %add3A_29 = arith.constant 2 : i32
      %add3A_30 = arith.addi %mul3A_18, %add3A_29 : i32
      %lt3A = arith.constant 158 : i32
      %lt3A_31 = arith.cmpi slt, %add3A_30, %lt3A : i32
      %convert_element_type3A = arith.extui %lt3A_31 : i1 to i32
      %cond3A = arith.constant 0 : i32
      %cond3A_32 = arith.cmpi ne, %convert_element_type3A, %cond3A : i32
      scf.if %cond3A_32 {
        %add3A_36 = arith.constant 2 : i32
        %add3A_37 = arith.addi %mul3A_18, %add3A_36 : i32
        %mul3A_38 = arith.constant 158 : i32
        %mul3A_39 = arith.muli %arg1, %mul3A_38 : i32
        %add3A_40 = arith.addi %mul3A_39, %add3A_37 : i32
        "tpu.region"() ({
          %run_scoped3A = tpu.sem_alloc : memref<!tpu.dma_semaphore, #tpu.memory_space<semaphore_mem>>
          %dma_start3A_44 = arith.constant 0 : i32
          %dma_start3A_45 = tpu.memref_slice %arg3[%arg0, %add3A_40, %dma_start3A_44] : memref<2x2528x128xi32, #tpu.memory_space<hbm>> -> memref<1x1x128xi32, #tpu.memory_space<hbm>>
          %dma_start3A_46 = tpu.memref_squeeze %dma_start3A_45 : memref<1x1x128xi32, #tpu.memory_space<hbm>> -> memref<128xi32, #tpu.memory_space<hbm>>
          %dma_start3A_47 = arith.constant 0 : i32
          %dma_start3A_48 = tpu.memref_slice %arg3[%arg0, %add3A_40, %dma_start3A_47] : memref<2x2528x128xi32, #tpu.memory_space<hbm>> -> memref<1x1x128xi32, #tpu.memory_space<hbm>>
          %dma_start3A_49 = tpu.memref_squeeze %dma_start3A_48 : memref<1x1x128xi32, #tpu.memory_space<hbm>> -> memref<128xi32, #tpu.memory_space<hbm>>
          tpu.enqueue_dma source(%dma_start3A_49 : memref<128xi32, #tpu.memory_space<hbm>>) target(%arg7 : memref<128xi32, #tpu.memory_space<vmem>>) target_semaphore(%run_scoped3A : memref<!tpu.dma_semaphore, #tpu.memory_space<semaphore_mem>>)
          %dma_wait3A_50 = arith.constant 0 : i32
          %dma_wait3A_51 = tpu.memref_slice %arg3[%arg0, %add3A_40, %dma_wait3A_50] : memref<2x2528x128xi32, #tpu.memory_space<hbm>> -> memref<1x1x128xi32, #tpu.memory_space<hbm>>
          %dma_wait3A_52 = tpu.memref_squeeze %dma_wait3A_51 : memref<1x1x128xi32, #tpu.memory_space<hbm>> -> memref<128xi32, #tpu.memory_space<hbm>>
          %dma_wait3A_53 = arith.constant 0 : i32
          %dma_wait3A_54 = tpu.memref_slice %arg3[%arg0, %add3A_40, %dma_wait3A_53] : memref<2x2528x128xi32, #tpu.memory_space<hbm>> -> memref<1x1x128xi32, #tpu.memory_space<hbm>>
          %dma_wait3A_55 = tpu.memref_squeeze %dma_wait3A_54 : memref<1x1x128xi32, #tpu.memory_space<hbm>> -> memref<128xi32, #tpu.memory_space<hbm>>
          tpu.wait_dma2 semaphore(%run_scoped3A : memref<!tpu.dma_semaphore, #tpu.memory_space<semaphore_mem>>) src(%dma_wait3A_55 : memref<128xi32, #tpu.memory_space<hbm>>) dst(%arg7 : memref<128xi32, #tpu.memory_space<vmem>>)
          tpu.yield
        }) : () -> ()
        "tpu.region"() ({
          %run_scoped3A = tpu.sem_alloc : memref<!tpu.dma_semaphore, #tpu.memory_space<semaphore_mem>>
          %dma_start3A_44 = arith.constant 0 : i32
          %dma_start3A_45 = tpu.memref_slice %arg4[%add3A_40, %dma_start3A_44] : memref<2528x128xi32, #tpu.memory_space<hbm>> -> memref<1x128xi32, #tpu.memory_space<hbm>>
          %dma_start3A_46 = tpu.memref_squeeze %dma_start3A_45 : memref<1x128xi32, #tpu.memory_space<hbm>> -> memref<128xi32, #tpu.memory_space<hbm>>
          %dma_start3A_47 = arith.constant 0 : i32
          %dma_start3A_48 = tpu.memref_slice %arg4[%add3A_40, %dma_start3A_47] : memref<2528x128xi32, #tpu.memory_space<hbm>> -> memref<1x128xi32, #tpu.memory_space<hbm>>
          %dma_start3A_49 = tpu.memref_squeeze %dma_start3A_48 : memref<1x128xi32, #tpu.memory_space<hbm>> -> memref<128xi32, #tpu.memory_space<hbm>>
          tpu.enqueue_dma source(%dma_start3A_49 : memref<128xi32, #tpu.memory_space<hbm>>) target(%arg9 : memref<128xi32, #tpu.memory_space<vmem>>) target_semaphore(%run_scoped3A : memref<!tpu.dma_semaphore, #tpu.memory_space<semaphore_mem>>)
          %dma_wait3A_50 = arith.constant 0 : i32
          %dma_wait3A_51 = tpu.memref_slice %arg4[%add3A_40, %dma_wait3A_50] : memref<2528x128xi32, #tpu.memory_space<hbm>> -> memref<1x128xi32, #tpu.memory_space<hbm>>
          %dma_wait3A_52 = tpu.memref_squeeze %dma_wait3A_51 : memref<1x128xi32, #tpu.memory_space<hbm>> -> memref<128xi32, #tpu.memory_space<hbm>>
          %dma_wait3A_53 = arith.constant 0 : i32
          %dma_wait3A_54 = tpu.memref_slice %arg4[%add3A_40, %dma_wait3A_53] : memref<2528x128xi32, #tpu.memory_space<hbm>> -> memref<1x128xi32, #tpu.memory_space<hbm>>
          %dma_wait3A_55 = tpu.memref_squeeze %dma_wait3A_54 : memref<1x128xi32, #tpu.memory_space<hbm>> -> memref<128xi32, #tpu.memory_space<hbm>>
          tpu.wait_dma2 semaphore(%run_scoped3A : memref<!tpu.dma_semaphore, #tpu.memory_space<semaphore_mem>>) src(%dma_wait3A_55 : memref<128xi32, #tpu.memory_space<hbm>>) dst(%arg9 : memref<128xi32, #tpu.memory_space<vmem>>)
          tpu.yield
        }) : () -> ()
        %dma_start3A_41 = arith.constant 0 : i32
        %dma_start3A_42 = arith.constant 0 : i32
        %dma_start3A_43 = tpu.memref_slice %arg2[%dma_start3A_41, %dma_start3A_42] : memref<20480x128xf32, #tpu.memory_space<hbm>> -> memref<20480x128xf32, #tpu.memory_space<hbm>>
        tpu.enqueue_indirect_dma source(%dma_start3A_43 : memref<20480x128xf32, #tpu.memory_space<hbm>>) target(%arg11 : memref<128x128xf32, #tpu.memory_space<vmem>>) offsets(%arg7 : memref<128xi32, #tpu.memory_space<vmem>>) semaphore(%arg14 : memref<!tpu.dma_semaphore, #tpu.memory_space<semaphore_mem>>)
      } else {
      }
      %dma_wait3A_33 = arith.constant 0 : i32
      %dma_wait3A_34 = arith.constant 0 : i32
      %dma_wait3A_35 = tpu.memref_slice %arg2[%dma_wait3A_33, %dma_wait3A_34] : memref<20480x128xf32, #tpu.memory_space<hbm>> -> memref<20480x128xf32, #tpu.memory_space<hbm>>
      tpu.wait_indirect_dma semaphore(%arg15 : memref<!tpu.dma_semaphore, #tpu.memory_space<semaphore_mem>>) src(%dma_wait3A_35 : memref<20480x128xf32, #tpu.memory_space<hbm>>) dst(%arg12 : memref<128x128xf32, #tpu.memory_space<vmem>>)
      "tpu.region"() ({
        %run_scoped3A = tpu.sem_alloc : memref<!tpu.dma_semaphore, #tpu.memory_space<semaphore_mem>>
        %dma_start3A_36 = arith.constant 0 : i32
        %dma_start3A_37 = arith.constant 0 : i32
        %dma_start3A_38 = tpu.memref_slice %arg13[%dma_start3A_36, %dma_start3A_37] : memref<10240x128xf32, #tpu.memory_space<vmem_shared>> -> memref<10240x128xf32, #tpu.memory_space<vmem_shared>>
        tpu.enqueue_indirect_dma source(%arg12 : memref<128x128xf32, #tpu.memory_space<vmem>>) target(%dma_start3A_38 : memref<10240x128xf32, #tpu.memory_space<vmem_shared>>) offsets(%arg10 : memref<128xi32, #tpu.memory_space<vmem>>) semaphore(%run_scoped3A : memref<!tpu.dma_semaphore, #tpu.memory_space<semaphore_mem>>) {add = true}
        %dma_wait3A_39 = arith.constant 0 : i32
        %dma_wait3A_40 = arith.constant 0 : i32
        %dma_wait3A_41 = tpu.memref_slice %arg13[%dma_wait3A_39, %dma_wait3A_40] : memref<10240x128xf32, #tpu.memory_space<vmem_shared>> -> memref<10240x128xf32, #tpu.memory_space<vmem_shared>>
        tpu.wait_indirect_dma semaphore(%run_scoped3A : memref<!tpu.dma_semaphore, #tpu.memory_space<semaphore_mem>>) src(%arg12 : memref<128x128xf32, #tpu.memory_space<vmem>>) dst(%dma_wait3A_41 : memref<10240x128xf32, #tpu.memory_space<vmem_shared>>)
        tpu.yield
      }) : () -> ()
    }
    %scan3A_10 = arith.constant 79 : i32
    %barrier3A_11 = arith.constant 0 : index
    tpu.barrier barrier_id(%barrier3A_11)
    %mul3A_12 = arith.constant 640 : i32
    %mul3A_13 = arith.muli %arg1, %mul3A_12 : i32
    %mul3A_14 = arith.constant 640 : i32
    %mul3A_15 = arith.muli %arg1, %mul3A_14 : i32
    "tpu.region"() ({
      %run_scoped3A = tpu.sem_alloc : memref<!tpu.dma_semaphore, #tpu.memory_space<semaphore_mem>>
      %dma_start3A_16 = arith.constant 0 : i32
      %dma_start3A_17 = tpu.memref_slice %arg6[%arg0, %mul3A_15, %dma_start3A_16] : memref<2x10240x128xf32, #tpu.memory_space<hbm>> -> memref<1x640x128xf32, #tpu.memory_space<hbm>>
      %dma_start3A_18 = tpu.memref_squeeze %dma_start3A_17 : memref<1x640x128xf32, #tpu.memory_space<hbm>> -> memref<640x128xf32, #tpu.memory_space<hbm>>
      %dma_start3A_19 = arith.constant 0 : i32
      %dma_start3A_20 = tpu.memref_slice %arg13[%mul3A_13, %dma_start3A_19] : memref<10240x128xf32, #tpu.memory_space<vmem_shared>> -> memref<640x128xf32, #tpu.memory_space<vmem_shared>>
      tpu.enqueue_dma source(%dma_start3A_20 : memref<640x128xf32, #tpu.memory_space<vmem_shared>>) target(%dma_start3A_18 : memref<640x128xf32, #tpu.memory_space<hbm>>) target_semaphore(%run_scoped3A : memref<!tpu.dma_semaphore, #tpu.memory_space<semaphore_mem>>)
      %dma_wait3A = arith.constant 0 : i32
      %dma_wait3A_21 = tpu.memref_slice %arg6[%arg0, %mul3A_15, %dma_wait3A] : memref<2x10240x128xf32, #tpu.memory_space<hbm>> -> memref<1x640x128xf32, #tpu.memory_space<hbm>>
      %dma_wait3A_22 = tpu.memref_squeeze %dma_wait3A_21 : memref<1x640x128xf32, #tpu.memory_space<hbm>> -> memref<640x128xf32, #tpu.memory_space<hbm>>
      %dma_wait3A_23 = arith.constant 0 : i32
      %dma_wait3A_24 = tpu.memref_slice %arg13[%mul3A_13, %dma_wait3A_23] : memref<10240x128xf32, #tpu.memory_space<vmem_shared>> -> memref<640x128xf32, #tpu.memory_space<vmem_shared>>
      tpu.wait_dma2 semaphore(%run_scoped3A : memref<!tpu.dma_semaphore, #tpu.memory_space<semaphore_mem>>) src(%dma_wait3A_24 : memref<640x128xf32, #tpu.memory_space<vmem_shared>>) dst(%dma_wait3A_22 : memref<640x128xf32, #tpu.memory_space<hbm>>)
      tpu.yield
    }) : () -> ()
    return
  }
}

#map = affine_map<(d0, d1) -> (0, 0)>
#map1 = affine_map<(d0, d1) -> (0, 0, 0)>
module attributes {stable_mosaic.version = 14 : i64} {
  func.func @agg(%arg0: i32, %arg1: i32, %arg2: memref<20480x128xf32, #tpu.memory_space<hbm>>, %arg3: memref<2x2528x128xi32, #tpu.memory_space<hbm>>, %arg4: memref<2528x128xi32, #tpu.memory_space<hbm>>, %arg5: memref<640x128xf32, #tpu.memory_space<hbm>>, %arg6: memref<2x10240x128xf32, #tpu.memory_space<hbm>>, %arg7: memref<128xi32, #tpu.memory_space<vmem>>, %arg8: memref<128xi32, #tpu.memory_space<vmem>>, %arg9: memref<128xi32, #tpu.memory_space<vmem>>, %arg10: memref<128xi32, #tpu.memory_space<vmem>>, %arg11: memref<128x128xf32, #tpu.memory_space<vmem>>, %arg12: memref<128x128xf32, #tpu.memory_space<vmem>>, %arg13: memref<10240x128xf32, #tpu.memory_space<vmem_shared>>, %arg14: memref<!tpu.dma_semaphore, #tpu.memory_space<semaphore_mem>>, %arg15: memref<!tpu.dma_semaphore, #tpu.memory_space<semaphore_mem>>) attributes {dimension_semantics = [#tpu.dimension_semantics<core_parallel>, #tpu.dimension_semantics<subcore_parallel>], iteration_bounds = array<i64: 2, 16>, scalar_prefetch = 0 : i64, scratch_operands = 9 : i64, tpu.core_type = #tpu.core_type<sc_vector_subcore>, window_params = [{transform_indices = #map}, {transform_indices = #map1}, {transform_indices = #map}, {transform_indices = #map}, {transform_indices = #map1}]} {
    %mul3A = arith.constant 640 : i32
    %mul3A_0 = arith.muli %arg1, %mul3A : i32
    "tpu.region"() ({
      %run_scoped3A = tpu.sem_alloc : memref<!tpu.dma_semaphore, #tpu.memory_space<semaphore_mem>>
      %dma_start3A_16 = arith.constant 0 : i32
      %dma_start3A_17 = tpu.memref_slice %arg13[%mul3A_0, %dma_start3A_16] : memref<10240x128xf32, #tpu.memory_space<vmem_shared>> -> memref<640x128xf32, #tpu.memory_space<vmem_shared>>
      tpu.enqueue_dma source(%arg5 : memref<640x128xf32, #tpu.memory_space<hbm>>) target(%dma_start3A_17 : memref<640x128xf32, #tpu.memory_space<vmem_shared>>) target_semaphore(%run_scoped3A : memref<!tpu.dma_semaphore, #tpu.memory_space<semaphore_mem>>)
      %dma_wait3A = arith.constant 0 : i32
      %dma_wait3A_18 = tpu.memref_slice %arg13[%mul3A_0, %dma_wait3A] : memref<10240x128xf32, #tpu.memory_space<vmem_shared>> -> memref<640x128xf32, #tpu.memory_space<vmem_shared>>
      tpu.wait_dma2 semaphore(%run_scoped3A : memref<!tpu.dma_semaphore, #tpu.memory_space<semaphore_mem>>) src(%arg5 : memref<640x128xf32, #tpu.memory_space<hbm>>) dst(%dma_wait3A_18 : memref<640x128xf32, #tpu.memory_space<vmem_shared>>)
      tpu.yield
    }) : () -> ()
    %mul3A_1 = arith.constant 158 : i32
    %mul3A_2 = arith.muli %arg1, %mul3A_1 : i32
    %add3A = arith.constant 0 : i32
    %add3A_3 = arith.addi %mul3A_2, %add3A : i32
    "tpu.region"() ({
      %run_scoped3A = tpu.sem_alloc : memref<!tpu.dma_semaphore, #tpu.memory_space<semaphore_mem>>
      %dma_start3A_16 = arith.constant 0 : i32
      %dma_start3A_17 = tpu.memref_slice %arg3[%arg0, %add3A_3, %dma_start3A_16] : memref<2x2528x128xi32, #tpu.memory_space<hbm>> -> memref<1x1x128xi32, #tpu.memory_space<hbm>>
      %dma_start3A_18 = tpu.memref_squeeze %dma_start3A_17 : memref<1x1x128xi32, #tpu.memory_space<hbm>> -> memref<128xi32, #tpu.memory_space<hbm>>
      %dma_start3A_19 = arith.constant 0 : i32
      %dma_start3A_20 = tpu.memref_slice %arg3[%arg0, %add3A_3, %dma_start3A_19] : memref<2x2528x128xi32, #tpu.memory_space<hbm>> -> memref<1x1x128xi32, #tpu.memory_space<hbm>>
      %dma_start3A_21 = tpu.memref_squeeze %dma_start3A_20 : memref<1x1x128xi32, #tpu.memory_space<hbm>> -> memref<128xi32, #tpu.memory_space<hbm>>
      tpu.enqueue_dma source(%dma_start3A_21 : memref<128xi32, #tpu.memory_space<hbm>>) target(%arg7 : memref<128xi32, #tpu.memory_space<vmem>>) target_semaphore(%run_scoped3A : memref<!tpu.dma_semaphore, #tpu.memory_space<semaphore_mem>>)
      %dma_wait3A = arith.constant 0 : i32
      %dma_wait3A_22 = tpu.memref_slice %arg3[%arg0, %add3A_3, %dma_wait3A] : memref<2x2528x128xi32, #tpu.memory_space<hbm>> -> memref<1x1x128xi32, #tpu.memory_space<hbm>>
      %dma_wait3A_23 = tpu.memref_squeeze %dma_wait3A_22 : memref<1x1x128xi32, #tpu.memory_space<hbm>> -> memref<128xi32, #tpu.memory_space<hbm>>
      %dma_wait3A_24 = arith.constant 0 : i32
      %dma_wait3A_25 = tpu.memref_slice %arg3[%arg0, %add3A_3, %dma_wait3A_24] : memref<2x2528x128xi32, #tpu.memory_space<hbm>> -> memref<1x1x128xi32, #tpu.memory_space<hbm>>
      %dma_wait3A_26 = tpu.memref_squeeze %dma_wait3A_25 : memref<1x1x128xi32, #tpu.memory_space<hbm>> -> memref<128xi32, #tpu.memory_space<hbm>>
      tpu.wait_dma2 semaphore(%run_scoped3A : memref<!tpu.dma_semaphore, #tpu.memory_space<semaphore_mem>>) src(%dma_wait3A_26 : memref<128xi32, #tpu.memory_space<hbm>>) dst(%arg7 : memref<128xi32, #tpu.memory_space<vmem>>)
      tpu.yield
    }) : () -> ()
    "tpu.region"() ({
      %run_scoped3A = tpu.sem_alloc : memref<!tpu.dma_semaphore, #tpu.memory_space<semaphore_mem>>
      %dma_start3A_16 = arith.constant 0 : i32
      %dma_start3A_17 = tpu.memref_slice %arg4[%add3A_3, %dma_start3A_16] : memref<2528x128xi32, #tpu.memory_space<hbm>> -> memref<1x128xi32, #tpu.memory_space<hbm>>
      %dma_start3A_18 = tpu.memref_squeeze %dma_start3A_17 : memref<1x128xi32, #tpu.memory_space<hbm>> -> memref<128xi32, #tpu.memory_space<hbm>>
      %dma_start3A_19 = arith.constant 0 : i32
      %dma_start3A_20 = tpu.memref_slice %arg4[%add3A_3, %dma_start3A_19] : memref<2528x128xi32, #tpu.memory_space<hbm>> -> memref<1x128xi32, #tpu.memory_space<hbm>>
      %dma_start3A_21 = tpu.memref_squeeze %dma_start3A_20 : memref<1x128xi32, #tpu.memory_space<hbm>> -> memref<128xi32, #tpu.memory_space<hbm>>
      tpu.enqueue_dma source(%dma_start3A_21 : memref<128xi32, #tpu.memory_space<hbm>>) target(%arg9 : memref<128xi32, #tpu.memory_space<vmem>>) target_semaphore(%run_scoped3A : memref<!tpu.dma_semaphore, #tpu.memory_space<semaphore_mem>>)
      %dma_wait3A = arith.constant 0 : i32
      %dma_wait3A_22 = tpu.memref_slice %arg4[%add3A_3, %dma_wait3A] : memref<2528x128xi32, #tpu.memory_space<hbm>> -> memref<1x128xi32, #tpu.memory_space<hbm>>
      %dma_wait3A_23 = tpu.memref_squeeze %dma_wait3A_22 : memref<1x128xi32, #tpu.memory_space<hbm>> -> memref<128xi32, #tpu.memory_space<hbm>>
      %dma_wait3A_24 = arith.constant 0 : i32
      %dma_wait3A_25 = tpu.memref_slice %arg4[%add3A_3, %dma_wait3A_24] : memref<2528x128xi32, #tpu.memory_space<hbm>> -> memref<1x128xi32, #tpu.memory_space<hbm>>
      %dma_wait3A_26 = tpu.memref_squeeze %dma_wait3A_25 : memref<1x128xi32, #tpu.memory_space<hbm>> -> memref<128xi32, #tpu.memory_space<hbm>>
      tpu.wait_dma2 semaphore(%run_scoped3A : memref<!tpu.dma_semaphore, #tpu.memory_space<semaphore_mem>>) src(%dma_wait3A_26 : memref<128xi32, #tpu.memory_space<hbm>>) dst(%arg9 : memref<128xi32, #tpu.memory_space<vmem>>)
      tpu.yield
    }) : () -> ()
    %barrier3A = arith.constant 0 : index
    tpu.barrier barrier_id(%barrier3A)
    %dma_start3A = arith.constant 0 : i32
    %dma_start3A_4 = arith.constant 0 : i32
    %dma_start3A_5 = tpu.memref_slice %arg2[%dma_start3A, %dma_start3A_4] : memref<20480x128xf32, #tpu.memory_space<hbm>> -> memref<20480x128xf32, #tpu.memory_space<hbm>>
    tpu.enqueue_indirect_dma source(%dma_start3A_5 : memref<20480x128xf32, #tpu.memory_space<hbm>>) target(%arg11 : memref<128x128xf32, #tpu.memory_space<vmem>>) offsets(%arg7 : memref<128xi32, #tpu.memory_space<vmem>>) semaphore(%arg14 : memref<!tpu.dma_semaphore, #tpu.memory_space<semaphore_mem>>)
    %scan3A = arith.constant 0 : i32
    %scan3A_6 = arith.constant 0 : i32
    %scan3A_7 = arith.constant 79 : i32
    %scan3A_8 = arith.addi %scan3A_6, %scan3A_7 : i32
    %scan3A_9 = arith.constant 1 : i32
    scf.for %scan3A_16 = %scan3A_6 to %scan3A_8 step %scan3A_9  : i32 {
      %mul3A_17 = arith.constant 2 : i32
      %mul3A_18 = arith.muli %mul3A_17, %scan3A_16 : i32
      %add3A_19 = arith.constant 1 : i32
      %add3A_20 = arith.addi %mul3A_18, %add3A_19 : i32
      %mul3A_21 = arith.constant 158 : i32
      %mul3A_22 = arith.muli %arg1, %mul3A_21 : i32
      %add3A_23 = arith.addi %mul3A_22, %add3A_20 : i32
      "tpu.region"() ({
        %run_scoped3A = tpu.sem_alloc : memref<!tpu.dma_semaphore, #tpu.memory_space<semaphore_mem>>
        %dma_start3A_36 = arith.constant 0 : i32
        %dma_start3A_37 = tpu.memref_slice %arg3[%arg0, %add3A_23, %dma_start3A_36] : memref<2x2528x128xi32, #tpu.memory_space<hbm>> -> memref<1x1x128xi32, #tpu.memory_space<hbm>>
        %dma_start3A_38 = tpu.memref_squeeze %dma_start3A_37 : memref<1x1x128xi32, #tpu.memory_space<hbm>> -> memref<128xi32, #tpu.memory_space<hbm>>
        %dma_start3A_39 = arith.constant 0 : i32
        %dma_start3A_40 = tpu.memref_slice %arg3[%arg0, %add3A_23, %dma_start3A_39] : memref<2x2528x128xi32, #tpu.memory_space<hbm>> -> memref<1x1x128xi32, #tpu.memory_space<hbm>>
        %dma_start3A_41 = tpu.memref_squeeze %dma_start3A_40 : memref<1x1x128xi32, #tpu.memory_space<hbm>> -> memref<128xi32, #tpu.memory_space<hbm>>
        tpu.enqueue_dma source(%dma_start3A_41 : memref<128xi32, #tpu.memory_space<hbm>>) target(%arg8 : memref<128xi32, #tpu.memory_space<vmem>>) target_semaphore(%run_scoped3A : memref<!tpu.dma_semaphore, #tpu.memory_space<semaphore_mem>>)
        %dma_wait3A_42 = arith.constant 0 : i32
        %dma_wait3A_43 = tpu.memref_slice %arg3[%arg0, %add3A_23, %dma_wait3A_42] : memref<2x2528x128xi32, #tpu.memory_space<hbm>> -> memref<1x1x128xi32, #tpu.memory_space<hbm>>
        %dma_wait3A_44 = tpu.memref_squeeze %dma_wait3A_43 : memref<1x1x128xi32, #tpu.memory_space<hbm>> -> memref<128xi32, #tpu.memory_space<hbm>>
        %dma_wait3A_45 = arith.constant 0 : i32
        %dma_wait3A_46 = tpu.memref_slice %arg3[%arg0, %add3A_23, %dma_wait3A_45] : memref<2x2528x128xi32, #tpu.memory_space<hbm>> -> memref<1x1x128xi32, #tpu.memory_space<hbm>>
        %dma_wait3A_47 = tpu.memref_squeeze %dma_wait3A_46 : memref<1x1x128xi32, #tpu.memory_space<hbm>> -> memref<128xi32, #tpu.memory_space<hbm>>
        tpu.wait_dma2 semaphore(%run_scoped3A : memref<!tpu.dma_semaphore, #tpu.memory_space<semaphore_mem>>) src(%dma_wait3A_47 : memref<128xi32, #tpu.memory_space<hbm>>) dst(%arg8 : memref<128xi32, #tpu.memory_space<vmem>>)
        tpu.yield
      }) : () -> ()
      "tpu.region"() ({
        %run_scoped3A = tpu.sem_alloc : memref<!tpu.dma_semaphore, #tpu.memory_space<semaphore_mem>>
        %dma_start3A_36 = arith.constant 0 : i32
        %dma_start3A_37 = tpu.memref_slice %arg4[%add3A_23, %dma_start3A_36] : memref<2528x128xi32, #tpu.memory_space<hbm>> -> memref<1x128xi32, #tpu.memory_space<hbm>>
        %dma_start3A_38 = tpu.memref_squeeze %dma_start3A_37 : memref<1x128xi32, #tpu.memory_space<hbm>> -> memref<128xi32, #tpu.memory_space<hbm>>
        %dma_start3A_39 = arith.constant 0 : i32
        %dma_start3A_40 = tpu.memref_slice %arg4[%add3A_23, %dma_start3A_39] : memref<2528x128xi32, #tpu.memory_space<hbm>> -> memref<1x128xi32, #tpu.memory_space<hbm>>
        %dma_start3A_41 = tpu.memref_squeeze %dma_start3A_40 : memref<1x128xi32, #tpu.memory_space<hbm>> -> memref<128xi32, #tpu.memory_space<hbm>>
        tpu.enqueue_dma source(%dma_start3A_41 : memref<128xi32, #tpu.memory_space<hbm>>) target(%arg10 : memref<128xi32, #tpu.memory_space<vmem>>) target_semaphore(%run_scoped3A : memref<!tpu.dma_semaphore, #tpu.memory_space<semaphore_mem>>)
        %dma_wait3A_42 = arith.constant 0 : i32
        %dma_wait3A_43 = tpu.memref_slice %arg4[%add3A_23, %dma_wait3A_42] : memref<2528x128xi32, #tpu.memory_space<hbm>> -> memref<1x128xi32, #tpu.memory_space<hbm>>
        %dma_wait3A_44 = tpu.memref_squeeze %dma_wait3A_43 : memref<1x128xi32, #tpu.memory_space<hbm>> -> memref<128xi32, #tpu.memory_space<hbm>>
        %dma_wait3A_45 = arith.constant 0 : i32
        %dma_wait3A_46 = tpu.memref_slice %arg4[%add3A_23, %dma_wait3A_45] : memref<2528x128xi32, #tpu.memory_space<hbm>> -> memref<1x128xi32, #tpu.memory_space<hbm>>
        %dma_wait3A_47 = tpu.memref_squeeze %dma_wait3A_46 : memref<1x128xi32, #tpu.memory_space<hbm>> -> memref<128xi32, #tpu.memory_space<hbm>>
        tpu.wait_dma2 semaphore(%run_scoped3A : memref<!tpu.dma_semaphore, #tpu.memory_space<semaphore_mem>>) src(%dma_wait3A_47 : memref<128xi32, #tpu.memory_space<hbm>>) dst(%arg10 : memref<128xi32, #tpu.memory_space<vmem>>)
        tpu.yield
      }) : () -> ()
      %dma_start3A_24 = arith.constant 0 : i32
      %dma_start3A_25 = arith.constant 0 : i32
      %dma_start3A_26 = tpu.memref_slice %arg2[%dma_start3A_24, %dma_start3A_25] : memref<20480x128xf32, #tpu.memory_space<hbm>> -> memref<20480x128xf32, #tpu.memory_space<hbm>>
      tpu.enqueue_indirect_dma source(%dma_start3A_26 : memref<20480x128xf32, #tpu.memory_space<hbm>>) target(%arg12 : memref<128x128xf32, #tpu.memory_space<vmem>>) offsets(%arg8 : memref<128xi32, #tpu.memory_space<vmem>>) semaphore(%arg15 : memref<!tpu.dma_semaphore, #tpu.memory_space<semaphore_mem>>)
      %dma_wait3A = arith.constant 0 : i32
      %dma_wait3A_27 = arith.constant 0 : i32
      %dma_wait3A_28 = tpu.memref_slice %arg2[%dma_wait3A, %dma_wait3A_27] : memref<20480x128xf32, #tpu.memory_space<hbm>> -> memref<20480x128xf32, #tpu.memory_space<hbm>>
      tpu.wait_indirect_dma semaphore(%arg14 : memref<!tpu.dma_semaphore, #tpu.memory_space<semaphore_mem>>) src(%dma_wait3A_28 : memref<20480x128xf32, #tpu.memory_space<hbm>>) dst(%arg11 : memref<128x128xf32, #tpu.memory_space<vmem>>)
      "tpu.region"() ({
        %run_scoped3A = tpu.sem_alloc : memref<!tpu.dma_semaphore, #tpu.memory_space<semaphore_mem>>
        %dma_start3A_36 = arith.constant 0 : i32
        %dma_start3A_37 = arith.constant 0 : i32
        %dma_start3A_38 = tpu.memref_slice %arg13[%dma_start3A_36, %dma_start3A_37] : memref<10240x128xf32, #tpu.memory_space<vmem_shared>> -> memref<10240x128xf32, #tpu.memory_space<vmem_shared>>
        tpu.enqueue_indirect_dma source(%arg11 : memref<128x128xf32, #tpu.memory_space<vmem>>) target(%dma_start3A_38 : memref<10240x128xf32, #tpu.memory_space<vmem_shared>>) offsets(%arg9 : memref<128xi32, #tpu.memory_space<vmem>>) semaphore(%run_scoped3A : memref<!tpu.dma_semaphore, #tpu.memory_space<semaphore_mem>>) {add = true}
        %dma_wait3A_39 = arith.constant 0 : i32
        %dma_wait3A_40 = arith.constant 0 : i32
        %dma_wait3A_41 = tpu.memref_slice %arg13[%dma_wait3A_39, %dma_wait3A_40] : memref<10240x128xf32, #tpu.memory_space<vmem_shared>> -> memref<10240x128xf32, #tpu.memory_space<vmem_shared>>
        tpu.wait_indirect_dma semaphore(%run_scoped3A : memref<!tpu.dma_semaphore, #tpu.memory_space<semaphore_mem>>) src(%arg11 : memref<128x128xf32, #tpu.memory_space<vmem>>) dst(%dma_wait3A_41 : memref<10240x128xf32, #tpu.memory_space<vmem_shared>>)
        tpu.yield
      }) : () -> ()
      %add3A_29 = arith.constant 2 : i32
      %add3A_30 = arith.addi %mul3A_18, %add3A_29 : i32
      %lt3A = arith.constant 158 : i32
      %lt3A_31 = arith.cmpi slt, %add3A_30, %lt3A : i32
      %convert_element_type3A = arith.extui %lt3A_31 : i1 to i32
      %cond3A = arith.constant 0 : i32
      %cond3A_32 = arith.cmpi ne, %convert_element_type3A, %cond3A : i32
      scf.if %cond3A_32 {
        %add3A_36 = arith.constant 2 : i32
        %add3A_37 = arith.addi %mul3A_18, %add3A_36 : i32
        %mul3A_38 = arith.constant 158 : i32
        %mul3A_39 = arith.muli %arg1, %mul3A_38 : i32
        %add3A_40 = arith.addi %mul3A_39, %add3A_37 : i32
        "tpu.region"() ({
          %run_scoped3A = tpu.sem_alloc : memref<!tpu.dma_semaphore, #tpu.memory_space<semaphore_mem>>
          %dma_start3A_44 = arith.constant 0 : i32
          %dma_start3A_45 = tpu.memref_slice %arg3[%arg0, %add3A_40, %dma_start3A_44] : memref<2x2528x128xi32, #tpu.memory_space<hbm>> -> memref<1x1x128xi32, #tpu.memory_space<hbm>>
          %dma_start3A_46 = tpu.memref_squeeze %dma_start3A_45 : memref<1x1x128xi32, #tpu.memory_space<hbm>> -> memref<128xi32, #tpu.memory_space<hbm>>
          %dma_start3A_47 = arith.constant 0 : i32
          %dma_start3A_48 = tpu.memref_slice %arg3[%arg0, %add3A_40, %dma_start3A_47] : memref<2x2528x128xi32, #tpu.memory_space<hbm>> -> memref<1x1x128xi32, #tpu.memory_space<hbm>>
          %dma_start3A_49 = tpu.memref_squeeze %dma_start3A_48 : memref<1x1x128xi32, #tpu.memory_space<hbm>> -> memref<128xi32, #tpu.memory_space<hbm>>
          tpu.enqueue_dma source(%dma_start3A_49 : memref<128xi32, #tpu.memory_space<hbm>>) target(%arg7 : memref<128xi32, #tpu.memory_space<vmem>>) target_semaphore(%run_scoped3A : memref<!tpu.dma_semaphore, #tpu.memory_space<semaphore_mem>>)
          %dma_wait3A_50 = arith.constant 0 : i32
          %dma_wait3A_51 = tpu.memref_slice %arg3[%arg0, %add3A_40, %dma_wait3A_50] : memref<2x2528x128xi32, #tpu.memory_space<hbm>> -> memref<1x1x128xi32, #tpu.memory_space<hbm>>
          %dma_wait3A_52 = tpu.memref_squeeze %dma_wait3A_51 : memref<1x1x128xi32, #tpu.memory_space<hbm>> -> memref<128xi32, #tpu.memory_space<hbm>>
          %dma_wait3A_53 = arith.constant 0 : i32
          %dma_wait3A_54 = tpu.memref_slice %arg3[%arg0, %add3A_40, %dma_wait3A_53] : memref<2x2528x128xi32, #tpu.memory_space<hbm>> -> memref<1x1x128xi32, #tpu.memory_space<hbm>>
          %dma_wait3A_55 = tpu.memref_squeeze %dma_wait3A_54 : memref<1x1x128xi32, #tpu.memory_space<hbm>> -> memref<128xi32, #tpu.memory_space<hbm>>
          tpu.wait_dma2 semaphore(%run_scoped3A : memref<!tpu.dma_semaphore, #tpu.memory_space<semaphore_mem>>) src(%dma_wait3A_55 : memref<128xi32, #tpu.memory_space<hbm>>) dst(%arg7 : memref<128xi32, #tpu.memory_space<vmem>>)
          tpu.yield
        }) : () -> ()
        "tpu.region"() ({
          %run_scoped3A = tpu.sem_alloc : memref<!tpu.dma_semaphore, #tpu.memory_space<semaphore_mem>>
          %dma_start3A_44 = arith.constant 0 : i32
          %dma_start3A_45 = tpu.memref_slice %arg4[%add3A_40, %dma_start3A_44] : memref<2528x128xi32, #tpu.memory_space<hbm>> -> memref<1x128xi32, #tpu.memory_space<hbm>>
          %dma_start3A_46 = tpu.memref_squeeze %dma_start3A_45 : memref<1x128xi32, #tpu.memory_space<hbm>> -> memref<128xi32, #tpu.memory_space<hbm>>
          %dma_start3A_47 = arith.constant 0 : i32
          %dma_start3A_48 = tpu.memref_slice %arg4[%add3A_40, %dma_start3A_47] : memref<2528x128xi32, #tpu.memory_space<hbm>> -> memref<1x128xi32, #tpu.memory_space<hbm>>
          %dma_start3A_49 = tpu.memref_squeeze %dma_start3A_48 : memref<1x128xi32, #tpu.memory_space<hbm>> -> memref<128xi32, #tpu.memory_space<hbm>>
          tpu.enqueue_dma source(%dma_start3A_49 : memref<128xi32, #tpu.memory_space<hbm>>) target(%arg9 : memref<128xi32, #tpu.memory_space<vmem>>) target_semaphore(%run_scoped3A : memref<!tpu.dma_semaphore, #tpu.memory_space<semaphore_mem>>)
          %dma_wait3A_50 = arith.constant 0 : i32
          %dma_wait3A_51 = tpu.memref_slice %arg4[%add3A_40, %dma_wait3A_50] : memref<2528x128xi32, #tpu.memory_space<hbm>> -> memref<1x128xi32, #tpu.memory_space<hbm>>
          %dma_wait3A_52 = tpu.memref_squeeze %dma_wait3A_51 : memref<1x128xi32, #tpu.memory_space<hbm>> -> memref<128xi32, #tpu.memory_space<hbm>>
          %dma_wait3A_53 = arith.constant 0 : i32
          %dma_wait3A_54 = tpu.memref_slice %arg4[%add3A_40, %dma_wait3A_53] : memref<2528x128xi32, #tpu.memory_space<hbm>> -> memref<1x128xi32, #tpu.memory_space<hbm>>
          %dma_wait3A_55 = tpu.memref_squeeze %dma_wait3A_54 : memref<1x128xi32, #tpu.memory_space<hbm>> -> memref<128xi32, #tpu.memory_space<hbm>>
          tpu.wait_dma2 semaphore(%run_scoped3A : memref<!tpu.dma_semaphore, #tpu.memory_space<semaphore_mem>>) src(%dma_wait3A_55 : memref<128xi32, #tpu.memory_space<hbm>>) dst(%arg9 : memref<128xi32, #tpu.memory_space<vmem>>)
          tpu.yield
        }) : () -> ()
        %dma_start3A_41 = arith.constant 0 : i32
        %dma_start3A_42 = arith.constant 0 : i32
        %dma_start3A_43 = tpu.memref_slice %arg2[%dma_start3A_41, %dma_start3A_42] : memref<20480x128xf32, #tpu.memory_space<hbm>> -> memref<20480x128xf32, #tpu.memory_space<hbm>>
        tpu.enqueue_indirect_dma source(%dma_start3A_43 : memref<20480x128xf32, #tpu.memory_space<hbm>>) target(%arg11 : memref<128x128xf32, #tpu.memory_space<vmem>>) offsets(%arg7 : memref<128xi32, #tpu.memory_space<vmem>>) semaphore(%arg14 : memref<!tpu.dma_semaphore, #tpu.memory_space<semaphore_mem>>)
      } else {
      }
      %dma_wait3A_33 = arith.constant 0 : i32
      %dma_wait3A_34 = arith.constant 0 : i32
      %dma_wait3A_35 = tpu.memref_slice %arg2[%dma_wait3A_33, %dma_wait3A_34] : memref<20480x128xf32, #tpu.memory_space<hbm>> -> memref<20480x128xf32, #tpu.memory_space<hbm>>
      tpu.wait_indirect_dma semaphore(%arg15 : memref<!tpu.dma_semaphore, #tpu.memory_space<semaphore_mem>>) src(%dma_wait3A_35 : memref<20480x128xf32, #tpu.memory_space<hbm>>) dst(%arg12 : memref<128x128xf32, #tpu.memory_space<vmem>>)
      "tpu.region"() ({
        %run_scoped3A = tpu.sem_alloc : memref<!tpu.dma_semaphore, #tpu.memory_space<semaphore_mem>>
        %dma_start3A_36 = arith.constant 0 : i32
        %dma_start3A_37 = arith.constant 0 : i32
        %dma_start3A_38 = tpu.memref_slice %arg13[%dma_start3A_36, %dma_start3A_37] : memref<10240x128xf32, #tpu.memory_space<vmem_shared>> -> memref<10240x128xf32, #tpu.memory_space<vmem_shared>>
        tpu.enqueue_indirect_dma source(%arg12 : memref<128x128xf32, #tpu.memory_space<vmem>>) target(%dma_start3A_38 : memref<10240x128xf32, #tpu.memory_space<vmem_shared>>) offsets(%arg10 : memref<128xi32, #tpu.memory_space<vmem>>) semaphore(%run_scoped3A : memref<!tpu.dma_semaphore, #tpu.memory_space<semaphore_mem>>) {add = true}
        %dma_wait3A_39 = arith.constant 0 : i32
        %dma_wait3A_40 = arith.constant 0 : i32
        %dma_wait3A_41 = tpu.memref_slice %arg13[%dma_wait3A_39, %dma_wait3A_40] : memref<10240x128xf32, #tpu.memory_space<vmem_shared>> -> memref<10240x128xf32, #tpu.memory_space<vmem_shared>>
        tpu.wait_indirect_dma semaphore(%run_scoped3A : memref<!tpu.dma_semaphore, #tpu.memory_space<semaphore_mem>>) src(%arg12 : memref<128x128xf32, #tpu.memory_space<vmem>>) dst(%dma_wait3A_41 : memref<10240x128xf32, #tpu.memory_space<vmem_shared>>)
        tpu.yield
      }) : () -> ()
    }
    %scan3A_10 = arith.constant 79 : i32
    %barrier3A_11 = arith.constant 0 : index
    tpu.barrier barrier_id(%barrier3A_11)
    %mul3A_12 = arith.constant 640 : i32
    %mul3A_13 = arith.muli %arg1, %mul3A_12 : i32
    %mul3A_14 = arith.constant 640 : i32
    %mul3A_15 = arith.muli %arg1, %mul3A_14 : i32
    "tpu.region"() ({
      %run_scoped3A = tpu.sem_alloc : memref<!tpu.dma_semaphore, #tpu.memory_space<semaphore_mem>>
      %dma_start3A_16 = arith.constant 0 : i32
      %dma_start3A_17 = tpu.memref_slice %arg6[%arg0, %mul3A_15, %dma_start3A_16] : memref<2x10240x128xf32, #tpu.memory_space<hbm>> -> memref<1x640x128xf32, #tpu.memory_space<hbm>>
      %dma_start3A_18 = tpu.memref_squeeze %dma_start3A_17 : memref<1x640x128xf32, #tpu.memory_space<hbm>> -> memref<640x128xf32, #tpu.memory_space<hbm>>
      %dma_start3A_19 = arith.constant 0 : i32
      %dma_start3A_20 = tpu.memref_slice %arg13[%mul3A_13, %dma_start3A_19] : memref<10240x128xf32, #tpu.memory_space<vmem_shared>> -> memref<640x128xf32, #tpu.memory_space<vmem_shared>>
      tpu.enqueue_dma source(%dma_start3A_20 : memref<640x128xf32, #tpu.memory_space<vmem_shared>>) target(%dma_start3A_18 : memref<640x128xf32, #tpu.memory_space<hbm>>) target_semaphore(%run_scoped3A : memref<!tpu.dma_semaphore, #tpu.memory_space<semaphore_mem>>)
      %dma_wait3A = arith.constant 0 : i32
      %dma_wait3A_21 = tpu.memref_slice %arg6[%arg0, %mul3A_15, %dma_wait3A] : memref<2x10240x128xf32, #tpu.memory_space<hbm>> -> memref<1x640x128xf32, #tpu.memory_space<hbm>>
      %dma_wait3A_22 = tpu.memref_squeeze %dma_wait3A_21 : memref<1x640x128xf32, #tpu.memory_space<hbm>> -> memref<640x128xf32, #tpu.memory_space<hbm>>
      %dma_wait3A_23 = arith.constant 0 : i32
      %dma_wait3A_24 = tpu.memref_slice %arg13[%mul3A_13, %dma_wait3A_23] : memref<10240x128xf32, #tpu.memory_space<vmem_shared>> -> memref<640x128xf32, #tpu.memory_space<vmem_shared>>
      tpu.wait_dma2 semaphore(%run_scoped3A : memref<!tpu.dma_semaphore, #tpu.memory_space<semaphore_mem>>) src(%dma_wait3A_24 : memref<640x128xf32, #tpu.memory_space<vmem_shared>>) dst(%dma_wait3A_22 : memref<640x128xf32, #tpu.memory_space<hbm>>)
      tpu.yield
    }) : () -> ()
    return
  }
}

#map = affine_map<(d0, d1) -> (0, 0)>
#map1 = affine_map<(d0, d1) -> (0, 0, 0)>
module attributes {stable_mosaic.version = 14 : i64} {
  func.func @agg(%arg0: i32, %arg1: i32, %arg2: memref<20480x128xf32, #tpu.memory_space<hbm>>, %arg3: memref<2x2528x128xi32, #tpu.memory_space<hbm>>, %arg4: memref<2528x128xi32, #tpu.memory_space<hbm>>, %arg5: memref<640x128xf32, #tpu.memory_space<hbm>>, %arg6: memref<2x10240x128xf32, #tpu.memory_space<hbm>>, %arg7: memref<128xi32, #tpu.memory_space<vmem>>, %arg8: memref<128xi32, #tpu.memory_space<vmem>>, %arg9: memref<128xi32, #tpu.memory_space<vmem>>, %arg10: memref<128xi32, #tpu.memory_space<vmem>>, %arg11: memref<128x128xf32, #tpu.memory_space<vmem>>, %arg12: memref<128x128xf32, #tpu.memory_space<vmem>>, %arg13: memref<10240x128xf32, #tpu.memory_space<vmem_shared>>, %arg14: memref<!tpu.dma_semaphore, #tpu.memory_space<semaphore_mem>>, %arg15: memref<!tpu.dma_semaphore, #tpu.memory_space<semaphore_mem>>) attributes {dimension_semantics = [#tpu.dimension_semantics<core_parallel>, #tpu.dimension_semantics<subcore_parallel>], iteration_bounds = array<i64: 2, 16>, scalar_prefetch = 0 : i64, scratch_operands = 9 : i64, tpu.core_type = #tpu.core_type<sc_vector_subcore>, window_params = [{transform_indices = #map}, {transform_indices = #map1}, {transform_indices = #map}, {transform_indices = #map}, {transform_indices = #map1}]} {
    %mul3A = arith.constant 640 : i32
    %mul3A_0 = arith.muli %arg1, %mul3A : i32
    "tpu.region"() ({
      %run_scoped3A = tpu.sem_alloc : memref<!tpu.dma_semaphore, #tpu.memory_space<semaphore_mem>>
      %dma_start3A_16 = arith.constant 0 : i32
      %dma_start3A_17 = tpu.memref_slice %arg13[%mul3A_0, %dma_start3A_16] : memref<10240x128xf32, #tpu.memory_space<vmem_shared>> -> memref<640x128xf32, #tpu.memory_space<vmem_shared>>
      tpu.enqueue_dma source(%arg5 : memref<640x128xf32, #tpu.memory_space<hbm>>) target(%dma_start3A_17 : memref<640x128xf32, #tpu.memory_space<vmem_shared>>) target_semaphore(%run_scoped3A : memref<!tpu.dma_semaphore, #tpu.memory_space<semaphore_mem>>)
      %dma_wait3A = arith.constant 0 : i32
      %dma_wait3A_18 = tpu.memref_slice %arg13[%mul3A_0, %dma_wait3A] : memref<10240x128xf32, #tpu.memory_space<vmem_shared>> -> memref<640x128xf32, #tpu.memory_space<vmem_shared>>
      tpu.wait_dma2 semaphore(%run_scoped3A : memref<!tpu.dma_semaphore, #tpu.memory_space<semaphore_mem>>) src(%arg5 : memref<640x128xf32, #tpu.memory_space<hbm>>) dst(%dma_wait3A_18 : memref<640x128xf32, #tpu.memory_space<vmem_shared>>)
      tpu.yield
    }) : () -> ()
    %mul3A_1 = arith.constant 158 : i32
    %mul3A_2 = arith.muli %arg1, %mul3A_1 : i32
    %add3A = arith.constant 0 : i32
    %add3A_3 = arith.addi %mul3A_2, %add3A : i32
    "tpu.region"() ({
      %run_scoped3A = tpu.sem_alloc : memref<!tpu.dma_semaphore, #tpu.memory_space<semaphore_mem>>
      %dma_start3A_16 = arith.constant 0 : i32
      %dma_start3A_17 = tpu.memref_slice %arg3[%arg0, %add3A_3, %dma_start3A_16] : memref<2x2528x128xi32, #tpu.memory_space<hbm>> -> memref<1x1x128xi32, #tpu.memory_space<hbm>>
      %dma_start3A_18 = tpu.memref_squeeze %dma_start3A_17 : memref<1x1x128xi32, #tpu.memory_space<hbm>> -> memref<128xi32, #tpu.memory_space<hbm>>
      %dma_start3A_19 = arith.constant 0 : i32
      %dma_start3A_20 = tpu.memref_slice %arg3[%arg0, %add3A_3, %dma_start3A_19] : memref<2x2528x128xi32, #tpu.memory_space<hbm>> -> memref<1x1x128xi32, #tpu.memory_space<hbm>>
      %dma_start3A_21 = tpu.memref_squeeze %dma_start3A_20 : memref<1x1x128xi32, #tpu.memory_space<hbm>> -> memref<128xi32, #tpu.memory_space<hbm>>
      tpu.enqueue_dma source(%dma_start3A_21 : memref<128xi32, #tpu.memory_space<hbm>>) target(%arg7 : memref<128xi32, #tpu.memory_space<vmem>>) target_semaphore(%run_scoped3A : memref<!tpu.dma_semaphore, #tpu.memory_space<semaphore_mem>>)
      %dma_wait3A = arith.constant 0 : i32
      %dma_wait3A_22 = tpu.memref_slice %arg3[%arg0, %add3A_3, %dma_wait3A] : memref<2x2528x128xi32, #tpu.memory_space<hbm>> -> memref<1x1x128xi32, #tpu.memory_space<hbm>>
      %dma_wait3A_23 = tpu.memref_squeeze %dma_wait3A_22 : memref<1x1x128xi32, #tpu.memory_space<hbm>> -> memref<128xi32, #tpu.memory_space<hbm>>
      %dma_wait3A_24 = arith.constant 0 : i32
      %dma_wait3A_25 = tpu.memref_slice %arg3[%arg0, %add3A_3, %dma_wait3A_24] : memref<2x2528x128xi32, #tpu.memory_space<hbm>> -> memref<1x1x128xi32, #tpu.memory_space<hbm>>
      %dma_wait3A_26 = tpu.memref_squeeze %dma_wait3A_25 : memref<1x1x128xi32, #tpu.memory_space<hbm>> -> memref<128xi32, #tpu.memory_space<hbm>>
      tpu.wait_dma2 semaphore(%run_scoped3A : memref<!tpu.dma_semaphore, #tpu.memory_space<semaphore_mem>>) src(%dma_wait3A_26 : memref<128xi32, #tpu.memory_space<hbm>>) dst(%arg7 : memref<128xi32, #tpu.memory_space<vmem>>)
      tpu.yield
    }) : () -> ()
    "tpu.region"() ({
      %run_scoped3A = tpu.sem_alloc : memref<!tpu.dma_semaphore, #tpu.memory_space<semaphore_mem>>
      %dma_start3A_16 = arith.constant 0 : i32
      %dma_start3A_17 = tpu.memref_slice %arg4[%add3A_3, %dma_start3A_16] : memref<2528x128xi32, #tpu.memory_space<hbm>> -> memref<1x128xi32, #tpu.memory_space<hbm>>
      %dma_start3A_18 = tpu.memref_squeeze %dma_start3A_17 : memref<1x128xi32, #tpu.memory_space<hbm>> -> memref<128xi32, #tpu.memory_space<hbm>>
      %dma_start3A_19 = arith.constant 0 : i32
      %dma_start3A_20 = tpu.memref_slice %arg4[%add3A_3, %dma_start3A_19] : memref<2528x128xi32, #tpu.memory_space<hbm>> -> memref<1x128xi32, #tpu.memory_space<hbm>>
      %dma_start3A_21 = tpu.memref_squeeze %dma_start3A_20 : memref<1x128xi32, #tpu.memory_space<hbm>> -> memref<128xi32, #tpu.memory_space<hbm>>
      tpu.enqueue_dma source(%dma_start3A_21 : memref<128xi32, #tpu.memory_space<hbm>>) target(%arg9 : memref<128xi32, #tpu.memory_space<vmem>>) target_semaphore(%run_scoped3A : memref<!tpu.dma_semaphore, #tpu.memory_space<semaphore_mem>>)
      %dma_wait3A = arith.constant 0 : i32
      %dma_wait3A_22 = tpu.memref_slice %arg4[%add3A_3, %dma_wait3A] : memref<2528x128xi32, #tpu.memory_space<hbm>> -> memref<1x128xi32, #tpu.memory_space<hbm>>
      %dma_wait3A_23 = tpu.memref_squeeze %dma_wait3A_22 : memref<1x128xi32, #tpu.memory_space<hbm>> -> memref<128xi32, #tpu.memory_space<hbm>>
      %dma_wait3A_24 = arith.constant 0 : i32
      %dma_wait3A_25 = tpu.memref_slice %arg4[%add3A_3, %dma_wait3A_24] : memref<2528x128xi32, #tpu.memory_space<hbm>> -> memref<1x128xi32, #tpu.memory_space<hbm>>
      %dma_wait3A_26 = tpu.memref_squeeze %dma_wait3A_25 : memref<1x128xi32, #tpu.memory_space<hbm>> -> memref<128xi32, #tpu.memory_space<hbm>>
      tpu.wait_dma2 semaphore(%run_scoped3A : memref<!tpu.dma_semaphore, #tpu.memory_space<semaphore_mem>>) src(%dma_wait3A_26 : memref<128xi32, #tpu.memory_space<hbm>>) dst(%arg9 : memref<128xi32, #tpu.memory_space<vmem>>)
      tpu.yield
    }) : () -> ()
    %barrier3A = arith.constant 0 : index
    tpu.barrier barrier_id(%barrier3A)
    %dma_start3A = arith.constant 0 : i32
    %dma_start3A_4 = arith.constant 0 : i32
    %dma_start3A_5 = tpu.memref_slice %arg2[%dma_start3A, %dma_start3A_4] : memref<20480x128xf32, #tpu.memory_space<hbm>> -> memref<20480x128xf32, #tpu.memory_space<hbm>>
    tpu.enqueue_indirect_dma source(%dma_start3A_5 : memref<20480x128xf32, #tpu.memory_space<hbm>>) target(%arg11 : memref<128x128xf32, #tpu.memory_space<vmem>>) offsets(%arg7 : memref<128xi32, #tpu.memory_space<vmem>>) semaphore(%arg14 : memref<!tpu.dma_semaphore, #tpu.memory_space<semaphore_mem>>)
    %scan3A = arith.constant 0 : i32
    %scan3A_6 = arith.constant 0 : i32
    %scan3A_7 = arith.constant 79 : i32
    %scan3A_8 = arith.addi %scan3A_6, %scan3A_7 : i32
    %scan3A_9 = arith.constant 1 : i32
    scf.for %scan3A_16 = %scan3A_6 to %scan3A_8 step %scan3A_9  : i32 {
      %mul3A_17 = arith.constant 2 : i32
      %mul3A_18 = arith.muli %mul3A_17, %scan3A_16 : i32
      %add3A_19 = arith.constant 1 : i32
      %add3A_20 = arith.addi %mul3A_18, %add3A_19 : i32
      %mul3A_21 = arith.constant 158 : i32
      %mul3A_22 = arith.muli %arg1, %mul3A_21 : i32
      %add3A_23 = arith.addi %mul3A_22, %add3A_20 : i32
      "tpu.region"() ({
        %run_scoped3A = tpu.sem_alloc : memref<!tpu.dma_semaphore, #tpu.memory_space<semaphore_mem>>
        %dma_start3A_36 = arith.constant 0 : i32
        %dma_start3A_37 = tpu.memref_slice %arg3[%arg0, %add3A_23, %dma_start3A_36] : memref<2x2528x128xi32, #tpu.memory_space<hbm>> -> memref<1x1x128xi32, #tpu.memory_space<hbm>>
        %dma_start3A_38 = tpu.memref_squeeze %dma_start3A_37 : memref<1x1x128xi32, #tpu.memory_space<hbm>> -> memref<128xi32, #tpu.memory_space<hbm>>
        %dma_start3A_39 = arith.constant 0 : i32
        %dma_start3A_40 = tpu.memref_slice %arg3[%arg0, %add3A_23, %dma_start3A_39] : memref<2x2528x128xi32, #tpu.memory_space<hbm>> -> memref<1x1x128xi32, #tpu.memory_space<hbm>>
        %dma_start3A_41 = tpu.memref_squeeze %dma_start3A_40 : memref<1x1x128xi32, #tpu.memory_space<hbm>> -> memref<128xi32, #tpu.memory_space<hbm>>
        tpu.enqueue_dma source(%dma_start3A_41 : memref<128xi32, #tpu.memory_space<hbm>>) target(%arg8 : memref<128xi32, #tpu.memory_space<vmem>>) target_semaphore(%run_scoped3A : memref<!tpu.dma_semaphore, #tpu.memory_space<semaphore_mem>>)
        %dma_wait3A_42 = arith.constant 0 : i32
        %dma_wait3A_43 = tpu.memref_slice %arg3[%arg0, %add3A_23, %dma_wait3A_42] : memref<2x2528x128xi32, #tpu.memory_space<hbm>> -> memref<1x1x128xi32, #tpu.memory_space<hbm>>
        %dma_wait3A_44 = tpu.memref_squeeze %dma_wait3A_43 : memref<1x1x128xi32, #tpu.memory_space<hbm>> -> memref<128xi32, #tpu.memory_space<hbm>>
        %dma_wait3A_45 = arith.constant 0 : i32
        %dma_wait3A_46 = tpu.memref_slice %arg3[%arg0, %add3A_23, %dma_wait3A_45] : memref<2x2528x128xi32, #tpu.memory_space<hbm>> -> memref<1x1x128xi32, #tpu.memory_space<hbm>>
        %dma_wait3A_47 = tpu.memref_squeeze %dma_wait3A_46 : memref<1x1x128xi32, #tpu.memory_space<hbm>> -> memref<128xi32, #tpu.memory_space<hbm>>
        tpu.wait_dma2 semaphore(%run_scoped3A : memref<!tpu.dma_semaphore, #tpu.memory_space<semaphore_mem>>) src(%dma_wait3A_47 : memref<128xi32, #tpu.memory_space<hbm>>) dst(%arg8 : memref<128xi32, #tpu.memory_space<vmem>>)
        tpu.yield
      }) : () -> ()
      "tpu.region"() ({
        %run_scoped3A = tpu.sem_alloc : memref<!tpu.dma_semaphore, #tpu.memory_space<semaphore_mem>>
        %dma_start3A_36 = arith.constant 0 : i32
        %dma_start3A_37 = tpu.memref_slice %arg4[%add3A_23, %dma_start3A_36] : memref<2528x128xi32, #tpu.memory_space<hbm>> -> memref<1x128xi32, #tpu.memory_space<hbm>>
        %dma_start3A_38 = tpu.memref_squeeze %dma_start3A_37 : memref<1x128xi32, #tpu.memory_space<hbm>> -> memref<128xi32, #tpu.memory_space<hbm>>
        %dma_start3A_39 = arith.constant 0 : i32
        %dma_start3A_40 = tpu.memref_slice %arg4[%add3A_23, %dma_start3A_39] : memref<2528x128xi32, #tpu.memory_space<hbm>> -> memref<1x128xi32, #tpu.memory_space<hbm>>
        %dma_start3A_41 = tpu.memref_squeeze %dma_start3A_40 : memref<1x128xi32, #tpu.memory_space<hbm>> -> memref<128xi32, #tpu.memory_space<hbm>>
        tpu.enqueue_dma source(%dma_start3A_41 : memref<128xi32, #tpu.memory_space<hbm>>) target(%arg10 : memref<128xi32, #tpu.memory_space<vmem>>) target_semaphore(%run_scoped3A : memref<!tpu.dma_semaphore, #tpu.memory_space<semaphore_mem>>)
        %dma_wait3A_42 = arith.constant 0 : i32
        %dma_wait3A_43 = tpu.memref_slice %arg4[%add3A_23, %dma_wait3A_42] : memref<2528x128xi32, #tpu.memory_space<hbm>> -> memref<1x128xi32, #tpu.memory_space<hbm>>
        %dma_wait3A_44 = tpu.memref_squeeze %dma_wait3A_43 : memref<1x128xi32, #tpu.memory_space<hbm>> -> memref<128xi32, #tpu.memory_space<hbm>>
        %dma_wait3A_45 = arith.constant 0 : i32
        %dma_wait3A_46 = tpu.memref_slice %arg4[%add3A_23, %dma_wait3A_45] : memref<2528x128xi32, #tpu.memory_space<hbm>> -> memref<1x128xi32, #tpu.memory_space<hbm>>
        %dma_wait3A_47 = tpu.memref_squeeze %dma_wait3A_46 : memref<1x128xi32, #tpu.memory_space<hbm>> -> memref<128xi32, #tpu.memory_space<hbm>>
        tpu.wait_dma2 semaphore(%run_scoped3A : memref<!tpu.dma_semaphore, #tpu.memory_space<semaphore_mem>>) src(%dma_wait3A_47 : memref<128xi32, #tpu.memory_space<hbm>>) dst(%arg10 : memref<128xi32, #tpu.memory_space<vmem>>)
        tpu.yield
      }) : () -> ()
      %dma_start3A_24 = arith.constant 0 : i32
      %dma_start3A_25 = arith.constant 0 : i32
      %dma_start3A_26 = tpu.memref_slice %arg2[%dma_start3A_24, %dma_start3A_25] : memref<20480x128xf32, #tpu.memory_space<hbm>> -> memref<20480x128xf32, #tpu.memory_space<hbm>>
      tpu.enqueue_indirect_dma source(%dma_start3A_26 : memref<20480x128xf32, #tpu.memory_space<hbm>>) target(%arg12 : memref<128x128xf32, #tpu.memory_space<vmem>>) offsets(%arg8 : memref<128xi32, #tpu.memory_space<vmem>>) semaphore(%arg15 : memref<!tpu.dma_semaphore, #tpu.memory_space<semaphore_mem>>)
      %dma_wait3A = arith.constant 0 : i32
      %dma_wait3A_27 = arith.constant 0 : i32
      %dma_wait3A_28 = tpu.memref_slice %arg2[%dma_wait3A, %dma_wait3A_27] : memref<20480x128xf32, #tpu.memory_space<hbm>> -> memref<20480x128xf32, #tpu.memory_space<hbm>>
      tpu.wait_indirect_dma semaphore(%arg14 : memref<!tpu.dma_semaphore, #tpu.memory_space<semaphore_mem>>) src(%dma_wait3A_28 : memref<20480x128xf32, #tpu.memory_space<hbm>>) dst(%arg11 : memref<128x128xf32, #tpu.memory_space<vmem>>)
      "tpu.region"() ({
        %run_scoped3A = tpu.sem_alloc : memref<!tpu.dma_semaphore, #tpu.memory_space<semaphore_mem>>
        %dma_start3A_36 = arith.constant 0 : i32
        %dma_start3A_37 = arith.constant 0 : i32
        %dma_start3A_38 = tpu.memref_slice %arg13[%dma_start3A_36, %dma_start3A_37] : memref<10240x128xf32, #tpu.memory_space<vmem_shared>> -> memref<10240x128xf32, #tpu.memory_space<vmem_shared>>
        tpu.enqueue_indirect_dma source(%arg11 : memref<128x128xf32, #tpu.memory_space<vmem>>) target(%dma_start3A_38 : memref<10240x128xf32, #tpu.memory_space<vmem_shared>>) offsets(%arg9 : memref<128xi32, #tpu.memory_space<vmem>>) semaphore(%run_scoped3A : memref<!tpu.dma_semaphore, #tpu.memory_space<semaphore_mem>>) {add = true}
        %dma_wait3A_39 = arith.constant 0 : i32
        %dma_wait3A_40 = arith.constant 0 : i32
        %dma_wait3A_41 = tpu.memref_slice %arg13[%dma_wait3A_39, %dma_wait3A_40] : memref<10240x128xf32, #tpu.memory_space<vmem_shared>> -> memref<10240x128xf32, #tpu.memory_space<vmem_shared>>
        tpu.wait_indirect_dma semaphore(%run_scoped3A : memref<!tpu.dma_semaphore, #tpu.memory_space<semaphore_mem>>) src(%arg11 : memref<128x128xf32, #tpu.memory_space<vmem>>) dst(%dma_wait3A_41 : memref<10240x128xf32, #tpu.memory_space<vmem_shared>>)
        tpu.yield
      }) : () -> ()
      %add3A_29 = arith.constant 2 : i32
      %add3A_30 = arith.addi %mul3A_18, %add3A_29 : i32
      %lt3A = arith.constant 158 : i32
      %lt3A_31 = arith.cmpi slt, %add3A_30, %lt3A : i32
      %convert_element_type3A = arith.extui %lt3A_31 : i1 to i32
      %cond3A = arith.constant 0 : i32
      %cond3A_32 = arith.cmpi ne, %convert_element_type3A, %cond3A : i32
      scf.if %cond3A_32 {
        %add3A_36 = arith.constant 2 : i32
        %add3A_37 = arith.addi %mul3A_18, %add3A_36 : i32
        %mul3A_38 = arith.constant 158 : i32
        %mul3A_39 = arith.muli %arg1, %mul3A_38 : i32
        %add3A_40 = arith.addi %mul3A_39, %add3A_37 : i32
        "tpu.region"() ({
          %run_scoped3A = tpu.sem_alloc : memref<!tpu.dma_semaphore, #tpu.memory_space<semaphore_mem>>
          %dma_start3A_44 = arith.constant 0 : i32
          %dma_start3A_45 = tpu.memref_slice %arg3[%arg0, %add3A_40, %dma_start3A_44] : memref<2x2528x128xi32, #tpu.memory_space<hbm>> -> memref<1x1x128xi32, #tpu.memory_space<hbm>>
          %dma_start3A_46 = tpu.memref_squeeze %dma_start3A_45 : memref<1x1x128xi32, #tpu.memory_space<hbm>> -> memref<128xi32, #tpu.memory_space<hbm>>
          %dma_start3A_47 = arith.constant 0 : i32
          %dma_start3A_48 = tpu.memref_slice %arg3[%arg0, %add3A_40, %dma_start3A_47] : memref<2x2528x128xi32, #tpu.memory_space<hbm>> -> memref<1x1x128xi32, #tpu.memory_space<hbm>>
          %dma_start3A_49 = tpu.memref_squeeze %dma_start3A_48 : memref<1x1x128xi32, #tpu.memory_space<hbm>> -> memref<128xi32, #tpu.memory_space<hbm>>
          tpu.enqueue_dma source(%dma_start3A_49 : memref<128xi32, #tpu.memory_space<hbm>>) target(%arg7 : memref<128xi32, #tpu.memory_space<vmem>>) target_semaphore(%run_scoped3A : memref<!tpu.dma_semaphore, #tpu.memory_space<semaphore_mem>>)
          %dma_wait3A_50 = arith.constant 0 : i32
          %dma_wait3A_51 = tpu.memref_slice %arg3[%arg0, %add3A_40, %dma_wait3A_50] : memref<2x2528x128xi32, #tpu.memory_space<hbm>> -> memref<1x1x128xi32, #tpu.memory_space<hbm>>
          %dma_wait3A_52 = tpu.memref_squeeze %dma_wait3A_51 : memref<1x1x128xi32, #tpu.memory_space<hbm>> -> memref<128xi32, #tpu.memory_space<hbm>>
          %dma_wait3A_53 = arith.constant 0 : i32
          %dma_wait3A_54 = tpu.memref_slice %arg3[%arg0, %add3A_40, %dma_wait3A_53] : memref<2x2528x128xi32, #tpu.memory_space<hbm>> -> memref<1x1x128xi32, #tpu.memory_space<hbm>>
          %dma_wait3A_55 = tpu.memref_squeeze %dma_wait3A_54 : memref<1x1x128xi32, #tpu.memory_space<hbm>> -> memref<128xi32, #tpu.memory_space<hbm>>
          tpu.wait_dma2 semaphore(%run_scoped3A : memref<!tpu.dma_semaphore, #tpu.memory_space<semaphore_mem>>) src(%dma_wait3A_55 : memref<128xi32, #tpu.memory_space<hbm>>) dst(%arg7 : memref<128xi32, #tpu.memory_space<vmem>>)
          tpu.yield
        }) : () -> ()
        "tpu.region"() ({
          %run_scoped3A = tpu.sem_alloc : memref<!tpu.dma_semaphore, #tpu.memory_space<semaphore_mem>>
          %dma_start3A_44 = arith.constant 0 : i32
          %dma_start3A_45 = tpu.memref_slice %arg4[%add3A_40, %dma_start3A_44] : memref<2528x128xi32, #tpu.memory_space<hbm>> -> memref<1x128xi32, #tpu.memory_space<hbm>>
          %dma_start3A_46 = tpu.memref_squeeze %dma_start3A_45 : memref<1x128xi32, #tpu.memory_space<hbm>> -> memref<128xi32, #tpu.memory_space<hbm>>
          %dma_start3A_47 = arith.constant 0 : i32
          %dma_start3A_48 = tpu.memref_slice %arg4[%add3A_40, %dma_start3A_47] : memref<2528x128xi32, #tpu.memory_space<hbm>> -> memref<1x128xi32, #tpu.memory_space<hbm>>
          %dma_start3A_49 = tpu.memref_squeeze %dma_start3A_48 : memref<1x128xi32, #tpu.memory_space<hbm>> -> memref<128xi32, #tpu.memory_space<hbm>>
          tpu.enqueue_dma source(%dma_start3A_49 : memref<128xi32, #tpu.memory_space<hbm>>) target(%arg9 : memref<128xi32, #tpu.memory_space<vmem>>) target_semaphore(%run_scoped3A : memref<!tpu.dma_semaphore, #tpu.memory_space<semaphore_mem>>)
          %dma_wait3A_50 = arith.constant 0 : i32
          %dma_wait3A_51 = tpu.memref_slice %arg4[%add3A_40, %dma_wait3A_50] : memref<2528x128xi32, #tpu.memory_space<hbm>> -> memref<1x128xi32, #tpu.memory_space<hbm>>
          %dma_wait3A_52 = tpu.memref_squeeze %dma_wait3A_51 : memref<1x128xi32, #tpu.memory_space<hbm>> -> memref<128xi32, #tpu.memory_space<hbm>>
          %dma_wait3A_53 = arith.constant 0 : i32
          %dma_wait3A_54 = tpu.memref_slice %arg4[%add3A_40, %dma_wait3A_53] : memref<2528x128xi32, #tpu.memory_space<hbm>> -> memref<1x128xi32, #tpu.memory_space<hbm>>
          %dma_wait3A_55 = tpu.memref_squeeze %dma_wait3A_54 : memref<1x128xi32, #tpu.memory_space<hbm>> -> memref<128xi32, #tpu.memory_space<hbm>>
          tpu.wait_dma2 semaphore(%run_scoped3A : memref<!tpu.dma_semaphore, #tpu.memory_space<semaphore_mem>>) src(%dma_wait3A_55 : memref<128xi32, #tpu.memory_space<hbm>>) dst(%arg9 : memref<128xi32, #tpu.memory_space<vmem>>)
          tpu.yield
        }) : () -> ()
        %dma_start3A_41 = arith.constant 0 : i32
        %dma_start3A_42 = arith.constant 0 : i32
        %dma_start3A_43 = tpu.memref_slice %arg2[%dma_start3A_41, %dma_start3A_42] : memref<20480x128xf32, #tpu.memory_space<hbm>> -> memref<20480x128xf32, #tpu.memory_space<hbm>>
        tpu.enqueue_indirect_dma source(%dma_start3A_43 : memref<20480x128xf32, #tpu.memory_space<hbm>>) target(%arg11 : memref<128x128xf32, #tpu.memory_space<vmem>>) offsets(%arg7 : memref<128xi32, #tpu.memory_space<vmem>>) semaphore(%arg14 : memref<!tpu.dma_semaphore, #tpu.memory_space<semaphore_mem>>)
      } else {
      }
      %dma_wait3A_33 = arith.constant 0 : i32
      %dma_wait3A_34 = arith.constant 0 : i32
      %dma_wait3A_35 = tpu.memref_slice %arg2[%dma_wait3A_33, %dma_wait3A_34] : memref<20480x128xf32, #tpu.memory_space<hbm>> -> memref<20480x128xf32, #tpu.memory_space<hbm>>
      tpu.wait_indirect_dma semaphore(%arg15 : memref<!tpu.dma_semaphore, #tpu.memory_space<semaphore_mem>>) src(%dma_wait3A_35 : memref<20480x128xf32, #tpu.memory_space<hbm>>) dst(%arg12 : memref<128x128xf32, #tpu.memory_space<vmem>>)
      "tpu.region"() ({
        %run_scoped3A = tpu.sem_alloc : memref<!tpu.dma_semaphore, #tpu.memory_space<semaphore_mem>>
        %dma_start3A_36 = arith.constant 0 : i32
        %dma_start3A_37 = arith.constant 0 : i32
        %dma_start3A_38 = tpu.memref_slice %arg13[%dma_start3A_36, %dma_start3A_37] : memref<10240x128xf32, #tpu.memory_space<vmem_shared>> -> memref<10240x128xf32, #tpu.memory_space<vmem_shared>>
        tpu.enqueue_indirect_dma source(%arg12 : memref<128x128xf32, #tpu.memory_space<vmem>>) target(%dma_start3A_38 : memref<10240x128xf32, #tpu.memory_space<vmem_shared>>) offsets(%arg10 : memref<128xi32, #tpu.memory_space<vmem>>) semaphore(%run_scoped3A : memref<!tpu.dma_semaphore, #tpu.memory_space<semaphore_mem>>) {add = true}
        %dma_wait3A_39 = arith.constant 0 : i32
        %dma_wait3A_40 = arith.constant 0 : i32
        %dma_wait3A_41 = tpu.memref_slice %arg13[%dma_wait3A_39, %dma_wait3A_40] : memref<10240x128xf32, #tpu.memory_space<vmem_shared>> -> memref<10240x128xf32, #tpu.memory_space<vmem_shared>>
        tpu.wait_indirect_dma semaphore(%run_scoped3A : memref<!tpu.dma_semaphore, #tpu.memory_space<semaphore_mem>>) src(%arg12 : memref<128x128xf32, #tpu.memory_space<vmem>>) dst(%dma_wait3A_41 : memref<10240x128xf32, #tpu.memory_space<vmem_shared>>)
        tpu.yield
      }) : () -> ()
    }
    %scan3A_10 = arith.constant 79 : i32
    %barrier3A_11 = arith.constant 0 : index
    tpu.barrier barrier_id(%barrier3A_11)
    %mul3A_12 = arith.constant 640 : i32
    %mul3A_13 = arith.muli %arg1, %mul3A_12 : i32
    %mul3A_14 = arith.constant 640 : i32
    %mul3A_15 = arith.muli %arg1, %mul3A_14 : i32
    "tpu.region"() ({
      %run_scoped3A = tpu.sem_alloc : memref<!tpu.dma_semaphore, #tpu.memory_space<semaphore_mem>>
      %dma_start3A_16 = arith.constant 0 : i32
      %dma_start3A_17 = tpu.memref_slice %arg6[%arg0, %mul3A_15, %dma_start3A_16] : memref<2x10240x128xf32, #tpu.memory_space<hbm>> -> memref<1x640x128xf32, #tpu.memory_space<hbm>>
      %dma_start3A_18 = tpu.memref_squeeze %dma_start3A_17 : memref<1x640x128xf32, #tpu.memory_space<hbm>> -> memref<640x128xf32, #tpu.memory_space<hbm>>
      %dma_start3A_19 = arith.constant 0 : i32
      %dma_start3A_20 = tpu.memref_slice %arg13[%mul3A_13, %dma_start3A_19] : memref<10240x128xf32, #tpu.memory_space<vmem_shared>> -> memref<640x128xf32, #tpu.memory_space<vmem_shared>>
      tpu.enqueue_dma source(%dma_start3A_20 : memref<640x128xf32, #tpu.memory_space<vmem_shared>>) target(%dma_start3A_18 : memref<640x128xf32, #tpu.memory_space<hbm>>) target_semaphore(%run_scoped3A : memref<!tpu.dma_semaphore, #tpu.memory_space<semaphore_mem>>)
      %dma_wait3A = arith.constant 0 : i32
      %dma_wait3A_21 = tpu.memref_slice %arg6[%arg0, %mul3A_15, %dma_wait3A] : memref<2x10240x128xf32, #tpu.memory_space<hbm>> -> memref<1x640x128xf32, #tpu.memory_space<hbm>>
      %dma_wait3A_22 = tpu.memref_squeeze %dma_wait3A_21 : memref<1x640x128xf32, #tpu.memory_space<hbm>> -> memref<640x128xf32, #tpu.memory_space<hbm>>
      %dma_wait3A_23 = arith.constant 0 : i32
      %dma_wait3A_24 = tpu.memref_slice %arg13[%mul3A_13, %dma_wait3A_23] : memref<10240x128xf32, #tpu.memory_space<vmem_shared>> -> memref<640x128xf32, #tpu.memory_space<vmem_shared>>
      tpu.wait_dma2 semaphore(%run_scoped3A : memref<!tpu.dma_semaphore, #tpu.memory_space<semaphore_mem>>) src(%dma_wait3A_24 : memref<640x128xf32, #tpu.memory_space<vmem_shared>>) dst(%dma_wait3A_22 : memref<640x128xf32, #tpu.memory_space<hbm>>)
      tpu.yield
    }) : () -> ()
    return
  }
}

module attributes {stable_mosaic.version = 14 : i64} {
  func.func @_enc_body(%arg0: i32, %arg1: memref<256x128xf32, #tpu.memory_space<vmem>>, %arg2: memref<128x256xf32, #tpu.memory_space<vmem>>, %arg3: memref<1x256xf32, #tpu.memory_space<vmem>>, %arg4: memref<2x256x128xf32, #tpu.memory_space<vmem>>) attributes {dimension_semantics = [#tpu.dimension_semantics<arbitrary>], iteration_bounds = array<i64: 40>, scalar_prefetch = 0 : i64, scratch_operands = 0 : i64, tpu.core_type = #tpu.core_type<tc>, window_params = [{transform_indices = @transform_0, window_bounds = array<i64: 256, 128>}, {pipeline_mode = #tpu.pipeline_mode<synchronous>, transform_indices = @transform_1, window_bounds = array<i64: 128, 256>}, {pipeline_mode = #tpu.pipeline_mode<synchronous>, transform_indices = @transform_2, window_bounds = array<i64: 1, 256>}, {transform_indices = @transform_3, window_bounds = array<i64: 2, 256, 128>}]} {
    %get3A = arith.constant 0 : index
    %get3A_0 = arith.constant 0 : index
    %get3A_1 = vector.load %arg1[%get3A, %get3A_0] : memref<256x128xf32, #tpu.memory_space<vmem>>, vector<256x128xf32>
    %get3A_2 = arith.constant 0 : index
    %get3A_3 = arith.constant 0 : index
    %get3A_4 = vector.load %arg2[%get3A_2, %get3A_3] : memref<128x256xf32, #tpu.memory_space<vmem>>, vector<128x256xf32>
    %dot_general3A = arith.constant dense<0.000000e+00> : vector<256x256xf32>
    %dot_general3A_5 = tpu.matmul %get3A_1, %get3A_4, %dot_general3A {dimension_numbers = #tpu.dot_dimension_numbers<[1], [0], [0], [1], [0, 0, 1, 1], [], []>, transpose_lhs_hint = false} : vector<256x128xf32>, vector<128x256xf32>, vector<256x256xf32> -> vector<256x256xf32>
    %get3A_6 = arith.constant 0 : index
    %get3A_7 = arith.constant 0 : index
    %get3A_8 = vector.load %arg3[%get3A_6, %get3A_7] : memref<1x256xf32, #tpu.memory_space<vmem>>, vector<1x256xf32>
    %add3A = vector.broadcast %get3A_8 : vector<1x256xf32> to vector<256x256xf32>
    %add3A_9 = arith.addf %dot_general3A_5, %add3A : vector<256x256xf32>
    %max3A = arith.constant 0.000000e+00 : f32
    %max3A_10 = vector.broadcast %max3A : f32 to vector<256x256xf32>
    %max3A_11 = arith.maximumf %add3A_9, %max3A_10 : vector<256x256xf32>
    %slice3A = vector.extract_strided_slice %max3A_11 {offsets = [0, 0], sizes = [256, 128], strides = [1, 1]} : vector<256x256xf32> to vector<256x128xf32>
    %swap3A = arith.constant 0 : index
    %swap3A_12 = arith.constant 0 : index
    %swap3A_13 = arith.constant 0 : index
    %swap3A_14 = vector.load %arg4[%swap3A, %swap3A_12, %swap3A_13] : memref<2x256x128xf32, #tpu.memory_space<vmem>>, vector<1x256x128xf32>
    %swap3A_15 = vector.shape_cast %swap3A_14 : vector<1x256x128xf32> to vector<256x128xf32>
    %swap3A_16 = vector.shape_cast %slice3A : vector<256x128xf32> to vector<1x256x128xf32>
    tpu.vector_store %arg4[%swap3A, %swap3A_12, %swap3A_13], %swap3A_16 {strides = array<i32>} : memref<2x256x128xf32, #tpu.memory_space<vmem>>, vector<1x256x128xf32>,
    %slice3A_17 = vector.extract_strided_slice %max3A_11 {offsets = [0, 128], sizes = [256, 128], strides = [1, 1]} : vector<256x256xf32> to vector<256x128xf32>
    %swap3A_18 = arith.constant 1 : index
    %swap3A_19 = arith.constant 0 : index
    %swap3A_20 = arith.constant 0 : index
    %swap3A_21 = vector.load %arg4[%swap3A_18, %swap3A_19, %swap3A_20] : memref<2x256x128xf32, #tpu.memory_space<vmem>>, vector<1x256x128xf32>
    %swap3A_22 = vector.shape_cast %swap3A_21 : vector<1x256x128xf32> to vector<256x128xf32>
    %swap3A_23 = vector.shape_cast %slice3A_17 : vector<256x128xf32> to vector<1x256x128xf32>
    tpu.vector_store %arg4[%swap3A_18, %swap3A_19, %swap3A_20], %swap3A_23 {strides = array<i32>} : memref<2x256x128xf32, #tpu.memory_space<vmem>>, vector<1x256x128xf32>,
    return
  }
  func.func @transform_0(%arg0: i32) -> (i32, i32) {
    %c0_i32 = arith.constant 0 : i32
    %c0_i32_0 = arith.constant 0 : i32
    return %arg0, %c0_i32 : i32, i32
  }
  func.func @transform_1(%arg0: i32) -> (i32, i32) {
    %c0_i32 = arith.constant 0 : i32
    %c0_i32_0 = arith.constant 0 : i32
    %c0_i32_1 = arith.constant 0 : i32
    return %c0_i32, %c0_i32_0 : i32, i32
  }
  func.func @transform_2(%arg0: i32) -> (i32, i32) {
    %c0_i32 = arith.constant 0 : i32
    %c0_i32_0 = arith.constant 0 : i32
    %c0_i32_1 = arith.constant 0 : i32
    return %c0_i32, %c0_i32_0 : i32, i32
  }
  func.func @transform_3(%arg0: i32) -> (i32, i32, i32) {
    %c0_i32 = arith.constant 0 : i32
    %c0_i32_0 = arith.constant 0 : i32
    %c0_i32_1 = arith.constant 0 : i32
    return %c0_i32, %arg0, %c0_i32_0 : i32, i32, i32
  }
}

module attributes {stable_mosaic.version = 14 : i64} {
  func.func @_mlp1_body(%arg0: i32, %arg1: memref<2x256x128xf32, #tpu.memory_space<vmem>>, %arg2: memref<2x256x128xf32, #tpu.memory_space<vmem>>, %arg3: memref<1x1xf32, #tpu.memory_space<vmem>>, %arg4: memref<256x512xf32, #tpu.memory_space<vmem>>, %arg5: memref<1x512xf32, #tpu.memory_space<vmem>>, %arg6: memref<256x512xf32, #tpu.memory_space<vmem>>, %arg7: memref<2x512xf32, #tpu.memory_space<vmem>>, %arg8: memref<1x512xf32, #tpu.memory_space<vmem>>, %arg9: memref<1x512xf32, #tpu.memory_space<vmem>>) attributes {dimension_semantics = [#tpu.dimension_semantics<arbitrary>], iteration_bounds = array<i64: 40>, scalar_prefetch = 0 : i64, scratch_operands = 2 : i64, tpu.core_type = #tpu.core_type<tc>, window_params = [{transform_indices = @transform_0, window_bounds = array<i64: 2, 256, 128>}, {transform_indices = @transform_1, window_bounds = array<i64: 2, 256, 128>}, {pipeline_mode = #tpu.pipeline_mode<synchronous>, transform_indices = @transform_2, window_bounds = array<i64: 1, 1>}, {pipeline_mode = #tpu.pipeline_mode<synchronous>, transform_indices = @transform_3, window_bounds = array<i64: 256, 512>}, {pipeline_mode = #tpu.pipeline_mode<synchronous>, transform_indices = @transform_4, window_bounds = array<i64: 1, 512>}, {transform_indices = @transform_5, window_bounds = array<i64: 256, 512>}, {pipeline_mode = #tpu.pipeline_mode<synchronous>, transform_indices = @transform_6, window_bounds = array<i64: 2, 512>}]} {
    %eq3A = arith.constant 0 : i32
    %eq3A_0 = arith.cmpi eq, %arg0, %eq3A : i32
    %convert_element_type3A = arith.extui %eq3A_0 : i1 to i32
    %cond3A = arith.constant 0 : i32
    %cond3A_1 = arith.cmpi ne, %convert_element_type3A, %cond3A : i32
    scf.if %cond3A_1 {
      %broadcast_in_dim3A_81 = arith.constant 0.000000e+00 : f32
      %broadcast_in_dim3A_82 = vector.broadcast %broadcast_in_dim3A_81 : f32 to vector<1x512xf32>
      %swap3A_83 = arith.constant 0 : index
      %swap3A_84 = arith.constant 0 : index
      %swap3A_85 = vector.load %arg8[%swap3A_83, %swap3A_84] : memref<1x512xf32, #tpu.memory_space<vmem>>, vector<1x512xf32>
      tpu.vector_store %arg8[%swap3A_83, %swap3A_84], %broadcast_in_dim3A_82 {strides = array<i32>} : memref<1x512xf32, #tpu.memory_space<vmem>>, vector<1x512xf32>,
      %broadcast_in_dim3A_86 = arith.constant 0.000000e+00 : f32
      %broadcast_in_dim3A_87 = vector.broadcast %broadcast_in_dim3A_86 : f32 to vector<1x512xf32>
      %swap3A_88 = arith.constant 0 : index
      %swap3A_89 = arith.constant 0 : index
      %swap3A_90 = vector.load %arg9[%swap3A_88, %swap3A_89] : memref<1x512xf32, #tpu.memory_space<vmem>>, vector<1x512xf32>
      tpu.vector_store %arg9[%swap3A_88, %swap3A_89], %broadcast_in_dim3A_87 {strides = array<i32>} : memref<1x512xf32, #tpu.memory_space<vmem>>, vector<1x512xf32>,
    } else {
    }
    %get3A = arith.constant 0 : index
    %get3A_2 = arith.constant 0 : index
    %get3A_3 = vector.load %arg3[%get3A, %get3A_2] : memref<1x1xf32, #tpu.memory_space<vmem>>, vector<1x1xf32>
    %get3A_4 = vector.extract %get3A_3[0, 0] : f32 from vector<1x1xf32>
    %add3A = arith.constant 1.000000e+00 : f32
    %add3A_5 = arith.addf %add3A, %get3A_4 : f32
    %get3A_6 = arith.constant 0 : index
    %get3A_7 = arith.constant 0 : index
    %get3A_8 = arith.constant 0 : index
    %get3A_9 = vector.load %arg1[%get3A_6, %get3A_7, %get3A_8] : memref<2x256x128xf32, #tpu.memory_space<vmem>>, vector<1x256x128xf32>
    %get3A_10 = vector.shape_cast %get3A_9 : vector<1x256x128xf32> to vector<256x128xf32>
    %mul3A = vector.broadcast %add3A_5 : f32 to vector<256x128xf32>
    %mul3A_11 = arith.mulf %mul3A, %get3A_10 : vector<256x128xf32>
    %get3A_12 = arith.constant 0 : index
    %get3A_13 = arith.constant 0 : index
    %get3A_14 = arith.constant 0 : index
    %get3A_15 = vector.load %arg2[%get3A_12, %get3A_13, %get3A_14] : memref<2x256x128xf32, #tpu.memory_space<vmem>>, vector<1x256x128xf32>
    %get3A_16 = vector.shape_cast %get3A_15 : vector<1x256x128xf32> to vector<256x128xf32>
    %add3A_17 = arith.addf %mul3A_11, %get3A_16 : vector<256x128xf32>
    %get3A_18 = arith.constant 0 : index
    %get3A_19 = arith.constant 0 : index
    %get3A_20 = vector.load %arg4[%get3A_18, %get3A_19] : memref<256x512xf32, #tpu.memory_space<vmem>>, vector<128x512xf32>
    %dot_general3A = arith.constant dense<0.000000e+00> : vector<256x512xf32>
    %dot_general3A_21 = tpu.matmul %add3A_17, %get3A_20, %dot_general3A {dimension_numbers = #tpu.dot_dimension_numbers<[1], [0], [0], [1], [0, 0, 1, 1], [], []>, transpose_lhs_hint = false} : vector<256x128xf32>, vector<128x512xf32>, vector<256x512xf32> -> vector<256x512xf32>
    %get3A_22 = arith.constant 1 : index
    %get3A_23 = arith.constant 0 : index
    %get3A_24 = arith.constant 0 : index
    %get3A_25 = vector.load %arg1[%get3A_22, %get3A_23, %get3A_24] : memref<2x256x128xf32, #tpu.memory_space<vmem>>, vector<1x256x128xf32>
    %get3A_26 = vector.shape_cast %get3A_25 : vector<1x256x128xf32> to vector<256x128xf32>
    %mul3A_27 = vector.broadcast %add3A_5 : f32 to vector<256x128xf32>
    %mul3A_28 = arith.mulf %mul3A_27, %get3A_26 : vector<256x128xf32>
    %get3A_29 = arith.constant 1 : index
    %get3A_30 = arith.constant 0 : index
    %get3A_31 = arith.constant 0 : index
    %get3A_32 = vector.load %arg2[%get3A_29, %get3A_30, %get3A_31] : memref<2x256x128xf32, #tpu.memory_space<vmem>>, vector<1x256x128xf32>
    %get3A_33 = vector.shape_cast %get3A_32 : vector<1x256x128xf32> to vector<256x128xf32>
    %add3A_34 = arith.addf %mul3A_28, %get3A_33 : vector<256x128xf32>
    %get3A_35 = arith.constant 128 : index
    %get3A_36 = arith.constant 0 : index
    %get3A_37 = vector.load %arg4[%get3A_35, %get3A_36] : memref<256x512xf32, #tpu.memory_space<vmem>>, vector<128x512xf32>
    %dot_general3A_38 = arith.constant dense<0.000000e+00> : vector<256x512xf32>
    %dot_general3A_39 = tpu.matmul %add3A_34, %get3A_37, %dot_general3A_38 {dimension_numbers = #tpu.dot_dimension_numbers<[1], [0], [0], [1], [0, 0, 1, 1], [], []>, transpose_lhs_hint = false} : vector<256x128xf32>, vector<128x512xf32>, vector<256x512xf32> -> vector<256x512xf32>
    %add3A_40 = arith.addf %dot_general3A_21, %dot_general3A_39 : vector<256x512xf32>
    %get3A_41 = arith.constant 0 : index
    %get3A_42 = arith.constant 0 : index
    %get3A_43 = vector.load %arg5[%get3A_41, %get3A_42] : memref<1x512xf32, #tpu.memory_space<vmem>>, vector<1x512xf32>
    %add3A_44 = vector.broadcast %get3A_43 : vector<1x512xf32> to vector<256x512xf32>
    %add3A_45 = arith.addf %add3A_40, %add3A_44 : vector<256x512xf32>
    %swap3A = arith.constant 0 : index
    %swap3A_46 = arith.constant 0 : index
    %swap3A_47 = vector.load %arg6[%swap3A, %swap3A_46] : memref<256x512xf32, #tpu.memory_space<vmem>>, vector<256x512xf32>
    tpu.vector_store %arg6[%swap3A, %swap3A_46], %add3A_45 {strides = array<i32>} : memref<256x512xf32, #tpu.memory_space<vmem>>, vector<256x512xf32>,
    %iota3A = tpu.iota {dimensions = array<i32: 0>} : vector<256x1xi32>
    %mul3A_48 = arith.constant 256 : i32
    %mul3A_49 = arith.muli %arg0, %mul3A_48 : i32
    %add3A_50 = vector.broadcast %mul3A_49 : i32 to vector<256x1xi32>
    %add3A_51 = arith.addi %iota3A, %add3A_50 : vector<256x1xi32>
    %lt3A = arith.constant 10000 : i32
    %lt3A_52 = vector.broadcast %lt3A : i32 to vector<256x1xi32>
    %lt3A_53 = arith.cmpi slt, %add3A_51, %lt3A_52 : vector<256x1xi32>
    %jit3A = arith.constant 0.000000e+00 : f32
    %broadcast_in_dim3A = vector.shape_cast %lt3A_53 : vector<256x1xi1> to vector<256x1xi1>
    %broadcast_in_dim3A_54 = vector.broadcast %broadcast_in_dim3A : vector<256x1xi1> to vector<256x512xi1>
    %broadcast_in_dim3A_55 = vector.broadcast %jit3A : f32 to vector<256x512xf32>
    %select_n3A = arith.select %broadcast_in_dim3A_54, %add3A_45, %broadcast_in_dim3A_55 : vector<256x512xi1>, vector<256x512xf32>
    %get3A_56 = arith.constant 0 : index
    %get3A_57 = arith.constant 0 : index
    %get3A_58 = vector.load %arg8[%get3A_56, %get3A_57] : memref<1x512xf32, #tpu.memory_space<vmem>>, vector<1x512xf32>
    %reduce_sum3A = arith.constant dense<0.000000e+00> : vector<512xf32>
    %reduce_sum3A_59 = vector.multi_reduction <add>, %select_n3A, %reduce_sum3A [0] : vector<256x512xf32> to vector<512xf32>
    %broadcast_in_dim3A_60 = vector.shape_cast %reduce_sum3A_59 : vector<512xf32> to vector<1x512xf32>
    %add3A_61 = arith.addf %get3A_58, %broadcast_in_dim3A_60 : vector<1x512xf32>
    %swap3A_62 = arith.constant 0 : index
    %swap3A_63 = arith.constant 0 : index
    %swap3A_64 = vector.load %arg8[%swap3A_62, %swap3A_63] : memref<1x512xf32, #tpu.memory_space<vmem>>, vector<1x512xf32>
    tpu.vector_store %arg8[%swap3A_62, %swap3A_63], %add3A_61 {strides = array<i32>} : memref<1x512xf32, #tpu.memory_space<vmem>>, vector<1x512xf32>,
    %get3A_65 = arith.constant 0 : index
    %get3A_66 = arith.constant 0 : index
    %get3A_67 = vector.load %arg9[%get3A_65, %get3A_66] : memref<1x512xf32, #tpu.memory_space<vmem>>, vector<1x512xf32>
    %mul3A_68 = arith.mulf %select_n3A, %add3A_45 : vector<256x512xf32>
    %reduce_sum3A_69 = arith.constant dense<0.000000e+00> : vector<512xf32>
    %reduce_sum3A_70 = vector.multi_reduction <add>, %mul3A_68, %reduce_sum3A_69 [0] : vector<256x512xf32> to vector<512xf32>
    %broadcast_in_dim3A_71 = vector.shape_cast %reduce_sum3A_70 : vector<512xf32> to vector<1x512xf32>
    %add3A_72 = arith.addf %get3A_67, %broadcast_in_dim3A_71 : vector<1x512xf32>
    %swap3A_73 = arith.constant 0 : index
    %swap3A_74 = arith.constant 0 : index
    %swap3A_75 = vector.load %arg9[%swap3A_73, %swap3A_74] : memref<1x512xf32, #tpu.memory_space<vmem>>, vector<1x512xf32>
    tpu.vector_store %arg9[%swap3A_73, %swap3A_74], %add3A_72 {strides = array<i32>} : memref<1x512xf32, #tpu.memory_space<vmem>>, vector<1x512xf32>,
    %eq3A_76 = arith.constant 39 : i32
    %eq3A_77 = arith.cmpi eq, %arg0, %eq3A_76 : i32
    %convert_element_type3A_78 = arith.extui %eq3A_77 : i1 to i32
    %cond3A_79 = arith.constant 0 : i32
    %cond3A_80 = arith.cmpi ne, %convert_element_type3A_78, %cond3A_79 : i32
    scf.if %cond3A_80 {
      %get3A_81 = arith.constant 0 : index
      %get3A_82 = arith.constant 0 : index
      %get3A_83 = vector.load %arg8[%get3A_81, %get3A_82] : memref<1x512xf32, #tpu.memory_space<vmem>>, vector<1x512xf32>
      %swap3A_84 = arith.constant 0 : index
      %swap3A_85 = arith.constant 0 : index
      %swap3A_86 = vector.load %arg7[%swap3A_84, %swap3A_85] : memref<2x512xf32, #tpu.memory_space<vmem>>, vector<1x512xf32>
      tpu.vector_store %arg7[%swap3A_84, %swap3A_85], %get3A_83 {strides = array<i32>} : memref<2x512xf32, #tpu.memory_space<vmem>>, vector<1x512xf32>,
      %get3A_87 = arith.constant 0 : index
      %get3A_88 = arith.constant 0 : index
      %get3A_89 = vector.load %arg9[%get3A_87, %get3A_88] : memref<1x512xf32, #tpu.memory_space<vmem>>, vector<1x512xf32>
      %swap3A_90 = arith.constant 1 : index
      %swap3A_91 = arith.constant 0 : index
      %swap3A_92 = vector.load %arg7[%swap3A_90, %swap3A_91] : memref<2x512xf32, #tpu.memory_space<vmem>>, vector<1x512xf32>
      tpu.vector_store %arg7[%swap3A_90, %swap3A_91], %get3A_89 {strides = array<i32>} : memref<2x512xf32, #tpu.memory_space<vmem>>, vector<1x512xf32>,
    } else {
    }
    return
  }
  func.func @transform_0(%arg0: i32) -> (i32, i32, i32) {
    %c0_i32 = arith.constant 0 : i32
    %c0_i32_0 = arith.constant 0 : i32
    %c0_i32_1 = arith.constant 0 : i32
    return %c0_i32, %arg0, %c0_i32_0 : i32, i32, i32
  }
  func.func @transform_1(%arg0: i32) -> (i32, i32, i32) {
    %c0_i32 = arith.constant 0 : i32
    %c0_i32_0 = arith.constant 0 : i32
    %c0_i32_1 = arith.constant 0 : i32
    return %c0_i32, %arg0, %c0_i32_0 : i32, i32, i32
  }
  func.func @transform_2(%arg0: i32) -> (i32, i32) {
    %c0_i32 = arith.constant 0 : i32
    %c0_i32_0 = arith.constant 0 : i32
    %c0_i32_1 = arith.constant 0 : i32
    return %c0_i32, %c0_i32_0 : i32, i32
  }
  func.func @transform_3(%arg0: i32) -> (i32, i32) {
    %c0_i32 = arith.constant 0 : i32
    %c0_i32_0 = arith.constant 0 : i32
    %c0_i32_1 = arith.constant 0 : i32
    return %c0_i32, %c0_i32_0 : i32, i32
  }
  func.func @transform_4(%arg0: i32) -> (i32, i32) {
    %c0_i32 = arith.constant 0 : i32
    %c0_i32_0 = arith.constant 0 : i32
    %c0_i32_1 = arith.constant 0 : i32
    return %c0_i32, %c0_i32_0 : i32, i32
  }
  func.func @transform_5(%arg0: i32) -> (i32, i32) {
    %c0_i32 = arith.constant 0 : i32
    %c0_i32_0 = arith.constant 0 : i32
    return %arg0, %c0_i32 : i32, i32
  }
  func.func @transform_6(%arg0: i32) -> (i32, i32) {
    %c0_i32 = arith.constant 0 : i32
    %c0_i32_0 = arith.constant 0 : i32
    %c0_i32_1 = arith.constant 0 : i32
    return %c0_i32, %c0_i32_0 : i32, i32
  }
}

module attributes {stable_mosaic.version = 14 : i64} {
  func.func @_mlp2_body(%arg0: i32, %arg1: memref<256x512xf32, #tpu.memory_space<vmem>>, %arg2: memref<2x512xf32, #tpu.memory_space<vmem>>, %arg3: memref<1x512xf32, #tpu.memory_space<vmem>>, %arg4: memref<1x512xf32, #tpu.memory_space<vmem>>, %arg5: memref<512x256xf32, #tpu.memory_space<vmem>>, %arg6: memref<1x256xf32, #tpu.memory_space<vmem>>, %arg7: memref<256x256xf32, #tpu.memory_space<vmem>>, %arg8: memref<2x256xf32, #tpu.memory_space<vmem>>, %arg9: memref<1x256xf32, #tpu.memory_space<vmem>>, %arg10: memref<1x256xf32, #tpu.memory_space<vmem>>) attributes {dimension_semantics = [#tpu.dimension_semantics<arbitrary>], iteration_bounds = array<i64: 40>, scalar_prefetch = 0 : i64, scratch_operands = 2 : i64, tpu.core_type = #tpu.core_type<tc>, window_params = [{transform_indices = @transform_0, window_bounds = array<i64: 256, 512>}, {pipeline_mode = #tpu.pipeline_mode<synchronous>, transform_indices = @transform_1, window_bounds = array<i64: 2, 512>}, {pipeline_mode = #tpu.pipeline_mode<synchronous>, transform_indices = @transform_2, window_bounds = array<i64: 1, 512>}, {pipeline_mode = #tpu.pipeline_mode<synchronous>, transform_indices = @transform_3, window_bounds = array<i64: 1, 512>}, {pipeline_mode = #tpu.pipeline_mode<synchronous>, transform_indices = @transform_4, window_bounds = array<i64: 512, 256>}, {pipeline_mode = #tpu.pipeline_mode<synchronous>, transform_indices = @transform_5, window_bounds = array<i64: 1, 256>}, {transform_indices = @transform_6, window_bounds = array<i64: 256, 256>}, {pipeline_mode = #tpu.pipeline_mode<synchronous>, transform_indices = @transform_7, window_bounds = array<i64: 2, 256>}]} {
    %eq3A = arith.constant 0 : i32
    %eq3A_0 = arith.cmpi eq, %arg0, %eq3A : i32
    %convert_element_type3A = arith.extui %eq3A_0 : i1 to i32
    %cond3A = arith.constant 0 : i32
    %cond3A_1 = arith.cmpi ne, %convert_element_type3A, %cond3A : i32
    scf.if %cond3A_1 {
      %broadcast_in_dim3A_77 = arith.constant 0.000000e+00 : f32
      %broadcast_in_dim3A_78 = vector.broadcast %broadcast_in_dim3A_77 : f32 to vector<1x256xf32>
      %swap3A_79 = arith.constant 0 : index
      %swap3A_80 = arith.constant 0 : index
      %swap3A_81 = vector.load %arg9[%swap3A_79, %swap3A_80] : memref<1x256xf32, #tpu.memory_space<vmem>>, vector<1x256xf32>
      tpu.vector_store %arg9[%swap3A_79, %swap3A_80], %broadcast_in_dim3A_78 {strides = array<i32>} : memref<1x256xf32, #tpu.memory_space<vmem>>, vector<1x256xf32>,
      %broadcast_in_dim3A_82 = arith.constant 0.000000e+00 : f32
      %broadcast_in_dim3A_83 = vector.broadcast %broadcast_in_dim3A_82 : f32 to vector<1x256xf32>
      %swap3A_84 = arith.constant 0 : index
      %swap3A_85 = arith.constant 0 : index
      %swap3A_86 = vector.load %arg10[%swap3A_84, %swap3A_85] : memref<1x256xf32, #tpu.memory_space<vmem>>, vector<1x256xf32>
      tpu.vector_store %arg10[%swap3A_84, %swap3A_85], %broadcast_in_dim3A_83 {strides = array<i32>} : memref<1x256xf32, #tpu.memory_space<vmem>>, vector<1x256xf32>,
    } else {
    }
    %get3A = arith.constant 0 : index
    %get3A_2 = arith.constant 0 : index
    %get3A_3 = vector.load %arg1[%get3A, %get3A_2] : memref<256x512xf32, #tpu.memory_space<vmem>>, vector<256x512xf32>
    %get3A_4 = arith.constant 0 : index
    %get3A_5 = arith.constant 0 : index
    %get3A_6 = vector.load %arg2[%get3A_4, %get3A_5] : memref<2x512xf32, #tpu.memory_space<vmem>>, vector<1x512xf32>
    %div3A = arith.constant 1.000000e+04 : f32
    %div3A_7 = vector.broadcast %div3A : f32 to vector<1x512xf32>
    %div3A_8 = arith.divf %get3A_6, %div3A_7 : vector<1x512xf32>
    %get3A_9 = arith.constant 1 : index
    %get3A_10 = arith.constant 0 : index
    %get3A_11 = vector.load %arg2[%get3A_9, %get3A_10] : memref<2x512xf32, #tpu.memory_space<vmem>>, vector<1x512xf32>
    %div3A_12 = arith.constant 1.000000e+04 : f32
    %div3A_13 = vector.broadcast %div3A_12 : f32 to vector<1x512xf32>
    %div3A_14 = arith.divf %get3A_11, %div3A_13 : vector<1x512xf32>
    %mul3A = arith.mulf %div3A_8, %div3A_8 : vector<1x512xf32>
    %sub3A = arith.subf %div3A_14, %mul3A : vector<1x512xf32>
    %add3A = arith.constant 9.99999974E-6 : f32
    %add3A_15 = vector.broadcast %add3A : f32 to vector<1x512xf32>
    %add3A_16 = arith.addf %sub3A, %add3A_15 : vector<1x512xf32>
    %rsqrt3A = math.rsqrt %add3A_16 : vector<1x512xf32>
    %sub3A_17 = vector.broadcast %div3A_8 : vector<1x512xf32> to vector<256x512xf32>
    %sub3A_18 = arith.subf %get3A_3, %sub3A_17 : vector<256x512xf32>
    %mul3A_19 = vector.broadcast %rsqrt3A : vector<1x512xf32> to vector<256x512xf32>
    %mul3A_20 = arith.mulf %sub3A_18, %mul3A_19 : vector<256x512xf32>
    %get3A_21 = arith.constant 0 : index
    %get3A_22 = arith.constant 0 : index
    %get3A_23 = vector.load %arg3[%get3A_21, %get3A_22] : memref<1x512xf32, #tpu.memory_space<vmem>>, vector<1x512xf32>
    %mul3A_24 = vector.broadcast %get3A_23 : vector<1x512xf32> to vector<256x512xf32>
    %mul3A_25 = arith.mulf %mul3A_20, %mul3A_24 : vector<256x512xf32>
    %get3A_26 = arith.constant 0 : index
    %get3A_27 = arith.constant 0 : index
    %get3A_28 = vector.load %arg4[%get3A_26, %get3A_27] : memref<1x512xf32, #tpu.memory_space<vmem>>, vector<1x512xf32>
    %add3A_29 = vector.broadcast %get3A_28 : vector<1x512xf32> to vector<256x512xf32>
    %add3A_30 = arith.addf %mul3A_25, %add3A_29 : vector<256x512xf32>
    %max3A = arith.constant 0.000000e+00 : f32
    %max3A_31 = vector.broadcast %max3A : f32 to vector<256x512xf32>
    %max3A_32 = arith.maximumf %add3A_30, %max3A_31 : vector<256x512xf32>
    %get3A_33 = arith.constant 0 : index
    %get3A_34 = arith.constant 0 : index
    %get3A_35 = vector.load %arg5[%get3A_33, %get3A_34] : memref<512x256xf32, #tpu.memory_space<vmem>>, vector<512x256xf32>
    %dot_general3A = arith.constant dense<0.000000e+00> : vector<256x256xf32>
    %dot_general3A_36 = tpu.matmul %max3A_32, %get3A_35, %dot_general3A {dimension_numbers = #tpu.dot_dimension_numbers<[1], [0], [0], [1], [0, 0, 1, 1], [], []>, transpose_lhs_hint = false} : vector<256x512xf32>, vector<512x256xf32>, vector<256x256xf32> -> vector<256x256xf32>
    %get3A_37 = arith.constant 0 : index
    %get3A_38 = arith.constant 0 : index
    %get3A_39 = vector.load %arg6[%get3A_37, %get3A_38] : memref<1x256xf32, #tpu.memory_space<vmem>>, vector<1x256xf32>
    %add3A_40 = vector.broadcast %get3A_39 : vector<1x256xf32> to vector<256x256xf32>
    %add3A_41 = arith.addf %dot_general3A_36, %add3A_40 : vector<256x256xf32>
    %swap3A = arith.constant 0 : index
    %swap3A_42 = arith.constant 0 : index
    %swap3A_43 = vector.load %arg7[%swap3A, %swap3A_42] : memref<256x256xf32, #tpu.memory_space<vmem>>, vector<256x256xf32>
    tpu.vector_store %arg7[%swap3A, %swap3A_42], %add3A_41 {strides = array<i32>} : memref<256x256xf32, #tpu.memory_space<vmem>>, vector<256x256xf32>,
    %iota3A = tpu.iota {dimensions = array<i32: 0>} : vector<256x1xi32>
    %mul3A_44 = arith.constant 256 : i32
    %mul3A_45 = arith.muli %arg0, %mul3A_44 : i32
    %add3A_46 = vector.broadcast %mul3A_45 : i32 to vector<256x1xi32>
    %add3A_47 = arith.addi %iota3A, %add3A_46 : vector<256x1xi32>
    %lt3A = arith.constant 10000 : i32
    %lt3A_48 = vector.broadcast %lt3A : i32 to vector<256x1xi32>
    %lt3A_49 = arith.cmpi slt, %add3A_47, %lt3A_48 : vector<256x1xi32>
    %jit3A = arith.constant 0.000000e+00 : f32
    %broadcast_in_dim3A = vector.shape_cast %lt3A_49 : vector<256x1xi1> to vector<256x1xi1>
    %broadcast_in_dim3A_50 = vector.broadcast %broadcast_in_dim3A : vector<256x1xi1> to vector<256x256xi1>
    %broadcast_in_dim3A_51 = vector.broadcast %jit3A : f32 to vector<256x256xf32>
    %select_n3A = arith.select %broadcast_in_dim3A_50, %add3A_41, %broadcast_in_dim3A_51 : vector<256x256xi1>, vector<256x256xf32>
    %get3A_52 = arith.constant 0 : index
    %get3A_53 = arith.constant 0 : index
    %get3A_54 = vector.load %arg9[%get3A_52, %get3A_53] : memref<1x256xf32, #tpu.memory_space<vmem>>, vector<1x256xf32>
    %reduce_sum3A = arith.constant dense<0.000000e+00> : vector<256xf32>
    %reduce_sum3A_55 = vector.multi_reduction <add>, %select_n3A, %reduce_sum3A [0] : vector<256x256xf32> to vector<256xf32>
    %broadcast_in_dim3A_56 = vector.shape_cast %reduce_sum3A_55 : vector<256xf32> to vector<1x256xf32>
    %add3A_57 = arith.addf %get3A_54, %broadcast_in_dim3A_56 : vector<1x256xf32>
    %swap3A_58 = arith.constant 0 : index
    %swap3A_59 = arith.constant 0 : index
    %swap3A_60 = vector.load %arg9[%swap3A_58, %swap3A_59] : memref<1x256xf32, #tpu.memory_space<vmem>>, vector<1x256xf32>
    tpu.vector_store %arg9[%swap3A_58, %swap3A_59], %add3A_57 {strides = array<i32>} : memref<1x256xf32, #tpu.memory_space<vmem>>, vector<1x256xf32>,
    %get3A_61 = arith.constant 0 : index
    %get3A_62 = arith.constant 0 : index
    %get3A_63 = vector.load %arg10[%get3A_61, %get3A_62] : memref<1x256xf32, #tpu.memory_space<vmem>>, vector<1x256xf32>
    %mul3A_64 = arith.mulf %select_n3A, %add3A_41 : vector<256x256xf32>
    %reduce_sum3A_65 = arith.constant dense<0.000000e+00> : vector<256xf32>
    %reduce_sum3A_66 = vector.multi_reduction <add>, %mul3A_64, %reduce_sum3A_65 [0] : vector<256x256xf32> to vector<256xf32>
    %broadcast_in_dim3A_67 = vector.shape_cast %reduce_sum3A_66 : vector<256xf32> to vector<1x256xf32>
    %add3A_68 = arith.addf %get3A_63, %broadcast_in_dim3A_67 : vector<1x256xf32>
    %swap3A_69 = arith.constant 0 : index
    %swap3A_70 = arith.constant 0 : index
    %swap3A_71 = vector.load %arg10[%swap3A_69, %swap3A_70] : memref<1x256xf32, #tpu.memory_space<vmem>>, vector<1x256xf32>
    tpu.vector_store %arg10[%swap3A_69, %swap3A_70], %add3A_68 {strides = array<i32>} : memref<1x256xf32, #tpu.memory_space<vmem>>, vector<1x256xf32>,
    %eq3A_72 = arith.constant 39 : i32
    %eq3A_73 = arith.cmpi eq, %arg0, %eq3A_72 : i32
    %convert_element_type3A_74 = arith.extui %eq3A_73 : i1 to i32
    %cond3A_75 = arith.constant 0 : i32
    %cond3A_76 = arith.cmpi ne, %convert_element_type3A_74, %cond3A_75 : i32
    scf.if %cond3A_76 {
      %get3A_77 = arith.constant 0 : index
      %get3A_78 = arith.constant 0 : index
      %get3A_79 = vector.load %arg9[%get3A_77, %get3A_78] : memref<1x256xf32, #tpu.memory_space<vmem>>, vector<1x256xf32>
      %swap3A_80 = arith.constant 0 : index
      %swap3A_81 = arith.constant 0 : index
      %swap3A_82 = vector.load %arg8[%swap3A_80, %swap3A_81] : memref<2x256xf32, #tpu.memory_space<vmem>>, vector<1x256xf32>
      tpu.vector_store %arg8[%swap3A_80, %swap3A_81], %get3A_79 {strides = array<i32>} : memref<2x256xf32, #tpu.memory_space<vmem>>, vector<1x256xf32>,
      %get3A_83 = arith.constant 0 : index
      %get3A_84 = arith.constant 0 : index
      %get3A_85 = vector.load %arg10[%get3A_83, %get3A_84] : memref<1x256xf32, #tpu.memory_space<vmem>>, vector<1x256xf32>
      %swap3A_86 = arith.constant 1 : index
      %swap3A_87 = arith.constant 0 : index
      %swap3A_88 = vector.load %arg8[%swap3A_86, %swap3A_87] : memref<2x256xf32, #tpu.memory_space<vmem>>, vector<1x256xf32>
      tpu.vector_store %arg8[%swap3A_86, %swap3A_87], %get3A_85 {strides = array<i32>} : memref<2x256xf32, #tpu.memory_space<vmem>>, vector<1x256xf32>,
    } else {
    }
    return
  }
  func.func @transform_0(%arg0: i32) -> (i32, i32) {
    %c0_i32 = arith.constant 0 : i32
    %c0_i32_0 = arith.constant 0 : i32
    return %arg0, %c0_i32 : i32, i32
  }
  func.func @transform_1(%arg0: i32) -> (i32, i32) {
    %c0_i32 = arith.constant 0 : i32
    %c0_i32_0 = arith.constant 0 : i32
    %c0_i32_1 = arith.constant 0 : i32
    return %c0_i32, %c0_i32_0 : i32, i32
  }
  func.func @transform_2(%arg0: i32) -> (i32, i32) {
    %c0_i32 = arith.constant 0 : i32
    %c0_i32_0 = arith.constant 0 : i32
    %c0_i32_1 = arith.constant 0 : i32
    return %c0_i32, %c0_i32_0 : i32, i32
  }
  func.func @transform_3(%arg0: i32) -> (i32, i32) {
    %c0_i32 = arith.constant 0 : i32
    %c0_i32_0 = arith.constant 0 : i32
    %c0_i32_1 = arith.constant 0 : i32
    return %c0_i32, %c0_i32_0 : i32, i32
  }
  func.func @transform_4(%arg0: i32) -> (i32, i32) {
    %c0_i32 = arith.constant 0 : i32
    %c0_i32_0 = arith.constant 0 : i32
    %c0_i32_1 = arith.constant 0 : i32
    return %c0_i32, %c0_i32_0 : i32, i32
  }
  func.func @transform_5(%arg0: i32) -> (i32, i32) {
    %c0_i32 = arith.constant 0 : i32
    %c0_i32_0 = arith.constant 0 : i32
    %c0_i32_1 = arith.constant 0 : i32
    return %c0_i32, %c0_i32_0 : i32, i32
  }
  func.func @transform_6(%arg0: i32) -> (i32, i32) {
    %c0_i32 = arith.constant 0 : i32
    %c0_i32_0 = arith.constant 0 : i32
    return %arg0, %c0_i32 : i32, i32
  }
  func.func @transform_7(%arg0: i32) -> (i32, i32) {
    %c0_i32 = arith.constant 0 : i32
    %c0_i32_0 = arith.constant 0 : i32
    %c0_i32_1 = arith.constant 0 : i32
    return %c0_i32, %c0_i32_0 : i32, i32
  }
}

module attributes {stable_mosaic.version = 14 : i64} {
  func.func @_hnext_body(%arg0: i32, %arg1: memref<256x256xf32, #tpu.memory_space<vmem>>, %arg2: memref<2x256xf32, #tpu.memory_space<vmem>>, %arg3: memref<1x256xf32, #tpu.memory_space<vmem>>, %arg4: memref<1x256xf32, #tpu.memory_space<vmem>>, %arg5: memref<2x256x128xf32, #tpu.memory_space<vmem>>) attributes {dimension_semantics = [#tpu.dimension_semantics<arbitrary>], iteration_bounds = array<i64: 40>, scalar_prefetch = 0 : i64, scratch_operands = 0 : i64, tpu.core_type = #tpu.core_type<tc>, window_params = [{transform_indices = @transform_0, window_bounds = array<i64: 256, 256>}, {pipeline_mode = #tpu.pipeline_mode<synchronous>, transform_indices = @transform_1, window_bounds = array<i64: 2, 256>}, {pipeline_mode = #tpu.pipeline_mode<synchronous>, transform_indices = @transform_2, window_bounds = array<i64: 1, 256>}, {pipeline_mode = #tpu.pipeline_mode<synchronous>, transform_indices = @transform_3, window_bounds = array<i64: 1, 256>}, {transform_indices = @transform_4, window_bounds = array<i64: 2, 256, 128>}]} {
    %get3A = arith.constant 0 : index
    %get3A_0 = arith.constant 0 : index
    %get3A_1 = vector.load %arg1[%get3A, %get3A_0] : memref<256x256xf32, #tpu.memory_space<vmem>>, vector<256x256xf32>
    %get3A_2 = arith.constant 0 : index
    %get3A_3 = arith.constant 0 : index
    %get3A_4 = vector.load %arg2[%get3A_2, %get3A_3] : memref<2x256xf32, #tpu.memory_space<vmem>>, vector<1x256xf32>
    %div3A = arith.constant 1.000000e+04 : f32
    %div3A_5 = vector.broadcast %div3A : f32 to vector<1x256xf32>
    %div3A_6 = arith.divf %get3A_4, %div3A_5 : vector<1x256xf32>
    %get3A_7 = arith.constant 1 : index
    %get3A_8 = arith.constant 0 : index
    %get3A_9 = vector.load %arg2[%get3A_7, %get3A_8] : memref<2x256xf32, #tpu.memory_space<vmem>>, vector<1x256xf32>
    %div3A_10 = arith.constant 1.000000e+04 : f32
    %div3A_11 = vector.broadcast %div3A_10 : f32 to vector<1x256xf32>
    %div3A_12 = arith.divf %get3A_9, %div3A_11 : vector<1x256xf32>
    %mul3A = arith.mulf %div3A_6, %div3A_6 : vector<1x256xf32>
    %sub3A = arith.subf %div3A_12, %mul3A : vector<1x256xf32>
    %add3A = arith.constant 9.99999974E-6 : f32
    %add3A_13 = vector.broadcast %add3A : f32 to vector<1x256xf32>
    %add3A_14 = arith.addf %sub3A, %add3A_13 : vector<1x256xf32>
    %rsqrt3A = math.rsqrt %add3A_14 : vector<1x256xf32>
    %sub3A_15 = vector.broadcast %div3A_6 : vector<1x256xf32> to vector<256x256xf32>
    %sub3A_16 = arith.subf %get3A_1, %sub3A_15 : vector<256x256xf32>
    %mul3A_17 = vector.broadcast %rsqrt3A : vector<1x256xf32> to vector<256x256xf32>
    %mul3A_18 = arith.mulf %sub3A_16, %mul3A_17 : vector<256x256xf32>
    %get3A_19 = arith.constant 0 : index
    %get3A_20 = arith.constant 0 : index
    %get3A_21 = vector.load %arg3[%get3A_19, %get3A_20] : memref<1x256xf32, #tpu.memory_space<vmem>>, vector<1x256xf32>
    %mul3A_22 = vector.broadcast %get3A_21 : vector<1x256xf32> to vector<256x256xf32>
    %mul3A_23 = arith.mulf %mul3A_18, %mul3A_22 : vector<256x256xf32>
    %get3A_24 = arith.constant 0 : index
    %get3A_25 = arith.constant 0 : index
    %get3A_26 = vector.load %arg4[%get3A_24, %get3A_25] : memref<1x256xf32, #tpu.memory_space<vmem>>, vector<1x256xf32>
    %add3A_27 = vector.broadcast %get3A_26 : vector<1x256xf32> to vector<256x256xf32>
    %add3A_28 = arith.addf %mul3A_23, %add3A_27 : vector<256x256xf32>
    %max3A = arith.constant 0.000000e+00 : f32
    %max3A_29 = vector.broadcast %max3A : f32 to vector<256x256xf32>
    %max3A_30 = arith.maximumf %add3A_28, %max3A_29 : vector<256x256xf32>
    %slice3A = vector.extract_strided_slice %max3A_30 {offsets = [0, 0], sizes = [256, 128], strides = [1, 1]} : vector<256x256xf32> to vector<256x128xf32>
    %swap3A = arith.constant 0 : index
    %swap3A_31 = arith.constant 0 : index
    %swap3A_32 = arith.constant 0 : index
    %swap3A_33 = vector.load %arg5[%swap3A, %swap3A_31, %swap3A_32] : memref<2x256x128xf32, #tpu.memory_space<vmem>>, vector<1x256x128xf32>
    %swap3A_34 = vector.shape_cast %swap3A_33 : vector<1x256x128xf32> to vector<256x128xf32>
    %swap3A_35 = vector.shape_cast %slice3A : vector<256x128xf32> to vector<1x256x128xf32>
    tpu.vector_store %arg5[%swap3A, %swap3A_31, %swap3A_32], %swap3A_35 {strides = array<i32>} : memref<2x256x128xf32, #tpu.memory_space<vmem>>, vector<1x256x128xf32>,
    %slice3A_36 = vector.extract_strided_slice %max3A_30 {offsets = [0, 128], sizes = [256, 128], strides = [1, 1]} : vector<256x256xf32> to vector<256x128xf32>
    %swap3A_37 = arith.constant 1 : index
    %swap3A_38 = arith.constant 0 : index
    %swap3A_39 = arith.constant 0 : index
    %swap3A_40 = vector.load %arg5[%swap3A_37, %swap3A_38, %swap3A_39] : memref<2x256x128xf32, #tpu.memory_space<vmem>>, vector<1x256x128xf32>
    %swap3A_41 = vector.shape_cast %swap3A_40 : vector<1x256x128xf32> to vector<256x128xf32>
    %swap3A_42 = vector.shape_cast %slice3A_36 : vector<256x128xf32> to vector<1x256x128xf32>
    tpu.vector_store %arg5[%swap3A_37, %swap3A_38, %swap3A_39], %swap3A_42 {strides = array<i32>} : memref<2x256x128xf32, #tpu.memory_space<vmem>>, vector<1x256x128xf32>,
    return
  }
  func.func @transform_0(%arg0: i32) -> (i32, i32) {
    %c0_i32 = arith.constant 0 : i32
    %c0_i32_0 = arith.constant 0 : i32
    return %arg0, %c0_i32 : i32, i32
  }
  func.func @transform_1(%arg0: i32) -> (i32, i32) {
    %c0_i32 = arith.constant 0 : i32
    %c0_i32_0 = arith.constant 0 : i32
    %c0_i32_1 = arith.constant 0 : i32
    return %c0_i32, %c0_i32_0 : i32, i32
  }
  func.func @transform_2(%arg0: i32) -> (i32, i32) {
    %c0_i32 = arith.constant 0 : i32
    %c0_i32_0 = arith.constant 0 : i32
    %c0_i32_1 = arith.constant 0 : i32
    return %c0_i32, %c0_i32_0 : i32, i32
  }
  func.func @transform_3(%arg0: i32) -> (i32, i32) {
    %c0_i32 = arith.constant 0 : i32
    %c0_i32_0 = arith.constant 0 : i32
    %c0_i32_1 = arith.constant 0 : i32
    return %c0_i32, %c0_i32_0 : i32, i32
  }
  func.func @transform_4(%arg0: i32) -> (i32, i32, i32) {
    %c0_i32 = arith.constant 0 : i32
    %c0_i32_0 = arith.constant 0 : i32
    %c0_i32_1 = arith.constant 0 : i32
    return %c0_i32, %arg0, %c0_i32_0 : i32, i32, i32
  }
}

module attributes {stable_mosaic.version = 14 : i64} {
  func.func @_pool_body(%arg0: i32, %arg1: memref<256x256xf32, #tpu.memory_space<vmem>>, %arg2: memref<2x256xf32, #tpu.memory_space<vmem>>, %arg3: memref<1x256xf32, #tpu.memory_space<vmem>>, %arg4: memref<1x256xf32, #tpu.memory_space<vmem>>, %arg5: memref<1x1x256xi32, #tpu.memory_space<vmem>>, %arg6: memref<256x256xf32, #tpu.memory_space<vmem>>, %arg7: memref<1x256xf32, #tpu.memory_space<vmem>>, %arg8: memref<64x256xf32, #tpu.memory_space<vmem>>, %arg9: memref<64x256xf32, #tpu.memory_space<vmem>>) attributes {dimension_semantics = [#tpu.dimension_semantics<arbitrary>], iteration_bounds = array<i64: 40>, scalar_prefetch = 0 : i64, scratch_operands = 1 : i64, tpu.core_type = #tpu.core_type<tc>, window_params = [{transform_indices = @transform_0, window_bounds = array<i64: 256, 256>}, {pipeline_mode = #tpu.pipeline_mode<synchronous>, transform_indices = @transform_1, window_bounds = array<i64: 2, 256>}, {pipeline_mode = #tpu.pipeline_mode<synchronous>, transform_indices = @transform_2, window_bounds = array<i64: 1, 256>}, {pipeline_mode = #tpu.pipeline_mode<synchronous>, transform_indices = @transform_3, window_bounds = array<i64: 1, 256>}, {transform_indices = @transform_4, window_bounds = array<i64: 1, 1, 256>}, {pipeline_mode = #tpu.pipeline_mode<synchronous>, transform_indices = @transform_5, window_bounds = array<i64: 256, 256>}, {pipeline_mode = #tpu.pipeline_mode<synchronous>, transform_indices = @transform_6, window_bounds = array<i64: 1, 256>}, {pipeline_mode = #tpu.pipeline_mode<synchronous>, transform_indices = @transform_7, window_bounds = array<i64: 64, 256>}]} {
    %eq3A = arith.constant 0 : i32
    %eq3A_0 = arith.cmpi eq, %arg0, %eq3A : i32
    %convert_element_type3A = arith.extui %eq3A_0 : i1 to i32
    %cond3A = arith.constant 0 : i32
    %cond3A_1 = arith.cmpi ne, %convert_element_type3A, %cond3A : i32
    scf.if %cond3A_1 {
      %broadcast_in_dim3A = arith.constant 0.000000e+00 : f32
      %broadcast_in_dim3A_55 = vector.broadcast %broadcast_in_dim3A : f32 to vector<64x256xf32>
      %swap3A_56 = arith.constant 0 : index
      %swap3A_57 = arith.constant 0 : index
      %swap3A_58 = vector.load %arg9[%swap3A_56, %swap3A_57] : memref<64x256xf32, #tpu.memory_space<vmem>>, vector<64x256xf32>
      tpu.vector_store %arg9[%swap3A_56, %swap3A_57], %broadcast_in_dim3A_55 {strides = array<i32>} : memref<64x256xf32, #tpu.memory_space<vmem>>, vector<64x256xf32>,
    } else {
    }
    %get3A = arith.constant 0 : index
    %get3A_2 = arith.constant 0 : index
    %get3A_3 = vector.load %arg1[%get3A, %get3A_2] : memref<256x256xf32, #tpu.memory_space<vmem>>, vector<256x256xf32>
    %get3A_4 = arith.constant 0 : index
    %get3A_5 = arith.constant 0 : index
    %get3A_6 = vector.load %arg2[%get3A_4, %get3A_5] : memref<2x256xf32, #tpu.memory_space<vmem>>, vector<1x256xf32>
    %div3A = arith.constant 1.000000e+04 : f32
    %div3A_7 = vector.broadcast %div3A : f32 to vector<1x256xf32>
    %div3A_8 = arith.divf %get3A_6, %div3A_7 : vector<1x256xf32>
    %get3A_9 = arith.constant 1 : index
    %get3A_10 = arith.constant 0 : index
    %get3A_11 = vector.load %arg2[%get3A_9, %get3A_10] : memref<2x256xf32, #tpu.memory_space<vmem>>, vector<1x256xf32>
    %div3A_12 = arith.constant 1.000000e+04 : f32
    %div3A_13 = vector.broadcast %div3A_12 : f32 to vector<1x256xf32>
    %div3A_14 = arith.divf %get3A_11, %div3A_13 : vector<1x256xf32>
    %mul3A = arith.mulf %div3A_8, %div3A_8 : vector<1x256xf32>
    %sub3A = arith.subf %div3A_14, %mul3A : vector<1x256xf32>
    %add3A = arith.constant 9.99999974E-6 : f32
    %add3A_15 = vector.broadcast %add3A : f32 to vector<1x256xf32>
    %add3A_16 = arith.addf %sub3A, %add3A_15 : vector<1x256xf32>
    %rsqrt3A = math.rsqrt %add3A_16 : vector<1x256xf32>
    %sub3A_17 = vector.broadcast %div3A_8 : vector<1x256xf32> to vector<256x256xf32>
    %sub3A_18 = arith.subf %get3A_3, %sub3A_17 : vector<256x256xf32>
    %mul3A_19 = vector.broadcast %rsqrt3A : vector<1x256xf32> to vector<256x256xf32>
    %mul3A_20 = arith.mulf %sub3A_18, %mul3A_19 : vector<256x256xf32>
    %get3A_21 = arith.constant 0 : index
    %get3A_22 = arith.constant 0 : index
    %get3A_23 = vector.load %arg3[%get3A_21, %get3A_22] : memref<1x256xf32, #tpu.memory_space<vmem>>, vector<1x256xf32>
    %mul3A_24 = vector.broadcast %get3A_23 : vector<1x256xf32> to vector<256x256xf32>
    %mul3A_25 = arith.mulf %mul3A_20, %mul3A_24 : vector<256x256xf32>
    %get3A_26 = arith.constant 0 : index
    %get3A_27 = arith.constant 0 : index
    %get3A_28 = vector.load %arg4[%get3A_26, %get3A_27] : memref<1x256xf32, #tpu.memory_space<vmem>>, vector<1x256xf32>
    %add3A_29 = vector.broadcast %get3A_28 : vector<1x256xf32> to vector<256x256xf32>
    %add3A_30 = arith.addf %mul3A_25, %add3A_29 : vector<256x256xf32>
    %max3A = arith.constant 0.000000e+00 : f32
    %max3A_31 = vector.broadcast %max3A : f32 to vector<256x256xf32>
    %max3A_32 = arith.maximumf %add3A_30, %max3A_31 : vector<256x256xf32>
    %iota3A = tpu.iota {dimensions = array<i32: 0>} : vector<64x1xi32>
    %get3A_33 = arith.constant 0 : index
    %get3A_34 = arith.constant 0 : index
    %get3A_35 = arith.constant 0 : index
    %get3A_36 = vector.load %arg5[%get3A_33, %get3A_34, %get3A_35] : memref<1x1x256xi32, #tpu.memory_space<vmem>>, vector<1x1x256xi32>
    %get3A_37 = vector.shape_cast %get3A_36 : vector<1x1x256xi32> to vector<1x256xi32>
    %eq3A_38 = vector.broadcast %iota3A : vector<64x1xi32> to vector<64x256xi32>
    %eq3A_39 = vector.broadcast %get3A_37 : vector<1x256xi32> to vector<64x256xi32>
    %eq3A_40 = arith.cmpi eq, %eq3A_38, %eq3A_39 : vector<64x256xi32>
    %convert_element_type3A_41 = arith.extui %eq3A_40 : vector<64x256xi1> to vector<64x256xi32>
    %convert_element_type3A_42 = arith.sitofp %convert_element_type3A_41 : vector<64x256xi32> to vector<64x256xf32>
    %get3A_43 = arith.constant 0 : index
    %get3A_44 = arith.constant 0 : index
    %get3A_45 = vector.load %arg9[%get3A_43, %get3A_44] : memref<64x256xf32, #tpu.memory_space<vmem>>, vector<64x256xf32>
    %dot_general3A = arith.constant dense<0.000000e+00> : vector<64x256xf32>
    %dot_general3A_46 = tpu.matmul %convert_element_type3A_42, %max3A_32, %dot_general3A {dimension_numbers = #tpu.dot_dimension_numbers<[1], [0], [0], [1], [0, 0, 1, 1], [], []>, transpose_lhs_hint = false} : vector<64x256xf32>, vector<256x256xf32>, vector<64x256xf32> -> vector<64x256xf32>
    %add3A_47 = arith.addf %get3A_45, %dot_general3A_46 : vector<64x256xf32>
    %swap3A = arith.constant 0 : index
    %swap3A_48 = arith.constant 0 : index
    %swap3A_49 = vector.load %arg9[%swap3A, %swap3A_48] : memref<64x256xf32, #tpu.memory_space<vmem>>, vector<64x256xf32>
    tpu.vector_store %arg9[%swap3A, %swap3A_48], %add3A_47 {strides = array<i32>} : memref<64x256xf32, #tpu.memory_space<vmem>>, vector<64x256xf32>,
    %eq3A_50 = arith.constant 39 : i32
    %eq3A_51 = arith.cmpi eq, %arg0, %eq3A_50 : i32
    %convert_element_type3A_52 = arith.extui %eq3A_51 : i1 to i32
    %cond3A_53 = arith.constant 0 : i32
    %cond3A_54 = arith.cmpi ne, %convert_element_type3A_52, %cond3A_53 : i32
    scf.if %cond3A_54 {
      %get3A_55 = arith.constant 0 : index
      %get3A_56 = arith.constant 0 : index
      %get3A_57 = vector.load %arg9[%get3A_55, %get3A_56] : memref<64x256xf32, #tpu.memory_space<vmem>>, vector<64x256xf32>
      %get3A_58 = arith.constant 0 : index
      %get3A_59 = arith.constant 0 : index
      %get3A_60 = vector.load %arg6[%get3A_58, %get3A_59] : memref<256x256xf32, #tpu.memory_space<vmem>>, vector<256x256xf32>
      %dot_general3A_61 = arith.constant dense<0.000000e+00> : vector<64x256xf32>
      %dot_general3A_62 = tpu.matmul %get3A_57, %get3A_60, %dot_general3A_61 {dimension_numbers = #tpu.dot_dimension_numbers<[1], [0], [0], [1], [0, 0, 1, 1], [], []>, transpose_lhs_hint = false} : vector<64x256xf32>, vector<256x256xf32>, vector<64x256xf32> -> vector<64x256xf32>
      %get3A_63 = arith.constant 0 : index
      %get3A_64 = arith.constant 0 : index
      %get3A_65 = vector.load %arg7[%get3A_63, %get3A_64] : memref<1x256xf32, #tpu.memory_space<vmem>>, vector<1x256xf32>
      %add3A_66 = vector.broadcast %get3A_65 : vector<1x256xf32> to vector<64x256xf32>
      %add3A_67 = arith.addf %dot_general3A_62, %add3A_66 : vector<64x256xf32>
      %swap3A_68 = arith.constant 0 : index
      %swap3A_69 = arith.constant 0 : index
      %swap3A_70 = vector.load %arg8[%swap3A_68, %swap3A_69] : memref<64x256xf32, #tpu.memory_space<vmem>>, vector<64x256xf32>
      tpu.vector_store %arg8[%swap3A_68, %swap3A_69], %add3A_67 {strides = array<i32>} : memref<64x256xf32, #tpu.memory_space<vmem>>, vector<64x256xf32>,
    } else {
    }
    return
  }
  func.func @transform_0(%arg0: i32) -> (i32, i32) {
    %c0_i32 = arith.constant 0 : i32
    %c0_i32_0 = arith.constant 0 : i32
    return %arg0, %c0_i32 : i32, i32
  }
  func.func @transform_1(%arg0: i32) -> (i32, i32) {
    %c0_i32 = arith.constant 0 : i32
    %c0_i32_0 = arith.constant 0 : i32
    %c0_i32_1 = arith.constant 0 : i32
    return %c0_i32, %c0_i32_0 : i32, i32
  }
  func.func @transform_2(%arg0: i32) -> (i32, i32) {
    %c0_i32 = arith.constant 0 : i32
    %c0_i32_0 = arith.constant 0 : i32
    %c0_i32_1 = arith.constant 0 : i32
    return %c0_i32, %c0_i32_0 : i32, i32
  }
  func.func @transform_3(%arg0: i32) -> (i32, i32) {
    %c0_i32 = arith.constant 0 : i32
    %c0_i32_0 = arith.constant 0 : i32
    %c0_i32_1 = arith.constant 0 : i32
    return %c0_i32, %c0_i32_0 : i32, i32
  }
  func.func @transform_4(%arg0: i32) -> (i32, i32, i32) {
    %c0_i32 = arith.constant 0 : i32
    %c0_i32_0 = arith.constant 0 : i32
    %c0_i32_1 = arith.constant 0 : i32
    return %arg0, %c0_i32, %c0_i32_0 : i32, i32, i32
  }
  func.func @transform_5(%arg0: i32) -> (i32, i32) {
    %c0_i32 = arith.constant 0 : i32
    %c0_i32_0 = arith.constant 0 : i32
    %c0_i32_1 = arith.constant 0 : i32
    return %c0_i32, %c0_i32_0 : i32, i32
  }
  func.func @transform_6(%arg0: i32) -> (i32, i32) {
    %c0_i32 = arith.constant 0 : i32
    %c0_i32_0 = arith.constant 0 : i32
    %c0_i32_1 = arith.constant 0 : i32
    return %c0_i32, %c0_i32_0 : i32, i32
  }
  func.func @transform_7(%arg0: i32) -> (i32, i32) {
    %c0_i32 = arith.constant 0 : i32
    %c0_i32_0 = arith.constant 0 : i32
    %c0_i32_1 = arith.constant 0 : i32
    return %c0_i32, %c0_i32_0 : i32, i32
  }
}

</mosaic_0001>

<sc_bundles>
// kernel: kernel.15.cloned.1.call-start
scs
__scs_entry_jumppad:
0x0: {  	(pc) =	sbr.rel $0x88, $3  }
0x1: {  	(tag) =	ssettag $0x0;
	lr =	simm.s32 $0x1  }
0x2: {  	[smem:$0x3F91] =	sst lr;
	_ =	strace $0xD0000000  }
0x3: {  	_ = 	snop  }
0x4: {  	_ = 	snop  }
0x5: {  	_ = 	snop  }
0x6: {  	_ = 	snop  }
0x7: {  	_ = 	snop  }
__scs_overlays_trampoline_lowered:
0x8: {  	[smem:$0x3FA0] =	sst s0  }
0x9: {  	[smem:$0x3FA1] =	sst s1  }
0xa: {  	[smem:$0x3FA2] =	sst s2  }
0xb: {  	[smem:$0x3FA3] =	sst s3  }
0xc: {  	[smem:$0x3FA4] =	sst s4  }
0xd: {  	[smem:$0x3FA5] =	sst s5  }
0xe: {  	[smem:$0x3FA6] =	sst s6  }
0xf: {  	[smem:$0x3FA7] =	sst s7  }
0x10: {  	[smem:$0x3FA8] =	sst s8  }
0x11: {  	[smem:$0x3FA9] =	sst s9;
	s0 =	simm.s32 @!p0 $0x0  }
0x12: {  	s1 =	sld [smem:$0x3F8F];
	s0 =	simm.s32 @p0 $0x1  }
0x13: {  	[smem:$0x3FAA] =	sst s0;
	s0 =	simm.s32 @!p1 $0x0  }
0x14: {  	s2 =	sld [smem:$0x3F8E];
	s0 =	simm.s32 @p1 $0x1  }
0x15: {  	[smem:$0x3FAB] =	sst s0;
	s0 =	simm.s32 @!p2 $0x0  }
0x16: {  	s3 =	sld [smem:$0x3FDB];
	s0 =	simm.s32 @p2 $0x1  }
0x17: {  	s4 =	simm.s32 $0x1BF5;
	[smem:$0x3FAD] =	sst s0  }
0x18: {  	s0 =	sld [smem:$0x3F90];
	_ =	swait.ge [sflag:s4], $0x0  }
0x19: {  	s7 =	sld [smem:$0x3F91]  }
0x1a: {  	s8 =	sadd.s32 $0xFFFFE003, lr  }
0x1b: {  	s9 =	sadd.s32 $0xFFFFFEF7, lr;
	s5 =	simm.s32 $0xFFFFFFFF;
	p2 =	slt.u32 s8, $0xFFFFF086  }
0x1c: {  	p1 =	slt.u32 s9, $0xF7A;
	s5 =	simm.s32 @!p2 $0x0  }
0x1d: {  	s5 =	simm.s32 @p1 $0x1;
	p0 =	seq.s32 s7, s2  }
0x1e: {  	s7 =	smul.u32 @!p0 $0xF7A, s2;
	p2 =	seq.s32 @!p0 s5, $0x0  }
0x1f: {  	s9 =	smul.u32 $0xF7A, s1;
	s8 =	simm.s32 @!p0 $0x1BF5;
	p2 =	por !p2, p0  }
0x20: {  	[sflag:s8] =	ssyncset.s32 @!p0 $0xFFFFF086;
	s6 =	sadd.s32 @!p0 s3, s7;
	s7 =	simm.s32 @!p0 $0x108  }
0x21: {  	s3 =	sadd.s32 s3, s9;
	s6 =	sadd.s32 @!p0 $0x88, s6;
	s7 =	simm.s32 @p2 $0x1082  }
0x22: {  	[simem:s7], [sflag:s8] =	dma.local @!p0 [hbm:s6], $0xF7A  }
0x23: {  	s9 =	sor.u32 $0xD0000000, s2;
	s6 =	simm.s32 $0x108;
	_ =	swait.ge @!p0 [sflag:s8], $0x0  }
0x24: {  	s3 =	sadd.s32 $0x88, s3;
	s6 =	simm.s32 @!p1 $0x1082;
	[sflag:s4] =	ssyncset.s32 $0xFFFFF086  }
0x25: {  	[simem:s6], [sflag:s4] =	dma.local [hbm:s3], $0xF7A  }
0x26: {  	[smem:$0x3F91] =	sst s1;
	(tag) =	ssettag s2;
	_ =	strace s9  }
0x27: {  	s1 =	sld [smem:$0x3FA1]  }
0x28: {  	s2 =	sld [smem:$0x3FA2]  }
0x29: {  	s4 =	sld [smem:$0x3FA4]  }
0x2a: {  	p0 =	seq.s32 s5, $0x0;
	s5 =	sld [smem:$0x3FA5]  }
0x2b: {  	s6 =	sld [smem:$0x3FA6]  }
0x2c: {  	s7 =	sld [smem:$0x3FA7]  }
0x2d: {  	s3 =	simm.s32 $0x108;
	s8 =	sld [smem:$0x3FA8]  }
0x2e: {  	s3 =	simm.s32 @!p0 $0x1082;
	s9 =	sld [smem:$0x3FA9]  }
0x2f: {  	lr =	sadd.s32 s0, s3;
	s0 =	sld [smem:$0x3FA0]  }
0x30: {  	s3 =	sld [smem:$0x3FA3]  }
0x31: {  	[smem:$0x3FAC] =	sst s10  }
0x32: {  	s10 =	sld [smem:$0x3FAA];
	_ =	sdelay $0x3  }
0x33: {  	p0 =	seq.s32 s10, $0x1;
	s10 =	sld [smem:$0x3FAC];
	_ =	sdelay $0x3  }
0x34: {  	[smem:$0x3FAC] =	sst s10  }
0x35: {  	s10 =	sld [smem:$0x3FAB];
	_ =	sdelay $0x3  }
0x36: {  	p1 =	seq.s32 s10, $0x1;
	s10 =	sld [smem:$0x3FAC];
	_ =	sdelay $0x3  }
0x37: {  	[smem:$0x3FAC] =	sst s10  }
0x38: {  	s10 =	sld [smem:$0x3FAD]  }
0x39: {  	_ = 	snop;
	(pc) =	sbr.ind lr, $3  }
0x3a: {  	_ = 	snop  }
0x3b: {  	_ = 	snop  }
0x3c: {  	p2 =	seq.s32 s10, $0x1;
	s10 =	sld [smem:$0x3FAC]  }
0x3d: {  	_ =	shalt  }
0x3e: {  	_ =	shalt  }
0x3f: {  	_ =	shalt  }
0x40: {  	_ =	shalt  }
0x41: {  	_ =	shalt  }
0x42: {  	_ =	shalt  }
0x43: {  	_ =	shalt  }
0x44: {  	_ =	shalt  }
0x45: {  	_ =	shalt  }
0x46: {  	_ =	shalt  }
0x47: {  	_ =	shalt  }
0x48: {  	_ =	shalt  }
0x49: {  	_ =	shalt  }
0x4a: {  	_ =	shalt  }
0x4b: {  	_ =	shalt  }
0x4c: {  	_ =	shalt  }
0x4d: {  	_ =	shalt  }
0x4e: {  	_ =	shalt  }
0x4f: {  	_ =	shalt  }
0x50: {  	_ =	shalt  }
0x51: {  	_ =	shalt  }
0x52: {  	_ =	shalt  }
0x53: {  	_ =	shalt  }
0x54: {  	_ =	shalt  }
0x55: {  	_ =	shalt  }
0x56: {  	_ =	shalt  }
0x57: {  	_ =	shalt  }
0x58: {  	_ =	shalt  }
0x59: {  	_ =	shalt  }
0x5a: {  	_ =	shalt  }
0x5b: {  	_ =	shalt  }
0x5c: {  	_ =	shalt  }
0x5d: {  	_ =	shalt  }
0x5e: {  	_ =	shalt  }
0x5f: {  	_ =	shalt  }
0x60: {  	_ =	shalt  }
0x61: {  	_ =	shalt  }
0x62: {  	_ =	shalt  }
0x63: {  	_ =	shalt  }
0x64: {  	_ =	shalt  }
0x65: {  	_ =	shalt  }
0x66: {  	_ =	shalt  }
0x67: {  	_ =	shalt  }
0x68: {  	_ =	shalt  }
0x69: {  	_ =	shalt  }
0x6a: {  	_ =	shalt  }
0x6b: {  	_ =	shalt  }
0x6c: {  	_ =	shalt  }
0x6d: {  	_ =	shalt  }
0x6e: {  	_ =	shalt  }
0x6f: {  	_ =	shalt  }
0x70: {  	_ =	shalt  }
0x71: {  	_ =	shalt  }
0x72: {  	_ =	shalt  }
0x73: {  	_ =	shalt  }
0x74: {  	_ =	shalt  }
0x75: {  	_ =	shalt  }
0x76: {  	_ =	shalt  }
0x77: {  	_ =	shalt  }
0x78: {  	_ =	shalt  }
0x79: {  	_ =	shalt  }
0x7a: {  	_ =	shalt  }
0x7b: {  	_ =	shalt  }
0x7c: {  	_ =	shalt  }
0x7d: {  	_ =	shalt  }
0x7e: {  	_ =	shalt  }
0x7f: {  	_ =	shalt  }
0x80: {  	_ =	shalt  }
0x81: {  	_ =	shalt  }
0x82: {  	_ =	shalt  }
0x83: {  	_ =	shalt  }
0x84: {  	_ =	shalt  }
0x85: {  	_ =	shalt  }
0x86: {  	_ =	shalt  }
0x87: {  	_ =	shalt  }
.Lfunc_end0:
.L_simem_size_0:
called_computation_lowered:
.L_overlay_start_0:
0x88: {  	s2 =	sld [smem:$0x3FD9]  }
0x89: {  	s3 =	sld [smem:$0x3FFE];
	_ =	sdelay $0x1  }
0x8a: {  	s1 =	srdreg.scid  }
0x8b: {  	s0 =	sand.u32 $0x1, s1  }
0x8c: {  	s16 =	sshll.u32 s0, $0xA;
	s2 =	sadd.s32 s3, s2  }
0x8d: {  	s2 =	sadd.s32 s2, s16  }
0x8e: {  	[smem:$0x3FB8] =	sst s2  }
0x8f: {  	_ = 	snop  }
0x90: {  	(tm) =	ssettm $0x1  }
0x91: {  	s17 =	sld [smem:$0x3FFB];
	_ =	sdelay $0x3  }
0x92: {  	_ =	strace s17  }
0x93: {  	s2 =	sld [smem:$0x3FFC];
	_ =	sdelay $0x3  }
0x94: {  	_ =	strace s2  }
0x95: {  	s2 =	sld [smem:$0x3FFD];
	_ =	sdelay $0x3  }
0x96: {  	_ =	strace s2  }
0x97: {  	_ =	strace $0x8FFFFFFF  }
0x98: {  	s18 =	sld [smem:$0x3FDB];
	_ =	sdelay $0x1  }
0x99: {  	s19 =	simm.s32 $_scs_section_size  }
0x9a: {  	s4 =	simm.s32 $_size__tile_overlayer_lowered;
	s5 =	simm.s32 $_tile_overlayer_lowered  }
0x9b: {  	s22 =	simm.s32 $0x1BFF;
	s21 =	sshll.u32 s5, $0x1;
	s2 =	sadd.s32 s19, s18  }
0x9c: {  	s6 =	simm.s32 $0x0;
	s20 =	sshll.u32 s4, $0x1;
	s4 =	sadd.s32 s21, s2  }
0x9d: {  	[timem:s6], [sflag:s22] =	dma.local [hbm:s4], s20  }
0x9e: {  	_ =	swait.ge [sflag:s22], s20  }
0x9f: {  	s3 =	ssub.s32 $0x0, s20;
	[sflag:s22] =	ssyncset.done $0x0  }
0xa0: {  	[sflag:s22] =	ssyncadd.s32 s3;
	_ =	sdelay $0x1  }
0xa1: {  	s23 =	simm.s32 $0x1B8B  }
0xa2: {  	_ =	swait.ge [sflag:s23], $0x1  }
0xa3: {  	[sflag:s23] =	ssyncset.done $0x0  }
0xa4: {  	s25 =	simm.s32 $0x1B8E;
	s24 =	sld [smem:$0x3FFE];
	[sflag:s23] =	ssyncadd.s32 $0xFFFFFFFF  }
0xa5: {  	s26 =	simm.s32 $execute0_lowered;
	[smem:$0x3FD2] =	sst s25  }
0xa6: {  	s4 =	sshll.u32 s26, $0x1;
	_ =	strace $0x80000046;
	[dreg:$0x1] =	wrdreg $0xFFFFFFFF  }
0xa7: {  	s28 =	simm.s32 $_size_execute0_lowered;
	s2 =	sadd.s32 s2, s4;
	[dreg:$0x0] =	wrdreg $0x0  }
0xa8: {  	s4 =	sshll.u32 s28, $0x1;
	[dreg:$0x2] =	wrdreg s2  }
0xa9: {  	[dreg:$0x3] =	wrdreg s4  }
0xaa: {  	[dreg:$0x4] =	wrdreg $0xC0  }
0xab: {  	_ =	task [dreg:s6], $0x5FFFF  }
0xac: {  	[dreg:$0x1] =	wrdreg $0xFFFFFFFF  }
0xad: {  	[dreg:$0x0] =	wrdreg $0x60  }
0xae: {  	[dreg:$0x2] =	wrdreg s24  }
0xaf: {  	[dreg:$0x3] =	wrdreg $0x82000  }
0xb0: {  	[dreg:$0x4] =	wrdreg $0x9  }
0xb1: {  	_ =	task.clear_ibuf [dreg:s6], $0x5FFFF;
	_ =	strace $0x90000046  }
0xb2: {  	s29 =	simm.s32 $0x9;
	_ =	strace $0x80000048  }
0xb3: {  	_ =	swait.ge [sflag:s29], $0x1  }
0xb4: {  	[sflag:s29] =	ssyncadd.s32 $0xFFFFFFFF  }
0xb5: {  	_ =	strace $0x90000048  }
0xb6: {  	_ =	sfence  }
0xb7: {  	s30 =	sld [smem:$0x0];
	_ =	sdelay $0x2  }
0xb8: {  	s31 =	sshll.u32 s1, $0xD;
	s1 =	sshrl.u32 s1, $0x2  }
0xb9: {  	s3 =	sand.u32 $0x4000, s31;
	s1 =	sadd.s32 s1, s30  }
0xba: {  	s0 =	sor.u32 s3, s0;
	s1 =	sshll.u32 s1, $0x11  }
0xbb: {  	s0 =	sor.u32 s1, s0  }
0xbc: {  	s0 =	sadd.s32 $0x8F2B, s0  }
0xbd: {  	[sflag:s0] =	ssyncadd.remote.s32 $0x1  }
0xbe: {  	_ =	sfence.sel $0xFFFF  }
0xbf: {  	[dreg:$0x0] =	wrdreg $0xFFFFFFFF;
	(pc) =	sbr.abs _section_cstart, $3  }
0xc0: {  	[dreg:$0x1] =	wrdreg $0xFFFFFFFF  }
0xc1: {  	_ =	task.clear_ibuf [dreg:s6], $0x2FFFF;
	_ =	strace $0x9FFFFFFF  }
0xc2: {  	(tm) =	ssettm $0x7FFFFFFF  }
0xc3: {  	_ =	shalt  }
tec
execute0_lowered:
.L_overlay_start_1:
0x0: {  	(tag) =	ssettag $0x1  }
0x1: {  	s2 =	srdreg.scid  }
0x2: {  	s8 =	rddreg [dreg:$0x0];
	s7 =	sand.u32 $0x1, s2  }
0x3: {  	s2 =	stileid.u32;
	s9 =	smul.u32 $0x140000, s7  }
0x4: {  	s1 =	rddreg [dreg:$0x1];
	s3 =	simm.s32 $0x0;
	s10 =	smul.u32 $0x14000, s2  }
0x5: {  	[smem:$0x7FF] =	sst s3;
	s17 =	smul.u32 $0x50000, s2  }
0x6: {  	s4 =	sadd.s32 $0x24600, s8;
	s11 =	ssub.s32 $0x2, s7;
	s7 =	smul.u32 $0x4F000, s7  }
0x7: {  	s5 =	sadd.s32 $0x6C00, s8;
	s15 =	sadd.s32 $0x1A800, s8;
	s16 =	smul.u32 $0x4F00, s2  }
0x8: {  	s6 =	sadd.s32 $0x74600, s8;
	_ =	strace $0x80000047;
	s20 =	smul.u32 $0x300, s2  }
0x9: {  	s21 =	smul.u32 $0x9E, s2;
	s23 =	sshll.u32 s2, $0x6;
	s18 =	sshrl.u32 s11, $0x1  }
0xa: {  	s29 =	smul.u32 $0x9E0, s2;
	s9 =	sadd.s32 s10, s9;
	s13 =	ssub.s32 s11, s18  }
0xb: {  	s19 =	sshrl.u32 s17, $0x2;
	s22 =	sand.u32 $0x7FC00, s16;
	s18 =	sadd.s32 $0x9D, s21  }
0xc: {  	s21 =	simm.s32 $0x180;
	s9 =	sshrl.u32 s9, $0x3;
	s17 =	sadd.s32 s19, s1  }
0xd: {  	s14 =	sadd.s32 s7, s22;
	s25 =	sshll.u32 s18, $0x7;
	s31 =	sshll.u32 s18, $0x4  }
0xe: {  	s18 =	simm.s32 $0x100;
	s12 =	sadd.s32 s9, s8;
	s9 =	sand.u32 $0x300, s20  }
0xf: {  	s8 =	sor.u32 $0x1C03, s23;
	s28 =	sand.u32 $0xFFC00, s25;
	s20 =	simm.s32 $0x200  }
0x10: {  	s23 =	simm.s32 $0x1;
	s14 =	sor.u32 s9, s14;
	s11 =	sor.u32 s9, s22  }
0x11: {  	s19 =	sadd.s32 s7, s28;
	s22 =	simm.s32 $0x4200;
	s24 =	sshrl.u32 s14, $0x3  }
0x12: {  	s26 =	sshrl.u32 s11, $0x3;
	s14 =	sand.u32 $0x380, s25;
	s11 =	sadd.s32 $0x76E00, s12  }
0x13: {  	s12 =	smax.u32 s13, $0x1;
	s25 =	simm.s32 $0x0;
	s9 =	sadd.s32 s5, s24  }
0x14: {  	s10 =	sadd.s32 s15, s26;
	s14 =	sor.u32 s14, s19;
	s19 =	simm.s32 $0x80  }
0x15: {  	s30 =	sshrl.u32 s14, $0x3;
	s14 =	sadd.s32 s15, s31;
	s15 =	sadd.s32 s29, s15  }
0x16: {  	s24 =	simm.s32 $0x2;
	s13 =	sadd.s32 s5, s30;
	[dreg:$0x3] =	wrdreg s15  }
0x17: {  	s15 =	sadd.s32 $0x100, s16;
	s16 =	sshrl.u32 s17, $0x3;
	s17 =	simm.s32 $0x3  }
.LBB2_1:
0x18: {  	[spmem:s16], [sflag:s8] =	dma.local [hbm:s6], $0x2800  }
0x19: {  	_ =	swait.ge [sflag:s17], $0x2800  }
0x1a: {  	[sflag:s17] =	ssyncset.done $0x0  }
0x1b: {  	[sflag:s17] =	ssyncadd.s32 $0xFFFFD800  }
0x1c: {  	[tilespmem:s3], [sflag:$0x3] =	stream.linear.gather [hbm4b:s9+s3], $0x80, $0x38;
	[tilespmem:$0x1C200] =	vst v63  }
0x1d: {  	_ =	swait.ge [sflag:s17], $0x80  }
0x1e: {  	[sflag:s17] =	ssyncset.done $0x0  }
0x1f: {  	s26 =	sadd.s32 $0xFFFFFF80, s15;
	[sflag:s17] =	ssyncadd.s32 $0xFFFFFF80  }
0x20: {  	[tilespmem:s18], [sflag:$0x3] =	stream.linear.gather [hbm4b:s10+s3], $0x80, $0x38;
	[tilespmem:$0x1C200] =	vst v63  }
0x21: {  	s28 =	sand.u32 $0xFFC00, s26;
	_ =	swait.ge [sflag:s17], $0x80  }
0x22: {  	s26 =	sand.u32 $0x380, s26;
	s28 =	sadd.s32 s7, s28;
	[sflag:s17] =	ssyncset.done $0x0  }
0x23: {  	s26 =	sor.u32 s26, s28;
	[sflag:s17] =	ssyncadd.s32 $0xFFFFFF80  }
0x24: {  	s26 =	sshrl.u32 s26, $0x3;
	[bflag:$0x0] =	sbarrier.arrive $0xFFFF  }
0x25: {  	[tilespmem:s20], [sflag:$0x1] =	stream.indirect.gather [hbm4b:s4+s19], $0x80, s3, s19, $0xb8;
	[tilespmem:$0x1C200] =	vst v63  }
0x26: {  	s26 =	sadd.s32 s5, s26  }
0x27: {  	[tilespmem:s19], [sflag:$0x3] =	stream.linear.gather [hbm4b:s26+s3], $0x80, $0x38;
	[tilespmem:$0x1C200] =	vst v63  }
0x28: {  	_ =	swait.ge [sflag:s17], $0x80  }
0x29: {  	s31 =	rddreg [dreg:$0x3]  }
0x2a: {  	[sflag:s17] =	ssyncset.done $0x0;
	s26 =	sadd.s32 $0xFFFFF640, s31  }
0x2b: {  	[sflag:s17] =	ssyncadd.s32 $0xFFFFFF80;
	s28 =	sadd.s32 $0x9D0, s26  }
0x2c: {  	[tilespmem:s21], [sflag:$0x3] =	stream.linear.gather [hbm4b:s28+s3], $0x80, $0x38;
	[tilespmem:$0x1C200] =	vst v63  }
0x2d: {  	_ =	swait.ge [sflag:s17], $0x80  }
0x2e: {  	[sflag:s17] =	ssyncset.done $0x0  }
0x2f: {  	[sflag:s17] =	ssyncadd.s32 $0xFFFFFF80  }
0x30: {  	[tilespmem:s22], [sflag:$0x2] =	stream.indirect.gather [hbm4b:s4+s19], $0x80, s19, s19, $0xb8;
	[tilespmem:$0x1C200] =	vst v63  }
0x31: {  	_ =	swait.ge [sflag:s23], $0x4000  }
0x32: {  	s28 =	sand.u32 $0xFFC00, s15;
	[sflag:s23] =	ssyncset.done $0x0  }
0x33: {  	s29 =	sand.u32 $0x300, s15;
	s28 =	sadd.s32 s7, s28;
	[sflag:s23] =	ssyncadd.s32 $0xFFFFC000  }
0x34: {  	[spmem:s1] =	stream.indirect.scatter.add.f32 [tilespmem:s20], [sflag:$0x3], $0x80, s18, s19, $0xb8;
	[tilespmem:$0x1C200] =	vst v63  }
0x35: {  	s28 =	sor.u32 s29, s28;
	_ =	swait.ge [sflag:s17], $0x4000  }
0x36: {  	s28 =	sshrl.u32 s28, $0x3;
	[sflag:s17] =	ssyncset.done $0x0  }
0x37: {  	s28 =	sadd.s32 s5, s28;
	[sflag:s17] =	ssyncadd.s32 $0xFFFFC000  }
0x38: {  	[tilespmem:s3], [sflag:$0x3] =	stream.linear.gather [hbm4b:s28+s3], $0x80, $0x38;
	[tilespmem:$0x1C200] =	vst v63  }
0x39: {  	_ =	swait.ge [sflag:s17], $0x80  }
0x3a: {  	[sflag:s17] =	ssyncset.done $0x0  }
0x3b: {  	s26 =	sadd.s32 $0x9E0, s26;
	[sflag:s17] =	ssyncadd.s32 $0xFFFFFF80  }
0x3c: {  	[tilespmem:s18], [sflag:$0x3] =	stream.linear.gather [hbm4b:s26+s3], $0x80, $0x38;
	[tilespmem:$0x1C200] =	vst v63  }
0x3d: {  	s26 =	sadd.s32 $0x100, s15;
	_ =	swait.ge [sflag:s17], $0x80  }
0x3e: {  	s29 =	sadd.s32 $0xFFFFFF80, s26;
	[sflag:s17] =	ssyncset.done $0x0  }
0x3f: {  	s28 =	simm.s32 $0xFFFFF660;
	s30 =	sand.u32 $0xFFC00, s29;
	[sflag:s17] =	ssyncadd.s32 $0xFFFFFF80  }
0x40: {  	[tilespmem:s20], [sflag:$0x1] =	stream.indirect.gather [hbm4b:s4+s19], $0x80, s3, s19, $0xb8;
	[tilespmem:$0x1C200] =	vst v63  }
0x41: {  	s31 =	sand.u32 $0x380, s29;
	s30 =	sadd.s32 s7, s30;
	_ =	swait.ge [sflag:s24], $0x4000  }
0x42: {  	s29 =	simm.s32 $0xFFFFF680;
	s30 =	sor.u32 s31, s30;
	[sflag:s24] =	ssyncset.done $0x0  }
.LBB2_2:
0x43: {  	[sflag:s24] =	ssyncadd.s32 $0xFFFFC000  }
0x44: {  	[spmem:s1] =	stream.indirect.scatter.add.f32 [tilespmem:s22], [sflag:$0x3], $0x80, s21, s19, $0xb8;
	[tilespmem:$0x1C200] =	vst v63  }
0x45: {  	_ =	swait.ge [sflag:s17], $0x4000  }
0x46: {  	s30 =	sshrl.u32 s30, $0x3;
	[sflag:s17] =	ssyncset.done $0x0  }
0x47: {  	s30 =	sadd.s32 s5, s30;
	[sflag:s17] =	ssyncadd.s32 $0xFFFFC000  }
0x48: {  	[tilespmem:s19], [sflag:$0x3] =	stream.linear.gather [hbm4b:s30+s3], $0x80, $0x38;
	[tilespmem:$0x1C200] =	vst v63  }
0x49: {  	_ =	swait.ge [sflag:s17], $0x80  }
0x4a: {  	s30 =	rddreg [dreg:$0x3]  }
0x4b: {  	[sflag:s17] =	ssyncset.done $0x0;
	s30 =	sadd.s32 s28, s30  }
0x4c: {  	[sflag:s17] =	ssyncadd.s32 $0xFFFFFF80;
	s0 =	sadd.s32 $0x9D0, s30  }
0x4d: {  	[tilespmem:s21], [sflag:$0x3] =	stream.linear.gather [hbm4b:s0+s3], $0x80, $0x38;
	[tilespmem:$0x1C200] =	vst v63  }
0x4e: {  	_ =	swait.ge [sflag:s17], $0x80  }
0x4f: {  	[sflag:s17] =	ssyncset.done $0x0  }
0x50: {  	[sflag:s17] =	ssyncadd.s32 $0xFFFFFF80  }
0x51: {  	[tilespmem:s22], [sflag:$0x2] =	stream.indirect.gather [hbm4b:s4+s19], $0x80, s19, s19, $0xb8;
	[tilespmem:$0x1C200] =	vst v63  }
0x52: {  	s31 =	smov.u32 s29;
	_ =	swait.ge [sflag:s23], $0x4000  }
0x53: {  	s28 =	smov.u32 s31;
	s0 =	sand.u32 $0xFFC00, s26;
	[sflag:s23] =	ssyncset.done $0x0  }
0x54: {  	s31 =	sadd.s32 s7, s0;
	s0 =	sand.u32 $0x300, s26;
	[sflag:s23] =	ssyncadd.s32 $0xFFFFC000  }
0x55: {  	[spmem:s1] =	stream.indirect.scatter.add.f32 [tilespmem:s20], [sflag:$0x3], $0x80, s18, s19, $0xb8;
	[tilespmem:$0x1C200] =	vst v63  }
0x56: {  	s0 =	sor.u32 s0, s31;
	_ =	swait.ge [sflag:s17], $0x4000  }
0x57: {  	s0 =	sshrl.u32 s0, $0x3;
	[sflag:s17] =	ssyncset.done $0x0  }
0x58: {  	s0 =	sadd.s32 s5, s0;
	[sflag:s17] =	ssyncadd.s32 $0xFFFFC000  }
0x59: {  	[tilespmem:s3], [sflag:$0x3] =	stream.linear.gather [hbm4b:s0+s3], $0x80, $0x38;
	[tilespmem:$0x1C200] =	vst v63  }
0x5a: {  	_ =	swait.ge [sflag:s17], $0x80  }
0x5b: {  	[sflag:s17] =	ssyncset.done $0x0  }
0x5c: {  	s31 =	sadd.s32 $0x9E0, s30;
	[sflag:s17] =	ssyncadd.s32 $0xFFFFFF80  }
0x5d: {  	[tilespmem:s18], [sflag:$0x3] =	stream.linear.gather [hbm4b:s31+s3], $0x80, $0x38;
	[tilespmem:$0x1C200] =	vst v63  }
0x5e: {  	p0 =	sne.s32 s29, $0xFFFFFFE0;
	s26 =	sadd.s32 $0x100, s26;
	_ =	swait.ge [sflag:s17], $0x80  }
.Ltmp0:
0x5f: {  	s31 =	sadd.s32 $0xFFFFFF80, s26;
	[sflag:s17] =	ssyncset.done $0x0;
	(pc) =	sbr.rel @p0 .LBB2_2-.Ltmp0, $4  }
0x60: {  	s30 =	sand.u32 $0xFFC00, s31;
	[sflag:s17] =	ssyncadd.s32 $0xFFFFFF80  }
0x61: {  	[tilespmem:s20], [sflag:$0x1] =	stream.indirect.gather [hbm4b:s4+s19], $0x80, s3, s19, $0xb8;
	[tilespmem:$0x1C200] =	vst v63  }
0x62: {  	s0 =	sand.u32 $0x380, s31;
	s30 =	sadd.s32 s7, s30;
	_ =	swait.ge [sflag:s24], $0x4000  }
0x63: {  	s29 =	sadd.s32 $0x20, s29;
	s30 =	sor.u32 s0, s30;
	[sflag:s24] =	ssyncset.done $0x0  }
0x64: {  	[sflag:s24] =	ssyncadd.s32 $0xFFFFC000  }
0x65: {  	[spmem:s1] =	stream.indirect.scatter.add.f32 [tilespmem:s22], [sflag:$0x3], $0x80, s21, s19, $0xb8;
	[tilespmem:$0x1C200] =	vst v63  }
0x66: {  	_ =	swait.ge [sflag:s17], $0x4000  }
0x67: {  	s0 =	sshrl.u32 s30, $0x3;
	[sflag:s17] =	ssyncset.done $0x0  }
0x68: {  	s0 =	sadd.s32 s5, s0;
	[sflag:s17] =	ssyncadd.s32 $0xFFFFC000  }
0x69: {  	[tilespmem:s19], [sflag:$0x3] =	stream.linear.gather [hbm4b:s0+s3], $0x80, $0x38;
	[tilespmem:$0x1C200] =	vst v63  }
0x6a: {  	_ =	swait.ge [sflag:s17], $0x80  }
0x6b: {  	s29 =	rddreg [dreg:$0x3]  }
0x6c: {  	[sflag:s17] =	ssyncset.done $0x0;
	s0 =	sadd.s32 s28, s29  }
0x6d: {  	[sflag:s17] =	ssyncadd.s32 $0xFFFFFF80;
	s28 =	sadd.s32 $0x9D0, s0  }
0x6e: {  	[tilespmem:s21], [sflag:$0x3] =	stream.linear.gather [hbm4b:s28+s3], $0x80, $0x38;
	[tilespmem:$0x1C200] =	vst v63  }
0x6f: {  	_ =	swait.ge [sflag:s17], $0x80  }
0x70: {  	[sflag:s17] =	ssyncset.done $0x0  }
0x71: {  	[sflag:s17] =	ssyncadd.s32 $0xFFFFFF80  }
0x72: {  	[tilespmem:s22], [sflag:$0x2] =	stream.indirect.gather [hbm4b:s4+s19], $0x80, s19, s19, $0xb8;
	[tilespmem:$0x1C200] =	vst v63  }
0x73: {  	_ =	swait.ge [sflag:s23], $0x4000  }
0x74: {  	s30 =	sand.u32 $0xFFC00, s26;
	[sflag:s23] =	ssyncset.done $0x0  }
0x75: {  	s31 =	sand.u32 $0x300, s26;
	s28 =	sadd.s32 s7, s30;
	[sflag:s23] =	ssyncadd.s32 $0xFFFFC000  }
0x76: {  	[spmem:s1] =	stream.indirect.scatter.add.f32 [tilespmem:s20], [sflag:$0x3], $0x80, s18, s19, $0xb8;
	[tilespmem:$0x1C200] =	vst v63  }
0x77: {  	s26 =	sor.u32 s31, s28;
	_ =	swait.ge [sflag:s17], $0x4000  }
0x78: {  	s26 =	sshrl.u32 s26, $0x3;
	[sflag:s17] =	ssyncset.done $0x0  }
0x79: {  	s26 =	sadd.s32 s5, s26;
	[sflag:s17] =	ssyncadd.s32 $0xFFFFC000  }
0x7a: {  	[tilespmem:s3], [sflag:$0x3] =	stream.linear.gather [hbm4b:s26+s3], $0x80, $0x38;
	[tilespmem:$0x1C200] =	vst v63  }
0x7b: {  	_ =	swait.ge [sflag:s17], $0x80  }
0x7c: {  	[sflag:s17] =	ssyncset.done $0x0  }
0x7d: {  	s0 =	sadd.s32 $0x9E0, s0;
	[sflag:s17] =	ssyncadd.s32 $0xFFFFFF80  }
0x7e: {  	[tilespmem:s18], [sflag:$0x3] =	stream.linear.gather [hbm4b:s0+s3], $0x80, $0x38;
	[tilespmem:$0x1C200] =	vst v63  }
0x7f: {  	_ =	swait.ge [sflag:s17], $0x80  }
0x80: {  	[sflag:s17] =	ssyncset.done $0x0  }
0x81: {  	[sflag:s17] =	ssyncadd.s32 $0xFFFFFF80  }
0x82: {  	[tilespmem:s20], [sflag:$0x1] =	stream.indirect.gather [hbm4b:s4+s19], $0x80, s3, s19, $0xb8;
	[tilespmem:$0x1C200] =	vst v63  }
0x83: {  	_ =	swait.ge [sflag:s24], $0x4000  }
0x84: {  	[sflag:s24] =	ssyncset.done $0x0  }
0x85: {  	[sflag:s24] =	ssyncadd.s32 $0xFFFFC000  }
0x86: {  	[spmem:s1] =	stream.indirect.scatter.add.f32 [tilespmem:s22], [sflag:$0x3], $0x80, s21, s19, $0xb8;
	[tilespmem:$0x1C200] =	vst v63  }
0x87: {  	_ =	swait.ge [sflag:s17], $0x4000  }
0x88: {  	[sflag:s17] =	ssyncset.done $0x0  }
0x89: {  	[sflag:s17] =	ssyncadd.s32 $0xFFFFC000  }
0x8a: {  	[tilespmem:s19], [sflag:$0x3] =	stream.linear.gather [hbm4b:s13+s3], $0x80, $0x38;
	[tilespmem:$0x1C200] =	vst v63  }
0x8b: {  	_ =	swait.ge [sflag:s17], $0x80  }
0x8c: {  	[sflag:s17] =	ssyncset.done $0x0  }
0x8d: {  	[sflag:s17] =	ssyncadd.s32 $0xFFFFFF80  }
0x8e: {  	[tilespmem:s21], [sflag:$0x3] =	stream.linear.gather [hbm4b:s14+s3], $0x80, $0x38;
	[tilespmem:$0x1C200] =	vst v63  }
0x8f: {  	_ =	swait.ge [sflag:s17], $0x80  }
0x90: {  	[sflag:s17] =	ssyncset.done $0x0  }
0x91: {  	[sflag:s17] =	ssyncadd.s32 $0xFFFFFF80  }
0x92: {  	[tilespmem:s22], [sflag:$0x2] =	stream.indirect.gather [hbm4b:s4+s19], $0x80, s19, s19, $0xb8;
	[tilespmem:$0x1C200] =	vst v63  }
0x93: {  	_ =	swait.ge [sflag:s23], $0x4000  }
0x94: {  	[sflag:s23] =	ssyncset.done $0x0  }
0x95: {  	[sflag:s23] =	ssyncadd.s32 $0xFFFFC000  }
0x96: {  	[spmem:s1] =	stream.indirect.scatter.add.f32 [tilespmem:s20], [sflag:$0x3], $0x80, s18, s19, $0xb8;
	[tilespmem:$0x1C200] =	vst v63  }
0x97: {  	_ =	swait.ge [sflag:s17], $0x4000  }
0x98: {  	[sflag:s17] =	ssyncset.done $0x0  }
0x99: {  	[sflag:s17] =	ssyncadd.s32 $0xFFFFC000  }
0x9a: {  	_ =	swait.ge [sflag:s24], $0x4000  }
0x9b: {  	[sflag:s24] =	ssyncset.done $0x0  }
0x9c: {  	[sflag:s24] =	ssyncadd.s32 $0xFFFFC000  }
0x9d: {  	[spmem:s1] =	stream.indirect.scatter.add.f32 [tilespmem:s22], [sflag:$0x3], $0x80, s21, s19, $0xb8;
	[tilespmem:$0x1C200] =	vst v63  }
0x9e: {  	_ =	swait.ge [sflag:s17], $0x4000  }
0x9f: {  	s25 =	sadd.s32 $0x1, s25;
	[sflag:s17] =	ssyncset.done $0x0  }
0xa0: {  	p0 =	sne.s32 s25, s12;
	[sflag:s17] =	ssyncadd.s32 $0xFFFFC000  }
.Ltmp1:
0xa1: {  	[bflag:$0x0] =	sbarrier.arrive $0xFFFF;
	(pc) =	sbr.rel @p0 .LBB2_1-.Ltmp1, $4  }
0xa2: {  	[hbm:s11], [sflag:s8] =	dma.local [spmem:s16], $0x2800  }
0xa3: {  	_ =	swait.ge [sflag:s17], $0x2800  }
0xa4: {  	[sflag:s17] =	ssyncset.done $0x0  }
0xa5: {  	[sflag:s17] =	ssyncadd.s32 $0xFFFFD800  }
0xa6: {  	_ =	sfence.sel $0x180000  }
0xa7: {  	[bflag:$0x0] =	sbarrier.arrive $0xFFFF  }
0xa8: {  	_ =	strace $0x90000047  }
0xa9: {  	[bflag:$0x2] =	sbarrier.arrive $0xFFFF  }
0xaa: {  	p0 =	sne.s32 s2, $0x0;
	s0 =	rddreg [dreg:$0x2]  }
0xab: {  	s0 =	sadd.s32 @!p0 $0x100000, s0  }
0xac: {  	[sflag:s0] =	ssyncadd.tile.s32 @!p0 $0x1;
	_ =	shalt  }
.Lfunc_end2:
_tile_overlayer_lowered:
.L_overlay_start_2:
0xad: {  	(tag) =	ssettag $0x2  }
0xae: {  	s0 =	rddreg [dreg:$0x0];
	s2 =	stileid.u32  }
0xaf: {  	s1 =	rddreg [dreg:$0x1];
	p0 =	sne.s32 s2, $0x0  }
0xb0: {  	s3 =	rddreg [dreg:$0x2];
	[bflag:$0x3] =	sbarrier.arrive $0xFFFF;
	s2 =	simm.s32 @!p0 $0x1C03  }
0xb1: {  	[timem:s3], [sflag:s2] =	dma.local @!p0 [hbm:s0], s1  }
0xb2: {  	s0 =	simm.s32 @!p0 $0x3  }
0xb3: {  	_ =	swait.ge @!p0 [sflag:s0], s1  }
0xb4: {  	s1 =	ssub.s32 @!p0 $0x0, s1;
	[sflag:s0] =	ssyncset.done @!p0 $0x0  }
0xb5: {  	[sflag:s0] =	ssyncadd.s32 @!p0 s1  }
0xb6: {  	[bflag:$0x3] =	sbarrier.arrive $0xFFFF  }
0xb7: {  	_ =	shalt  }

// kernel: kernel.18.cloned.1.call-start
scs
__scs_entry_jumppad:
0x0: {  	(pc) =	sbr.rel $0x88, $3  }
0x1: {  	(tag) =	ssettag $0x0;
	lr =	simm.s32 $0x1  }
0x2: {  	[smem:$0x3F91] =	sst lr;
	_ =	strace $0xD0000000  }
0x3: {  	_ = 	snop  }
0x4: {  	_ = 	snop  }
0x5: {  	_ = 	snop  }
0x6: {  	_ = 	snop  }
0x7: {  	_ = 	snop  }
__scs_overlays_trampoline_lowered:
0x8: {  	[smem:$0x3FA0] =	sst s0  }
0x9: {  	[smem:$0x3FA1] =	sst s1  }
0xa: {  	[smem:$0x3FA2] =	sst s2  }
0xb: {  	[smem:$0x3FA3] =	sst s3  }
0xc: {  	[smem:$0x3FA4] =	sst s4  }
0xd: {  	[smem:$0x3FA5] =	sst s5  }
0xe: {  	[smem:$0x3FA6] =	sst s6  }
0xf: {  	[smem:$0x3FA7] =	sst s7  }
0x10: {  	[smem:$0x3FA8] =	sst s8  }
0x11: {  	[smem:$0x3FA9] =	sst s9;
	s0 =	simm.s32 @!p0 $0x0  }
0x12: {  	s1 =	sld [smem:$0x3F8F];
	s0 =	simm.s32 @p0 $0x1  }
0x13: {  	[smem:$0x3FAA] =	sst s0;
	s0 =	simm.s32 @!p1 $0x0  }
0x14: {  	s2 =	sld [smem:$0x3F8E];
	s0 =	simm.s32 @p1 $0x1  }
0x15: {  	[smem:$0x3FAB] =	sst s0;
	s0 =	simm.s32 @!p2 $0x0  }
0x16: {  	s3 =	sld [smem:$0x3FDB];
	s0 =	simm.s32 @p2 $0x1  }
0x17: {  	s4 =	simm.s32 $0x1BF5;
	[smem:$0x3FAD] =	sst s0  }
0x18: {  	s0 =	sld [smem:$0x3F90];
	_ =	swait.ge [sflag:s4], $0x0  }
0x19: {  	s7 =	sld [smem:$0x3F91]  }
0x1a: {  	s8 =	sadd.s32 $0xFFFFE003, lr  }
0x1b: {  	s9 =	sadd.s32 $0xFFFFFEF7, lr;
	s5 =	simm.s32 $0xFFFFFFFF;
	p2 =	slt.u32 s8, $0xFFFFF086  }
0x1c: {  	p1 =	slt.u32 s9, $0xF7A;
	s5 =	simm.s32 @!p2 $0x0  }
0x1d: {  	s5 =	simm.s32 @p1 $0x1;
	p0 =	seq.s32 s7, s2  }
0x1e: {  	s7 =	smul.u32 @!p0 $0xF7A, s2;
	p2 =	seq.s32 @!p0 s5, $0x0  }
0x1f: {  	s9 =	smul.u32 $0xF7A, s1;
	s8 =	simm.s32 @!p0 $0x1BF5;
	p2 =	por !p2, p0  }
0x20: {  	[sflag:s8] =	ssyncset.s32 @!p0 $0xFFFFF086;
	s6 =	sadd.s32 @!p0 s3, s7;
	s7 =	simm.s32 @!p0 $0x108  }
0x21: {  	s3 =	sadd.s32 s3, s9;
	s6 =	sadd.s32 @!p0 $0x88, s6;
	s7 =	simm.s32 @p2 $0x1082  }
0x22: {  	[simem:s7], [sflag:s8] =	dma.local @!p0 [hbm:s6], $0xF7A  }
0x23: {  	s9 =	sor.u32 $0xD0000000, s2;
	s6 =	simm.s32 $0x108;
	_ =	swait.ge @!p0 [sflag:s8], $0x0  }
0x24: {  	s3 =	sadd.s32 $0x88, s3;
	s6 =	simm.s32 @!p1 $0x1082;
	[sflag:s4] =	ssyncset.s32 $0xFFFFF086  }
0x25: {  	[simem:s6], [sflag:s4] =	dma.local [hbm:s3], $0xF7A  }
0x26: {  	[smem:$0x3F91] =	sst s1;
	(tag) =	ssettag s2;
	_ =	strace s9  }
0x27: {  	s1 =	sld [smem:$0x3FA1]  }
0x28: {  	s2 =	sld [smem:$0x3FA2]  }
0x29: {  	s4 =	sld [smem:$0x3FA4]  }
0x2a: {  	p0 =	seq.s32 s5, $0x0;
	s5 =	sld [smem:$0x3FA5]  }
0x2b: {  	s6 =	sld [smem:$0x3FA6]  }
0x2c: {  	s7 =	sld [smem:$0x3FA7]  }
0x2d: {  	s3 =	simm.s32 $0x108;
	s8 =	sld [smem:$0x3FA8]  }
0x2e: {  	s3 =	simm.s32 @!p0 $0x1082;
	s9 =	sld [smem:$0x3FA9]  }
0x2f: {  	lr =	sadd.s32 s0, s3;
	s0 =	sld [smem:$0x3FA0]  }
0x30: {  	s3 =	sld [smem:$0x3FA3]  }
0x31: {  	[smem:$0x3FAC] =	sst s10  }
0x32: {  	s10 =	sld [smem:$0x3FAA];
	_ =	sdelay $0x3  }
0x33: {  	p0 =	seq.s32 s10, $0x1;
	s10 =	sld [smem:$0x3FAC];
	_ =	sdelay $0x3  }
0x34: {  	[smem:$0x3FAC] =	sst s10  }
0x35: {  	s10 =	sld [smem:$0x3FAB];
	_ =	sdelay $0x3  }
0x36: {  	p1 =	seq.s32 s10, $0x1;
	s10 =	sld [smem:$0x3FAC];
	_ =	sdelay $0x3  }
0x37: {  	[smem:$0x3FAC] =	sst s10  }
0x38: {  	s10 =	sld [smem:$0x3FAD]  }
0x39: {  	_ = 	snop;
	(pc) =	sbr.ind lr, $3  }
0x3a: {  	_ = 	snop  }
0x3b: {  	_ = 	snop  }
0x3c: {  	p2 =	seq.s32 s10, $0x1;
	s10 =	sld [smem:$0x3FAC]  }
0x3d: {  	_ =	shalt  }
0x3e: {  	_ =	shalt  }
0x3f: {  	_ =	shalt  }
0x40: {  	_ =	shalt  }
0x41: {  	_ =	shalt  }
0x42: {  	_ =	shalt  }
0x43: {  	_ =	shalt  }
0x44: {  	_ =	shalt  }
0x45: {  	_ =	shalt  }
0x46: {  	_ =	shalt  }
0x47: {  	_ =	shalt  }
0x48: {  	_ =	shalt  }
0x49: {  	_ =	shalt  }
0x4a: {  	_ =	shalt  }
0x4b: {  	_ =	shalt  }
0x4c: {  	_ =	shalt  }
0x4d: {  	_ =	shalt  }
0x4e: {  	_ =	shalt  }
0x4f: {  	_ =	shalt  }
0x50: {  	_ =	shalt  }
0x51: {  	_ =	shalt  }
0x52: {  	_ =	shalt  }
0x53: {  	_ =	shalt  }
0x54: {  	_ =	shalt  }
0x55: {  	_ =	shalt  }
0x56: {  	_ =	shalt  }
0x57: {  	_ =	shalt  }
0x58: {  	_ =	shalt  }
0x59: {  	_ =	shalt  }
0x5a: {  	_ =	shalt  }
0x5b: {  	_ =	shalt  }
0x5c: {  	_ =	shalt  }
0x5d: {  	_ =	shalt  }
0x5e: {  	_ =	shalt  }
0x5f: {  	_ =	shalt  }
0x60: {  	_ =	shalt  }
0x61: {  	_ =	shalt  }
0x62: {  	_ =	shalt  }
0x63: {  	_ =	shalt  }
0x64: {  	_ =	shalt  }
0x65: {  	_ =	shalt  }
0x66: {  	_ =	shalt  }
0x67: {  	_ =	shalt  }
0x68: {  	_ =	shalt  }
0x69: {  	_ =	shalt  }
0x6a: {  	_ =	shalt  }
0x6b: {  	_ =	shalt  }
0x6c: {  	_ =	shalt  }
0x6d: {  	_ =	shalt  }
0x6e: {  	_ =	shalt  }
0x6f: {  	_ =	shalt  }
0x70: {  	_ =	shalt  }
0x71: {  	_ =	shalt  }
0x72: {  	_ =	shalt  }
0x73: {  	_ =	shalt  }
0x74: {  	_ =	shalt  }
0x75: {  	_ =	shalt  }
0x76: {  	_ =	shalt  }
0x77: {  	_ =	shalt  }
0x78: {  	_ =	shalt  }
0x79: {  	_ =	shalt  }
0x7a: {  	_ =	shalt  }
0x7b: {  	_ =	shalt  }
0x7c: {  	_ =	shalt  }
0x7d: {  	_ =	shalt  }
0x7e: {  	_ =	shalt  }
0x7f: {  	_ =	shalt  }
0x80: {  	_ =	shalt  }
0x81: {  	_ =	shalt  }
0x82: {  	_ =	shalt  }
0x83: {  	_ =	shalt  }
0x84: {  	_ =	shalt  }
0x85: {  	_ =	shalt  }
0x86: {  	_ =	shalt  }
0x87: {  	_ =	shalt  }
.Lfunc_end0:
.L_simem_size_0:
called_computation.1_lowered:
.L_overlay_start_0:
0x88: {  	s2 =	sld [smem:$0x3FD9]  }
0x89: {  	s3 =	sld [smem:$0x3FFE];
	_ =	sdelay $0x1  }
0x8a: {  	s1 =	srdreg.scid  }
0x8b: {  	s0 =	sand.u32 $0x1, s1  }
0x8c: {  	s16 =	sshll.u32 s0, $0xA;
	s2 =	sadd.s32 s3, s2  }
0x8d: {  	s2 =	sadd.s32 s2, s16  }
0x8e: {  	[smem:$0x3FB8] =	sst s2  }
0x8f: {  	_ = 	snop  }
0x90: {  	(tm) =	ssettm $0x1  }
0x91: {  	s17 =	sld [smem:$0x3FFB];
	_ =	sdelay $0x3  }
0x92: {  	_ =	strace s17  }
0x93: {  	s2 =	sld [smem:$0x3FFC];
	_ =	sdelay $0x3  }
0x94: {  	_ =	strace s2  }
0x95: {  	s2 =	sld [smem:$0x3FFD];
	_ =	sdelay $0x3  }
0x96: {  	_ =	strace s2  }
0x97: {  	_ =	strace $0x8FFFFFFF  }
0x98: {  	s18 =	sld [smem:$0x3FDB];
	_ =	sdelay $0x1  }
0x99: {  	s19 =	simm.s32 $_scs_section_size  }
0x9a: {  	s4 =	simm.s32 $_size__tile_overlayer_lowered;
	s5 =	simm.s32 $_tile_overlayer_lowered  }
0x9b: {  	s22 =	simm.s32 $0x1BFF;
	s21 =	sshll.u32 s5, $0x1;
	s2 =	sadd.s32 s19, s18  }
0x9c: {  	s6 =	simm.s32 $0x0;
	s20 =	sshll.u32 s4, $0x1;
	s4 =	sadd.s32 s21, s2  }
0x9d: {  	[timem:s6], [sflag:s22] =	dma.local [hbm:s4], s20  }
0x9e: {  	_ =	swait.ge [sflag:s22], s20  }
0x9f: {  	s3 =	ssub.s32 $0x0, s20;
	[sflag:s22] =	ssyncset.done $0x0  }
0xa0: {  	[sflag:s22] =	ssyncadd.s32 s3;
	_ =	sdelay $0x1  }
0xa1: {  	s23 =	simm.s32 $0x1B8B  }
0xa2: {  	_ =	swait.ge [sflag:s23], $0x1  }
0xa3: {  	[sflag:s23] =	ssyncset.done $0x0  }
0xa4: {  	s25 =	simm.s32 $0x1B8E;
	s24 =	sld [smem:$0x3FFE];
	[sflag:s23] =	ssyncadd.s32 $0xFFFFFFFF  }
0xa5: {  	s26 =	simm.s32 $execute0_lowered;
	[smem:$0x3FD2] =	sst s25  }
0xa6: {  	s4 =	sshll.u32 s26, $0x1;
	_ =	strace $0x80000049;
	[dreg:$0x1] =	wrdreg $0xFFFFFFFF  }
0xa7: {  	s28 =	simm.s32 $_size_execute0_lowered;
	s2 =	sadd.s32 s2, s4;
	[dreg:$0x0] =	wrdreg $0x0  }
0xa8: {  	s4 =	sshll.u32 s28, $0x1;
	[dreg:$0x2] =	wrdreg s2  }
0xa9: {  	[dreg:$0x3] =	wrdreg s4  }
0xaa: {  	[dreg:$0x4] =	wrdreg $0xC0  }
0xab: {  	_ =	task [dreg:s6], $0x5FFFF  }
0xac: {  	[dreg:$0x1] =	wrdreg $0xFFFFFFFF  }
0xad: {  	[dreg:$0x0] =	wrdreg $0x60  }
0xae: {  	[dreg:$0x2] =	wrdreg s24  }
0xaf: {  	[dreg:$0x3] =	wrdreg $0x82000  }
0xb0: {  	[dreg:$0x4] =	wrdreg $0x9  }
0xb1: {  	_ =	task.clear_ibuf [dreg:s6], $0x5FFFF;
	_ =	strace $0x90000049  }
0xb2: {  	s29 =	simm.s32 $0x9;
	_ =	strace $0x8000004B  }
0xb3: {  	_ =	swait.ge [sflag:s29], $0x1  }
0xb4: {  	[sflag:s29] =	ssyncadd.s32 $0xFFFFFFFF  }
0xb5: {  	_ =	strace $0x9000004B  }
0xb6: {  	_ =	sfence  }
0xb7: {  	s30 =	sld [smem:$0x0];
	_ =	sdelay $0x2  }
0xb8: {  	s31 =	sshll.u32 s1, $0xD;
	s1 =	sshrl.u32 s1, $0x2  }
0xb9: {  	s3 =	sand.u32 $0x4000, s31;
	s1 =	sadd.s32 s1, s30  }
0xba: {  	s0 =	sor.u32 s3, s0;
	s1 =	sshll.u32 s1, $0x11  }
0xbb: {  	s0 =	sor.u32 s1, s0  }
0xbc: {  	s0 =	sadd.s32 $0x8F2B, s0  }
0xbd: {  	[sflag:s0] =	ssyncadd.remote.s32 $0x1  }
0xbe: {  	_ =	sfence.sel $0xFFFF  }
0xbf: {  	[dreg:$0x0] =	wrdreg $0xFFFFFFFF;
	(pc) =	sbr.abs _section_cstart, $3  }
0xc0: {  	[dreg:$0x1] =	wrdreg $0xFFFFFFFF  }
0xc1: {  	_ =	task.clear_ibuf [dreg:s6], $0x2FFFF;
	_ =	strace $0x9FFFFFFF  }
0xc2: {  	(tm) =	ssettm $0x7FFFFFFF  }
0xc3: {  	_ =	shalt  }
tec
execute0_lowered:
.L_overlay_start_1:
0x0: {  	(tag) =	ssettag $0x1  }
0x1: {  	s2 =	srdreg.scid  }
0x2: {  	s8 =	rddreg [dreg:$0x0];
	s7 =	sand.u32 $0x1, s2  }
0x3: {  	s2 =	stileid.u32;
	s9 =	smul.u32 $0x140000, s7  }
0x4: {  	s1 =	rddreg [dreg:$0x1];
	s3 =	simm.s32 $0x0;
	s10 =	smul.u32 $0x14000, s2  }
0x5: {  	[smem:$0x7FF] =	sst s3;
	s17 =	smul.u32 $0x50000, s2  }
0x6: {  	s4 =	sadd.s32 $0x24600, s8;
	s11 =	ssub.s32 $0x2, s7;
	s7 =	smul.u32 $0x4F000, s7  }
0x7: {  	s5 =	sadd.s32 $0x6C00, s8;
	s15 =	sadd.s32 $0x1A800, s8;
	s16 =	smul.u32 $0x4F00, s2  }
0x8: {  	s6 =	sadd.s32 $0x74600, s8;
	_ =	strace $0x8000004A;
	s20 =	smul.u32 $0x300, s2  }
0x9: {  	s21 =	smul.u32 $0x9E, s2;
	s23 =	sshll.u32 s2, $0x6;
	s18 =	sshrl.u32 s11, $0x1  }
0xa: {  	s29 =	smul.u32 $0x9E0, s2;
	s9 =	sadd.s32 s10, s9;
	s13 =	ssub.s32 s11, s18  }
0xb: {  	s19 =	sshrl.u32 s17, $0x2;
	s22 =	sand.u32 $0x7FC00, s16;
	s18 =	sadd.s32 $0x9D, s21  }
0xc: {  	s21 =	simm.s32 $0x180;
	s9 =	sshrl.u32 s9, $0x3;
	s17 =	sadd.s32 s19, s1  }
0xd: {  	s14 =	sadd.s32 s7, s22;
	s25 =	sshll.u32 s18, $0x7;
	s31 =	sshll.u32 s18, $0x4  }
0xe: {  	s18 =	simm.s32 $0x100;
	s12 =	sadd.s32 s9, s8;
	s9 =	sand.u32 $0x300, s20  }
0xf: {  	s8 =	sor.u32 $0x1C03, s23;
	s28 =	sand.u32 $0xFFC00, s25;
	s20 =	simm.s32 $0x200  }
0x10: {  	s23 =	simm.s32 $0x1;
	s14 =	sor.u32 s9, s14;
	s11 =	sor.u32 s9, s22  }
0x11: {  	s19 =	sadd.s32 s7, s28;
	s22 =	simm.s32 $0x4200;
	s24 =	sshrl.u32 s14, $0x3  }
0x12: {  	s26 =	sshrl.u32 s11, $0x3;
	s14 =	sand.u32 $0x380, s25;
	s11 =	sadd.s32 $0x76E00, s12  }
0x13: {  	s12 =	smax.u32 s13, $0x1;
	s25 =	simm.s32 $0x0;
	s9 =	sadd.s32 s5, s24  }
0x14: {  	s10 =	sadd.s32 s15, s26;
	s14 =	sor.u32 s14, s19;
	s19 =	simm.s32 $0x80  }
0x15: {  	s30 =	sshrl.u32 s14, $0x3;
	s14 =	sadd.s32 s15, s31;
	s15 =	sadd.s32 s29, s15  }
0x16: {  	s24 =	simm.s32 $0x2;
	s13 =	sadd.s32 s5, s30;
	[dreg:$0x3] =	wrdreg s15  }
0x17: {  	s15 =	sadd.s32 $0x100, s16;
	s16 =	sshrl.u32 s17, $0x3;
	s17 =	simm.s32 $0x3  }
.LBB2_1:
0x18: {  	[spmem:s16], [sflag:s8] =	dma.local [hbm:s6], $0x2800  }
0x19: {  	_ =	swait.ge [sflag:s17], $0x2800  }
0x1a: {  	[sflag:s17] =	ssyncset.done $0x0  }
0x1b: {  	[sflag:s17] =	ssyncadd.s32 $0xFFFFD800  }
0x1c: {  	[tilespmem:s3], [sflag:$0x3] =	stream.linear.gather [hbm4b:s9+s3], $0x80, $0x38;
	[tilespmem:$0x1C200] =	vst v63  }
0x1d: {  	_ =	swait.ge [sflag:s17], $0x80  }
0x1e: {  	[sflag:s17] =	ssyncset.done $0x0  }
0x1f: {  	s26 =	sadd.s32 $0xFFFFFF80, s15;
	[sflag:s17] =	ssyncadd.s32 $0xFFFFFF80  }
0x20: {  	[tilespmem:s18], [sflag:$0x3] =	stream.linear.gather [hbm4b:s10+s3], $0x80, $0x38;
	[tilespmem:$0x1C200] =	vst v63  }
0x21: {  	s28 =	sand.u32 $0xFFC00, s26;
	_ =	swait.ge [sflag:s17], $0x80  }
0x22: {  	s26 =	sand.u32 $0x380, s26;
	s28 =	sadd.s32 s7, s28;
	[sflag:s17] =	ssyncset.done $0x0  }
0x23: {  	s26 =	sor.u32 s26, s28;
	[sflag:s17] =	ssyncadd.s32 $0xFFFFFF80  }
0x24: {  	s26 =	sshrl.u32 s26, $0x3;
	[bflag:$0x0] =	sbarrier.arrive $0xFFFF  }
0x25: {  	[tilespmem:s20], [sflag:$0x1] =	stream.indirect.gather [hbm4b:s4+s19], $0x80, s3, s19, $0xb8;
	[tilespmem:$0x1C200] =	vst v63  }
0x26: {  	s26 =	sadd.s32 s5, s26  }
0x27: {  	[tilespmem:s19], [sflag:$0x3] =	stream.linear.gather [hbm4b:s26+s3], $0x80, $0x38;
	[tilespmem:$0x1C200] =	vst v63  }
0x28: {  	_ =	swait.ge [sflag:s17], $0x80  }
0x29: {  	s31 =	rddreg [dreg:$0x3]  }
0x2a: {  	[sflag:s17] =	ssyncset.done $0x0;
	s26 =	sadd.s32 $0xFFFFF640, s31  }
0x2b: {  	[sflag:s17] =	ssyncadd.s32 $0xFFFFFF80;
	s28 =	sadd.s32 $0x9D0, s26  }
0x2c: {  	[tilespmem:s21], [sflag:$0x3] =	stream.linear.gather [hbm4b:s28+s3], $0x80, $0x38;
	[tilespmem:$0x1C200] =	vst v63  }
0x2d: {  	_ =	swait.ge [sflag:s17], $0x80  }
0x2e: {  	[sflag:s17] =	ssyncset.done $0x0  }
0x2f: {  	[sflag:s17] =	ssyncadd.s32 $0xFFFFFF80  }
0x30: {  	[tilespmem:s22], [sflag:$0x2] =	stream.indirect.gather [hbm4b:s4+s19], $0x80, s19, s19, $0xb8;
	[tilespmem:$0x1C200] =	vst v63  }
0x31: {  	_ =	swait.ge [sflag:s23], $0x4000  }
0x32: {  	s28 =	sand.u32 $0xFFC00, s15;
	[sflag:s23] =	ssyncset.done $0x0  }
0x33: {  	s29 =	sand.u32 $0x300, s15;
	s28 =	sadd.s32 s7, s28;
	[sflag:s23] =	ssyncadd.s32 $0xFFFFC000  }
0x34: {  	[spmem:s1] =	stream.indirect.scatter.add.f32 [tilespmem:s20], [sflag:$0x3], $0x80, s18, s19, $0xb8;
	[tilespmem:$0x1C200] =	vst v63  }
0x35: {  	s28 =	sor.u32 s29, s28;
	_ =	swait.ge [sflag:s17], $0x4000  }
0x36: {  	s28 =	sshrl.u32 s28, $0x3;
	[sflag:s17] =	ssyncset.done $0x0  }
0x37: {  	s28 =	sadd.s32 s5, s28;
	[sflag:s17] =	ssyncadd.s32 $0xFFFFC000  }
0x38: {  	[tilespmem:s3], [sflag:$0x3] =	stream.linear.gather [hbm4b:s28+s3], $0x80, $0x38;
	[tilespmem:$0x1C200] =	vst v63  }
0x39: {  	_ =	swait.ge [sflag:s17], $0x80  }
0x3a: {  	[sflag:s17] =	ssyncset.done $0x0  }
0x3b: {  	s26 =	sadd.s32 $0x9E0, s26;
	[sflag:s17] =	ssyncadd.s32 $0xFFFFFF80  }
0x3c: {  	[tilespmem:s18], [sflag:$0x3] =	stream.linear.gather [hbm4b:s26+s3], $0x80, $0x38;
	[tilespmem:$0x1C200] =	vst v63  }
0x3d: {  	s26 =	sadd.s32 $0x100, s15;
	_ =	swait.ge [sflag:s17], $0x80  }
0x3e: {  	s29 =	sadd.s32 $0xFFFFFF80, s26;
	[sflag:s17] =	ssyncset.done $0x0  }
0x3f: {  	s28 =	simm.s32 $0xFFFFF660;
	s30 =	sand.u32 $0xFFC00, s29;
	[sflag:s17] =	ssyncadd.s32 $0xFFFFFF80  }
0x40: {  	[tilespmem:s20], [sflag:$0x1] =	stream.indirect.gather [hbm4b:s4+s19], $0x80, s3, s19, $0xb8;
	[tilespmem:$0x1C200] =	vst v63  }
0x41: {  	s31 =	sand.u32 $0x380, s29;
	s30 =	sadd.s32 s7, s30;
	_ =	swait.ge [sflag:s24], $0x4000  }
0x42: {  	s29 =	simm.s32 $0xFFFFF680;
	s30 =	sor.u32 s31, s30;
	[sflag:s24] =	ssyncset.done $0x0  }
.LBB2_2:
0x43: {  	[sflag:s24] =	ssyncadd.s32 $0xFFFFC000  }
0x44: {  	[spmem:s1] =	stream.indirect.scatter.add.f32 [tilespmem:s22], [sflag:$0x3], $0x80, s21, s19, $0xb8;
	[tilespmem:$0x1C200] =	vst v63  }
0x45: {  	_ =	swait.ge [sflag:s17], $0x4000  }
0x46: {  	s30 =	sshrl.u32 s30, $0x3;
	[sflag:s17] =	ssyncset.done $0x0  }
0x47: {  	s30 =	sadd.s32 s5, s30;
	[sflag:s17] =	ssyncadd.s32 $0xFFFFC000  }
0x48: {  	[tilespmem:s19], [sflag:$0x3] =	stream.linear.gather [hbm4b:s30+s3], $0x80, $0x38;
	[tilespmem:$0x1C200] =	vst v63  }
0x49: {  	_ =	swait.ge [sflag:s17], $0x80  }
0x4a: {  	s30 =	rddreg [dreg:$0x3]  }
0x4b: {  	[sflag:s17] =	ssyncset.done $0x0;
	s30 =	sadd.s32 s28, s30  }
0x4c: {  	[sflag:s17] =	ssyncadd.s32 $0xFFFFFF80;
	s0 =	sadd.s32 $0x9D0, s30  }
0x4d: {  	[tilespmem:s21], [sflag:$0x3] =	stream.linear.gather [hbm4b:s0+s3], $0x80, $0x38;
	[tilespmem:$0x1C200] =	vst v63  }
0x4e: {  	_ =	swait.ge [sflag:s17], $0x80  }
0x4f: {  	[sflag:s17] =	ssyncset.done $0x0  }
0x50: {  	[sflag:s17] =	ssyncadd.s32 $0xFFFFFF80  }
0x51: {  	[tilespmem:s22], [sflag:$0x2] =	stream.indirect.gather [hbm4b:s4+s19], $0x80, s19, s19, $0xb8;
	[tilespmem:$0x1C200] =	vst v63  }
0x52: {  	s31 =	smov.u32 s29;
	_ =	swait.ge [sflag:s23], $0x4000  }
0x53: {  	s28 =	smov.u32 s31;
	s0 =	sand.u32 $0xFFC00, s26;
	[sflag:s23] =	ssyncset.done $0x0  }
0x54: {  	s31 =	sadd.s32 s7, s0;
	s0 =	sand.u32 $0x300, s26;
	[sflag:s23] =	ssyncadd.s32 $0xFFFFC000  }
0x55: {  	[spmem:s1] =	stream.indirect.scatter.add.f32 [tilespmem:s20], [sflag:$0x3], $0x80, s18, s19, $0xb8;
	[tilespmem:$0x1C200] =	vst v63  }
0x56: {  	s0 =	sor.u32 s0, s31;
	_ =	swait.ge [sflag:s17], $0x4000  }
0x57: {  	s0 =	sshrl.u32 s0, $0x3;
	[sflag:s17] =	ssyncset.done $0x0  }
0x58: {  	s0 =	sadd.s32 s5, s0;
	[sflag:s17] =	ssyncadd.s32 $0xFFFFC000  }
0x59: {  	[tilespmem:s3], [sflag:$0x3] =	stream.linear.gather [hbm4b:s0+s3], $0x80, $0x38;
	[tilespmem:$0x1C200] =	vst v63  }
0x5a: {  	_ =	swait.ge [sflag:s17], $0x80  }
0x5b: {  	[sflag:s17] =	ssyncset.done $0x0  }
0x5c: {  	s31 =	sadd.s32 $0x9E0, s30;
	[sflag:s17] =	ssyncadd.s32 $0xFFFFFF80  }
0x5d: {  	[tilespmem:s18], [sflag:$0x3] =	stream.linear.gather [hbm4b:s31+s3], $0x80, $0x38;
	[tilespmem:$0x1C200] =	vst v63  }
0x5e: {  	p0 =	sne.s32 s29, $0xFFFFFFE0;
	s26 =	sadd.s32 $0x100, s26;
	_ =	swait.ge [sflag:s17], $0x80  }
.Ltmp0:
0x5f: {  	s31 =	sadd.s32 $0xFFFFFF80, s26;
	[sflag:s17] =	ssyncset.done $0x0;
	(pc) =	sbr.rel @p0 .LBB2_2-.Ltmp0, $4  }
0x60: {  	s30 =	sand.u32 $0xFFC00, s31;
	[sflag:s17] =	ssyncadd.s32 $0xFFFFFF80  }
0x61: {  	[tilespmem:s20], [sflag:$0x1] =	stream.indirect.gather [hbm4b:s4+s19], $0x80, s3, s19, $0xb8;
	[tilespmem:$0x1C200] =	vst v63  }
0x62: {  	s0 =	sand.u32 $0x380, s31;
	s30 =	sadd.s32 s7, s30;
	_ =	swait.ge [sflag:s24], $0x4000  }
0x63: {  	s29 =	sadd.s32 $0x20, s29;
	s30 =	sor.u32 s0, s30;
	[sflag:s24] =	ssyncset.done $0x0  }
0x64: {  	[sflag:s24] =	ssyncadd.s32 $0xFFFFC000  }
0x65: {  	[spmem:s1] =	stream.indirect.scatter.add.f32 [tilespmem:s22], [sflag:$0x3], $0x80, s21, s19, $0xb8;
	[tilespmem:$0x1C200] =	vst v63  }
0x66: {  	_ =	swait.ge [sflag:s17], $0x4000  }
0x67: {  	s0 =	sshrl.u32 s30, $0x3;
	[sflag:s17] =	ssyncset.done $0x0  }
0x68: {  	s0 =	sadd.s32 s5, s0;
	[sflag:s17] =	ssyncadd.s32 $0xFFFFC000  }
0x69: {  	[tilespmem:s19], [sflag:$0x3] =	stream.linear.gather [hbm4b:s0+s3], $0x80, $0x38;
	[tilespmem:$0x1C200] =	vst v63  }
0x6a: {  	_ =	swait.ge [sflag:s17], $0x80  }
0x6b: {  	s29 =	rddreg [dreg:$0x3]  }
0x6c: {  	[sflag:s17] =	ssyncset.done $0x0;
	s0 =	sadd.s32 s28, s29  }
0x6d: {  	[sflag:s17] =	ssyncadd.s32 $0xFFFFFF80;
	s28 =	sadd.s32 $0x9D0, s0  }
0x6e: {  	[tilespmem:s21], [sflag:$0x3] =	stream.linear.gather [hbm4b:s28+s3], $0x80, $0x38;
	[tilespmem:$0x1C200] =	vst v63  }
0x6f: {  	_ =	swait.ge [sflag:s17], $0x80  }
0x70: {  	[sflag:s17] =	ssyncset.done $0x0  }
0x71: {  	[sflag:s17] =	ssyncadd.s32 $0xFFFFFF80  }
0x72: {  	[tilespmem:s22], [sflag:$0x2] =	stream.indirect.gather [hbm4b:s4+s19], $0x80, s19, s19, $0xb8;
	[tilespmem:$0x1C200] =	vst v63  }
0x73: {  	_ =	swait.ge [sflag:s23], $0x4000  }
0x74: {  	s30 =	sand.u32 $0xFFC00, s26;
	[sflag:s23] =	ssyncset.done $0x0  }
0x75: {  	s31 =	sand.u32 $0x300, s26;
	s28 =	sadd.s32 s7, s30;
	[sflag:s23] =	ssyncadd.s32 $0xFFFFC000  }
0x76: {  	[spmem:s1] =	stream.indirect.scatter.add.f32 [tilespmem:s20], [sflag:$0x3], $0x80, s18, s19, $0xb8;
	[tilespmem:$0x1C200] =	vst v63  }
0x77: {  	s26 =	sor.u32 s31, s28;
	_ =	swait.ge [sflag:s17], $0x4000  }
0x78: {  	s26 =	sshrl.u32 s26, $0x3;
	[sflag:s17] =	ssyncset.done $0x0  }
0x79: {  	s26 =	sadd.s32 s5, s26;
	[sflag:s17] =	ssyncadd.s32 $0xFFFFC000  }
0x7a: {  	[tilespmem:s3], [sflag:$0x3] =	stream.linear.gather [hbm4b:s26+s3], $0x80, $0x38;
	[tilespmem:$0x1C200] =	vst v63  }
0x7b: {  	_ =	swait.ge [sflag:s17], $0x80  }
0x7c: {  	[sflag:s17] =	ssyncset.done $0x0  }
0x7d: {  	s0 =	sadd.s32 $0x9E0, s0;
	[sflag:s17] =	ssyncadd.s32 $0xFFFFFF80  }
0x7e: {  	[tilespmem:s18], [sflag:$0x3] =	stream.linear.gather [hbm4b:s0+s3], $0x80, $0x38;
	[tilespmem:$0x1C200] =	vst v63  }
0x7f: {  	_ =	swait.ge [sflag:s17], $0x80  }
0x80: {  	[sflag:s17] =	ssyncset.done $0x0  }
0x81: {  	[sflag:s17] =	ssyncadd.s32 $0xFFFFFF80  }
0x82: {  	[tilespmem:s20], [sflag:$0x1] =	stream.indirect.gather [hbm4b:s4+s19], $0x80, s3, s19, $0xb8;
	[tilespmem:$0x1C200] =	vst v63  }
0x83: {  	_ =	swait.ge [sflag:s24], $0x4000  }
0x84: {  	[sflag:s24] =	ssyncset.done $0x0  }
0x85: {  	[sflag:s24] =	ssyncadd.s32 $0xFFFFC000  }
0x86: {  	[spmem:s1] =	stream.indirect.scatter.add.f32 [tilespmem:s22], [sflag:$0x3], $0x80, s21, s19, $0xb8;
	[tilespmem:$0x1C200] =	vst v63  }
0x87: {  	_ =	swait.ge [sflag:s17], $0x4000  }
0x88: {  	[sflag:s17] =	ssyncset.done $0x0  }
0x89: {  	[sflag:s17] =	ssyncadd.s32 $0xFFFFC000  }
0x8a: {  	[tilespmem:s19], [sflag:$0x3] =	stream.linear.gather [hbm4b:s13+s3], $0x80, $0x38;
	[tilespmem:$0x1C200] =	vst v63  }
0x8b: {  	_ =	swait.ge [sflag:s17], $0x80  }
0x8c: {  	[sflag:s17] =	ssyncset.done $0x0  }
0x8d: {  	[sflag:s17] =	ssyncadd.s32 $0xFFFFFF80  }
0x8e: {  	[tilespmem:s21], [sflag:$0x3] =	stream.linear.gather [hbm4b:s14+s3], $0x80, $0x38;
	[tilespmem:$0x1C200] =	vst v63  }
0x8f: {  	_ =	swait.ge [sflag:s17], $0x80  }
0x90: {  	[sflag:s17] =	ssyncset.done $0x0  }
0x91: {  	[sflag:s17] =	ssyncadd.s32 $0xFFFFFF80  }
0x92: {  	[tilespmem:s22], [sflag:$0x2] =	stream.indirect.gather [hbm4b:s4+s19], $0x80, s19, s19, $0xb8;
	[tilespmem:$0x1C200] =	vst v63  }
0x93: {  	_ =	swait.ge [sflag:s23], $0x4000  }
0x94: {  	[sflag:s23] =	ssyncset.done $0x0  }
0x95: {  	[sflag:s23] =	ssyncadd.s32 $0xFFFFC000  }
0x96: {  	[spmem:s1] =	stream.indirect.scatter.add.f32 [tilespmem:s20], [sflag:$0x3], $0x80, s18, s19, $0xb8;
	[tilespmem:$0x1C200] =	vst v63  }
0x97: {  	_ =	swait.ge [sflag:s17], $0x4000  }
0x98: {  	[sflag:s17] =	ssyncset.done $0x0  }
0x99: {  	[sflag:s17] =	ssyncadd.s32 $0xFFFFC000  }
0x9a: {  	_ =	swait.ge [sflag:s24], $0x4000  }
0x9b: {  	[sflag:s24] =	ssyncset.done $0x0  }
0x9c: {  	[sflag:s24] =	ssyncadd.s32 $0xFFFFC000  }
0x9d: {  	[spmem:s1] =	stream.indirect.scatter.add.f32 [tilespmem:s22], [sflag:$0x3], $0x80, s21, s19, $0xb8;
	[tilespmem:$0x1C200] =	vst v63  }
0x9e: {  	_ =	swait.ge [sflag:s17], $0x4000  }
0x9f: {  	s25 =	sadd.s32 $0x1, s25;
	[sflag:s17] =	ssyncset.done $0x0  }
0xa0: {  	p0 =	sne.s32 s25, s12;
	[sflag:s17] =	ssyncadd.s32 $0xFFFFC000  }
.Ltmp1:
0xa1: {  	[bflag:$0x0] =	sbarrier.arrive $0xFFFF;
	(pc) =	sbr.rel @p0 .LBB2_1-.Ltmp1, $4  }
0xa2: {  	[hbm:s11], [sflag:s8] =	dma.local [spmem:s16], $0x2800  }
0xa3: {  	_ =	swait.ge [sflag:s17], $0x2800  }
0xa4: {  	[sflag:s17] =	ssyncset.done $0x0  }
0xa5: {  	[sflag:s17] =	ssyncadd.s32 $0xFFFFD800  }
0xa6: {  	_ =	sfence.sel $0x180000  }
0xa7: {  	[bflag:$0x0] =	sbarrier.arrive $0xFFFF  }
0xa8: {  	_ =	strace $0x9000004A  }
0xa9: {  	[bflag:$0x2] =	sbarrier.arrive $0xFFFF  }
0xaa: {  	p0 =	sne.s32 s2, $0x0;
	s0 =	rddreg [dreg:$0x2]  }
0xab: {  	s0 =	sadd.s32 @!p0 $0x100000, s0  }
0xac: {  	[sflag:s0] =	ssyncadd.tile.s32 @!p0 $0x1;
	_ =	shalt  }
.Lfunc_end2:
_tile_overlayer_lowered:
.L_overlay_start_2:
0xad: {  	(tag) =	ssettag $0x2  }
0xae: {  	s0 =	rddreg [dreg:$0x0];
	s2 =	stileid.u32  }
0xaf: {  	s1 =	rddreg [dreg:$0x1];
	p0 =	sne.s32 s2, $0x0  }
0xb0: {  	s3 =	rddreg [dreg:$0x2];
	[bflag:$0x3] =	sbarrier.arrive $0xFFFF;
	s2 =	simm.s32 @!p0 $0x1C03  }
0xb1: {  	[timem:s3], [sflag:s2] =	dma.local @!p0 [hbm:s0], s1  }
0xb2: {  	s0 =	simm.s32 @!p0 $0x3  }
0xb3: {  	_ =	swait.ge @!p0 [sflag:s0], s1  }
0xb4: {  	s1 =	ssub.s32 @!p0 $0x0, s1;
	[sflag:s0] =	ssyncset.done @!p0 $0x0  }
0xb5: {  	[sflag:s0] =	ssyncadd.s32 @!p0 s1  }
0xb6: {  	[bflag:$0x3] =	sbarrier.arrive $0xFFFF  }
0xb7: {  	_ =	shalt  }

// kernel: kernel.21.cloned.1.call-start
scs
__scs_entry_jumppad:
0x0: {  	(pc) =	sbr.rel $0x88, $3  }
0x1: {  	(tag) =	ssettag $0x0;
	lr =	simm.s32 $0x1  }
0x2: {  	[smem:$0x3F91] =	sst lr;
	_ =	strace $0xD0000000  }
0x3: {  	_ = 	snop  }
0x4: {  	_ = 	snop  }
0x5: {  	_ = 	snop  }
0x6: {  	_ = 	snop  }
0x7: {  	_ = 	snop  }
__scs_overlays_trampoline_lowered:
0x8: {  	[smem:$0x3FA0] =	sst s0  }
0x9: {  	[smem:$0x3FA1] =	sst s1  }
0xa: {  	[smem:$0x3FA2] =	sst s2  }
0xb: {  	[smem:$0x3FA3] =	sst s3  }
0xc: {  	[smem:$0x3FA4] =	sst s4  }
0xd: {  	[smem:$0x3FA5] =	sst s5  }
0xe: {  	[smem:$0x3FA6] =	sst s6  }
0xf: {  	[smem:$0x3FA7] =	sst s7  }
0x10: {  	[smem:$0x3FA8] =	sst s8  }
0x11: {  	[smem:$0x3FA9] =	sst s9;
	s0 =	simm.s32 @!p0 $0x0  }
0x12: {  	s1 =	sld [smem:$0x3F8F];
	s0 =	simm.s32 @p0 $0x1  }
0x13: {  	[smem:$0x3FAA] =	sst s0;
	s0 =	simm.s32 @!p1 $0x0  }
0x14: {  	s2 =	sld [smem:$0x3F8E];
	s0 =	simm.s32 @p1 $0x1  }
0x15: {  	[smem:$0x3FAB] =	sst s0;
	s0 =	simm.s32 @!p2 $0x0  }
0x16: {  	s3 =	sld [smem:$0x3FDB];
	s0 =	simm.s32 @p2 $0x1  }
0x17: {  	s4 =	simm.s32 $0x1BF5;
	[smem:$0x3FAD] =	sst s0  }
0x18: {  	s0 =	sld [smem:$0x3F90];
	_ =	swait.ge [sflag:s4], $0x0  }
0x19: {  	s7 =	sld [smem:$0x3F91]  }
0x1a: {  	s8 =	sadd.s32 $0xFFFFE003, lr  }
0x1b: {  	s9 =	sadd.s32 $0xFFFFFEF7, lr;
	s5 =	simm.s32 $0xFFFFFFFF;
	p2 =	slt.u32 s8, $0xFFFFF086  }
0x1c: {  	p1 =	slt.u32 s9, $0xF7A;
	s5 =	simm.s32 @!p2 $0x0  }
0x1d: {  	s5 =	simm.s32 @p1 $0x1;
	p0 =	seq.s32 s7, s2  }
0x1e: {  	s7 =	smul.u32 @!p0 $0xF7A, s2;
	p2 =	seq.s32 @!p0 s5, $0x0  }
0x1f: {  	s9 =	smul.u32 $0xF7A, s1;
	s8 =	simm.s32 @!p0 $0x1BF5;
	p2 =	por !p2, p0  }
0x20: {  	[sflag:s8] =	ssyncset.s32 @!p0 $0xFFFFF086;
	s6 =	sadd.s32 @!p0 s3, s7;
	s7 =	simm.s32 @!p0 $0x108  }
0x21: {  	s3 =	sadd.s32 s3, s9;
	s6 =	sadd.s32 @!p0 $0x88, s6;
	s7 =	simm.s32 @p2 $0x1082  }
0x22: {  	[simem:s7], [sflag:s8] =	dma.local @!p0 [hbm:s6], $0xF7A  }
0x23: {  	s9 =	sor.u32 $0xD0000000, s2;
	s6 =	simm.s32 $0x108;
	_ =	swait.ge @!p0 [sflag:s8], $0x0  }
0x24: {  	s3 =	sadd.s32 $0x88, s3;
	s6 =	simm.s32 @!p1 $0x1082;
	[sflag:s4] =	ssyncset.s32 $0xFFFFF086  }
0x25: {  	[simem:s6], [sflag:s4] =	dma.local [hbm:s3], $0xF7A  }
0x26: {  	[smem:$0x3F91] =	sst s1;
	(tag) =	ssettag s2;
	_ =	strace s9  }
0x27: {  	s1 =	sld [smem:$0x3FA1]  }
0x28: {  	s2 =	sld [smem:$0x3FA2]  }
0x29: {  	s4 =	sld [smem:$0x3FA4]  }
0x2a: {  	p0 =	seq.s32 s5, $0x0;
	s5 =	sld [smem:$0x3FA5]  }
0x2b: {  	s6 =	sld [smem:$0x3FA6]  }
0x2c: {  	s7 =	sld [smem:$0x3FA7]  }
0x2d: {  	s3 =	simm.s32 $0x108;
	s8 =	sld [smem:$0x3FA8]  }
0x2e: {  	s3 =	simm.s32 @!p0 $0x1082;
	s9 =	sld [smem:$0x3FA9]  }
0x2f: {  	lr =	sadd.s32 s0, s3;
	s0 =	sld [smem:$0x3FA0]  }
0x30: {  	s3 =	sld [smem:$0x3FA3]  }
0x31: {  	[smem:$0x3FAC] =	sst s10  }
0x32: {  	s10 =	sld [smem:$0x3FAA];
	_ =	sdelay $0x3  }
0x33: {  	p0 =	seq.s32 s10, $0x1;
	s10 =	sld [smem:$0x3FAC];
	_ =	sdelay $0x3  }
0x34: {  	[smem:$0x3FAC] =	sst s10  }
0x35: {  	s10 =	sld [smem:$0x3FAB];
	_ =	sdelay $0x3  }
0x36: {  	p1 =	seq.s32 s10, $0x1;
	s10 =	sld [smem:$0x3FAC];
	_ =	sdelay $0x3  }
0x37: {  	[smem:$0x3FAC] =	sst s10  }
0x38: {  	s10 =	sld [smem:$0x3FAD]  }
0x39: {  	_ = 	snop;
	(pc) =	sbr.ind lr, $3  }
0x3a: {  	_ = 	snop  }
0x3b: {  	_ = 	snop  }
0x3c: {  	p2 =	seq.s32 s10, $0x1;
	s10 =	sld [smem:$0x3FAC]  }
0x3d: {  	_ =	shalt  }
0x3e: {  	_ =	shalt  }
0x3f: {  	_ =	shalt  }
0x40: {  	_ =	shalt  }
0x41: {  	_ =	shalt  }
0x42: {  	_ =	shalt  }
0x43: {  	_ =	shalt  }
0x44: {  	_ =	shalt  }
0x45: {  	_ =	shalt  }
0x46: {  	_ =	shalt  }
0x47: {  	_ =	shalt  }
0x48: {  	_ =	shalt  }
0x49: {  	_ =	shalt  }
0x4a: {  	_ =	shalt  }
0x4b: {  	_ =	shalt  }
0x4c: {  	_ =	shalt  }
0x4d: {  	_ =	shalt  }
0x4e: {  	_ =	shalt  }
0x4f: {  	_ =	shalt  }
0x50: {  	_ =	shalt  }
0x51: {  	_ =	shalt  }
0x52: {  	_ =	shalt  }
0x53: {  	_ =	shalt  }
0x54: {  	_ =	shalt  }
0x55: {  	_ =	shalt  }
0x56: {  	_ =	shalt  }
0x57: {  	_ =	shalt  }
0x58: {  	_ =	shalt  }
0x59: {  	_ =	shalt  }
0x5a: {  	_ =	shalt  }
0x5b: {  	_ =	shalt  }
0x5c: {  	_ =	shalt  }
0x5d: {  	_ =	shalt  }
0x5e: {  	_ =	shalt  }
0x5f: {  	_ =	shalt  }
0x60: {  	_ =	shalt  }
0x61: {  	_ =	shalt  }
0x62: {  	_ =	shalt  }
0x63: {  	_ =	shalt  }
0x64: {  	_ =	shalt  }
0x65: {  	_ =	shalt  }
0x66: {  	_ =	shalt  }
0x67: {  	_ =	shalt  }
0x68: {  	_ =	shalt  }
0x69: {  	_ =	shalt  }
0x6a: {  	_ =	shalt  }
0x6b: {  	_ =	shalt  }
0x6c: {  	_ =	shalt  }
0x6d: {  	_ =	shalt  }
0x6e: {  	_ =	shalt  }
0x6f: {  	_ =	shalt  }
0x70: {  	_ =	shalt  }
0x71: {  	_ =	shalt  }
0x72: {  	_ =	shalt  }
0x73: {  	_ =	shalt  }
0x74: {  	_ =	shalt  }
0x75: {  	_ =	shalt  }
0x76: {  	_ =	shalt  }
0x77: {  	_ =	shalt  }
0x78: {  	_ =	shalt  }
0x79: {  	_ =	shalt  }
0x7a: {  	_ =	shalt  }
0x7b: {  	_ =	shalt  }
0x7c: {  	_ =	shalt  }
0x7d: {  	_ =	shalt  }
0x7e: {  	_ =	shalt  }
0x7f: {  	_ =	shalt  }
0x80: {  	_ =	shalt  }
0x81: {  	_ =	shalt  }
0x82: {  	_ =	shalt  }
0x83: {  	_ =	shalt  }
0x84: {  	_ =	shalt  }
0x85: {  	_ =	shalt  }
0x86: {  	_ =	shalt  }
0x87: {  	_ =	shalt  }
.Lfunc_end0:
.L_simem_size_0:
called_computation.2_lowered:
.L_overlay_start_0:
0x88: {  	s2 =	sld [smem:$0x3FD9]  }
0x89: {  	s3 =	sld [smem:$0x3FFE];
	_ =	sdelay $0x1  }
0x8a: {  	s1 =	srdreg.scid  }
0x8b: {  	s0 =	sand.u32 $0x1, s1  }
0x8c: {  	s16 =	sshll.u32 s0, $0xA;
	s2 =	sadd.s32 s3, s2  }
0x8d: {  	s2 =	sadd.s32 s2, s16  }
0x8e: {  	[smem:$0x3FB8] =	sst s2  }
0x8f: {  	_ = 	snop  }
0x90: {  	(tm) =	ssettm $0x1  }
0x91: {  	s17 =	sld [smem:$0x3FFB];
	_ =	sdelay $0x3  }
0x92: {  	_ =	strace s17  }
0x93: {  	s2 =	sld [smem:$0x3FFC];
	_ =	sdelay $0x3  }
0x94: {  	_ =	strace s2  }
0x95: {  	s2 =	sld [smem:$0x3FFD];
	_ =	sdelay $0x3  }
0x96: {  	_ =	strace s2  }
0x97: {  	_ =	strace $0x8FFFFFFF  }
0x98: {  	s18 =	sld [smem:$0x3FDB];
	_ =	sdelay $0x1  }
0x99: {  	s19 =	simm.s32 $_scs_section_size  }
0x9a: {  	s4 =	simm.s32 $_size__tile_overlayer_lowered;
	s5 =	simm.s32 $_tile_overlayer_lowered  }
0x9b: {  	s22 =	simm.s32 $0x1BFF;
	s21 =	sshll.u32 s5, $0x1;
	s2 =	sadd.s32 s19, s18  }
0x9c: {  	s6 =	simm.s32 $0x0;
	s20 =	sshll.u32 s4, $0x1;
	s4 =	sadd.s32 s21, s2  }
0x9d: {  	[timem:s6], [sflag:s22] =	dma.local [hbm:s4], s20  }
0x9e: {  	_ =	swait.ge [sflag:s22], s20  }
0x9f: {  	s3 =	ssub.s32 $0x0, s20;
	[sflag:s22] =	ssyncset.done $0x0  }
0xa0: {  	[sflag:s22] =	ssyncadd.s32 s3;
	_ =	sdelay $0x1  }
0xa1: {  	s23 =	simm.s32 $0x1B8B  }
0xa2: {  	_ =	swait.ge [sflag:s23], $0x1  }
0xa3: {  	[sflag:s23] =	ssyncset.done $0x0  }
0xa4: {  	s25 =	simm.s32 $0x1B8E;
	s24 =	sld [smem:$0x3FFE];
	[sflag:s23] =	ssyncadd.s32 $0xFFFFFFFF  }
0xa5: {  	s26 =	simm.s32 $execute0_lowered;
	[smem:$0x3FD2] =	sst s25  }
0xa6: {  	s4 =	sshll.u32 s26, $0x1;
	_ =	strace $0x8000004C;
	[dreg:$0x1] =	wrdreg $0xFFFFFFFF  }
0xa7: {  	s28 =	simm.s32 $_size_execute0_lowered;
	s2 =	sadd.s32 s2, s4;
	[dreg:$0x0] =	wrdreg $0x0  }
0xa8: {  	s4 =	sshll.u32 s28, $0x1;
	[dreg:$0x2] =	wrdreg s2  }
0xa9: {  	[dreg:$0x3] =	wrdreg s4  }
0xaa: {  	[dreg:$0x4] =	wrdreg $0xC0  }
0xab: {  	_ =	task [dreg:s6], $0x5FFFF  }
0xac: {  	[dreg:$0x1] =	wrdreg $0xFFFFFFFF  }
0xad: {  	[dreg:$0x0] =	wrdreg $0x60  }
0xae: {  	[dreg:$0x2] =	wrdreg s24  }
0xaf: {  	[dreg:$0x3] =	wrdreg $0x82000  }
0xb0: {  	[dreg:$0x4] =	wrdreg $0x9  }
0xb1: {  	_ =	task.clear_ibuf [dreg:s6], $0x5FFFF;
	_ =	strace $0x9000004C  }
0xb2: {  	s29 =	simm.s32 $0x9;
	_ =	strace $0x8000004E  }
0xb3: {  	_ =	swait.ge [sflag:s29], $0x1  }
0xb4: {  	[sflag:s29] =	ssyncadd.s32 $0xFFFFFFFF  }
0xb5: {  	_ =	strace $0x9000004E  }
0xb6: {  	_ =	sfence  }
0xb7: {  	s30 =	sld [smem:$0x0];
	_ =	sdelay $0x2  }
0xb8: {  	s31 =	sshll.u32 s1, $0xD;
	s1 =	sshrl.u32 s1, $0x2  }
0xb9: {  	s3 =	sand.u32 $0x4000, s31;
	s1 =	sadd.s32 s1, s30  }
0xba: {  	s0 =	sor.u32 s3, s0;
	s1 =	sshll.u32 s1, $0x11  }
0xbb: {  	s0 =	sor.u32 s1, s0  }
0xbc: {  	s0 =	sadd.s32 $0x8F2B, s0  }
0xbd: {  	[sflag:s0] =	ssyncadd.remote.s32 $0x1  }
0xbe: {  	_ =	sfence.sel $0xFFFF  }
0xbf: {  	[dreg:$0x0] =	wrdreg $0xFFFFFFFF;
	(pc) =	sbr.abs _section_cstart, $3  }
0xc0: {  	[dreg:$0x1] =	wrdreg $0xFFFFFFFF  }
0xc1: {  	_ =	task.clear_ibuf [dreg:s6], $0x2FFFF;
	_ =	strace $0x9FFFFFFF  }
0xc2: {  	(tm) =	ssettm $0x7FFFFFFF  }
0xc3: {  	_ =	shalt  }
tec
execute0_lowered:
.L_overlay_start_1:
0x0: {  	(tag) =	ssettag $0x1  }
0x1: {  	s2 =	srdreg.scid  }
0x2: {  	s8 =	rddreg [dreg:$0x0];
	s7 =	sand.u32 $0x1, s2  }
0x3: {  	s2 =	stileid.u32;
	s9 =	smul.u32 $0x140000, s7  }
0x4: {  	s1 =	rddreg [dreg:$0x1];
	s3 =	simm.s32 $0x0;
	s10 =	smul.u32 $0x14000, s2  }
0x5: {  	[smem:$0x7FF] =	sst s3;
	s17 =	smul.u32 $0x50000, s2  }
0x6: {  	s4 =	sadd.s32 $0x24600, s8;
	s11 =	ssub.s32 $0x2, s7;
	s7 =	smul.u32 $0x4F000, s7  }
0x7: {  	s5 =	sadd.s32 $0x6C00, s8;
	s15 =	sadd.s32 $0x1A800, s8;
	s16 =	smul.u32 $0x4F00, s2  }
0x8: {  	s6 =	sadd.s32 $0x74600, s8;
	_ =	strace $0x8000004D;
	s20 =	smul.u32 $0x300, s2  }
0x9: {  	s21 =	smul.u32 $0x9E, s2;
	s23 =	sshll.u32 s2, $0x6;
	s18 =	sshrl.u32 s11, $0x1  }
0xa: {  	s29 =	smul.u32 $0x9E0, s2;
	s9 =	sadd.s32 s10, s9;
	s13 =	ssub.s32 s11, s18  }
0xb: {  	s19 =	sshrl.u32 s17, $0x2;
	s22 =	sand.u32 $0x7FC00, s16;
	s18 =	sadd.s32 $0x9D, s21  }
0xc: {  	s21 =	simm.s32 $0x180;
	s9 =	sshrl.u32 s9, $0x3;
	s17 =	sadd.s32 s19, s1  }
0xd: {  	s14 =	sadd.s32 s7, s22;
	s25 =	sshll.u32 s18, $0x7;
	s31 =	sshll.u32 s18, $0x4  }
0xe: {  	s18 =	simm.s32 $0x100;
	s12 =	sadd.s32 s9, s8;
	s9 =	sand.u32 $0x300, s20  }
0xf: {  	s8 =	sor.u32 $0x1C03, s23;
	s28 =	sand.u32 $0xFFC00, s25;
	s20 =	simm.s32 $0x200  }
0x10: {  	s23 =	simm.s32 $0x1;
	s14 =	sor.u32 s9, s14;
	s11 =	sor.u32 s9, s22  }
0x11: {  	s19 =	sadd.s32 s7, s28;
	s22 =	simm.s32 $0x4200;
	s24 =	sshrl.u32 s14, $0x3  }
0x12: {  	s26 =	sshrl.u32 s11, $0x3;
	s14 =	sand.u32 $0x380, s25;
	s11 =	sadd.s32 $0x76E00, s12  }
0x13: {  	s12 =	smax.u32 s13, $0x1;
	s25 =	simm.s32 $0x0;
	s9 =	sadd.s32 s5, s24  }
0x14: {  	s10 =	sadd.s32 s15, s26;
	s14 =	sor.u32 s14, s19;
	s19 =	simm.s32 $0x80  }
0x15: {  	s30 =	sshrl.u32 s14, $0x3;
	s14 =	sadd.s32 s15, s31;
	s15 =	sadd.s32 s29, s15  }
0x16: {  	s24 =	simm.s32 $0x2;
	s13 =	sadd.s32 s5, s30;
	[dreg:$0x3] =	wrdreg s15  }
0x17: {  	s15 =	sadd.s32 $0x100, s16;
	s16 =	sshrl.u32 s17, $0x3;
	s17 =	simm.s32 $0x3  }
.LBB2_1:
0x18: {  	[spmem:s16], [sflag:s8] =	dma.local [hbm:s6], $0x2800  }
0x19: {  	_ =	swait.ge [sflag:s17], $0x2800  }
0x1a: {  	[sflag:s17] =	ssyncset.done $0x0  }
0x1b: {  	[sflag:s17] =	ssyncadd.s32 $0xFFFFD800  }
0x1c: {  	[tilespmem:s3], [sflag:$0x3] =	stream.linear.gather [hbm4b:s9+s3], $0x80, $0x38;
	[tilespmem:$0x1C200] =	vst v63  }
0x1d: {  	_ =	swait.ge [sflag:s17], $0x80  }
0x1e: {  	[sflag:s17] =	ssyncset.done $0x0  }
0x1f: {  	s26 =	sadd.s32 $0xFFFFFF80, s15;
	[sflag:s17] =	ssyncadd.s32 $0xFFFFFF80  }
0x20: {  	[tilespmem:s18], [sflag:$0x3] =	stream.linear.gather [hbm4b:s10+s3], $0x80, $0x38;
	[tilespmem:$0x1C200] =	vst v63  }
0x21: {  	s28 =	sand.u32 $0xFFC00, s26;
	_ =	swait.ge [sflag:s17], $0x80  }
0x22: {  	s26 =	sand.u32 $0x380, s26;
	s28 =	sadd.s32 s7, s28;
	[sflag:s17] =	ssyncset.done $0x0  }
0x23: {  	s26 =	sor.u32 s26, s28;
	[sflag:s17] =	ssyncadd.s32 $0xFFFFFF80  }
0x24: {  	s26 =	sshrl.u32 s26, $0x3;
	[bflag:$0x0] =	sbarrier.arrive $0xFFFF  }
0x25: {  	[tilespmem:s20], [sflag:$0x1] =	stream.indirect.gather [hbm4b:s4+s19], $0x80, s3, s19, $0xb8;
	[tilespmem:$0x1C200] =	vst v63  }
0x26: {  	s26 =	sadd.s32 s5, s26  }
0x27: {  	[tilespmem:s19], [sflag:$0x3] =	stream.linear.gather [hbm4b:s26+s3], $0x80, $0x38;
	[tilespmem:$0x1C200] =	vst v63  }
0x28: {  	_ =	swait.ge [sflag:s17], $0x80  }
0x29: {  	s31 =	rddreg [dreg:$0x3]  }
0x2a: {  	[sflag:s17] =	ssyncset.done $0x0;
	s26 =	sadd.s32 $0xFFFFF640, s31  }
0x2b: {  	[sflag:s17] =	ssyncadd.s32 $0xFFFFFF80;
	s28 =	sadd.s32 $0x9D0, s26  }
0x2c: {  	[tilespmem:s21], [sflag:$0x3] =	stream.linear.gather [hbm4b:s28+s3], $0x80, $0x38;
	[tilespmem:$0x1C200] =	vst v63  }
0x2d: {  	_ =	swait.ge [sflag:s17], $0x80  }
0x2e: {  	[sflag:s17] =	ssyncset.done $0x0  }
0x2f: {  	[sflag:s17] =	ssyncadd.s32 $0xFFFFFF80  }
0x30: {  	[tilespmem:s22], [sflag:$0x2] =	stream.indirect.gather [hbm4b:s4+s19], $0x80, s19, s19, $0xb8;
	[tilespmem:$0x1C200] =	vst v63  }
0x31: {  	_ =	swait.ge [sflag:s23], $0x4000  }
0x32: {  	s28 =	sand.u32 $0xFFC00, s15;
	[sflag:s23] =	ssyncset.done $0x0  }
0x33: {  	s29 =	sand.u32 $0x300, s15;
	s28 =	sadd.s32 s7, s28;
	[sflag:s23] =	ssyncadd.s32 $0xFFFFC000  }
0x34: {  	[spmem:s1] =	stream.indirect.scatter.add.f32 [tilespmem:s20], [sflag:$0x3], $0x80, s18, s19, $0xb8;
	[tilespmem:$0x1C200] =	vst v63  }
0x35: {  	s28 =	sor.u32 s29, s28;
	_ =	swait.ge [sflag:s17], $0x4000  }
0x36: {  	s28 =	sshrl.u32 s28, $0x3;
	[sflag:s17] =	ssyncset.done $0x0  }
0x37: {  	s28 =	sadd.s32 s5, s28;
	[sflag:s17] =	ssyncadd.s32 $0xFFFFC000  }
0x38: {  	[tilespmem:s3], [sflag:$0x3] =	stream.linear.gather [hbm4b:s28+s3], $0x80, $0x38;
	[tilespmem:$0x1C200] =	vst v63  }
0x39: {  	_ =	swait.ge [sflag:s17], $0x80  }
0x3a: {  	[sflag:s17] =	ssyncset.done $0x0  }
0x3b: {  	s26 =	sadd.s32 $0x9E0, s26;
	[sflag:s17] =	ssyncadd.s32 $0xFFFFFF80  }
0x3c: {  	[tilespmem:s18], [sflag:$0x3] =	stream.linear.gather [hbm4b:s26+s3], $0x80, $0x38;
	[tilespmem:$0x1C200] =	vst v63  }
0x3d: {  	s26 =	sadd.s32 $0x100, s15;
	_ =	swait.ge [sflag:s17], $0x80  }
0x3e: {  	s29 =	sadd.s32 $0xFFFFFF80, s26;
	[sflag:s17] =	ssyncset.done $0x0  }
0x3f: {  	s28 =	simm.s32 $0xFFFFF660;
	s30 =	sand.u32 $0xFFC00, s29;
	[sflag:s17] =	ssyncadd.s32 $0xFFFFFF80  }
0x40: {  	[tilespmem:s20], [sflag:$0x1] =	stream.indirect.gather [hbm4b:s4+s19], $0x80, s3, s19, $0xb8;
	[tilespmem:$0x1C200] =	vst v63  }
0x41: {  	s31 =	sand.u32 $0x380, s29;
	s30 =	sadd.s32 s7, s30;
	_ =	swait.ge [sflag:s24], $0x4000  }
0x42: {  	s29 =	simm.s32 $0xFFFFF680;
	s30 =	sor.u32 s31, s30;
	[sflag:s24] =	ssyncset.done $0x0  }
.LBB2_2:
0x43: {  	[sflag:s24] =	ssyncadd.s32 $0xFFFFC000  }
0x44: {  	[spmem:s1] =	stream.indirect.scatter.add.f32 [tilespmem:s22], [sflag:$0x3], $0x80, s21, s19, $0xb8;
	[tilespmem:$0x1C200] =	vst v63  }
0x45: {  	_ =	swait.ge [sflag:s17], $0x4000  }
0x46: {  	s30 =	sshrl.u32 s30, $0x3;
	[sflag:s17] =	ssyncset.done $0x0  }
0x47: {  	s30 =	sadd.s32 s5, s30;
	[sflag:s17] =	ssyncadd.s32 $0xFFFFC000  }
0x48: {  	[tilespmem:s19], [sflag:$0x3] =	stream.linear.gather [hbm4b:s30+s3], $0x80, $0x38;
	[tilespmem:$0x1C200] =	vst v63  }
0x49: {  	_ =	swait.ge [sflag:s17], $0x80  }
0x4a: {  	s30 =	rddreg [dreg:$0x3]  }
0x4b: {  	[sflag:s17] =	ssyncset.done $0x0;
	s30 =	sadd.s32 s28, s30  }
0x4c: {  	[sflag:s17] =	ssyncadd.s32 $0xFFFFFF80;
	s0 =	sadd.s32 $0x9D0, s30  }
0x4d: {  	[tilespmem:s21], [sflag:$0x3] =	stream.linear.gather [hbm4b:s0+s3], $0x80, $0x38;
	[tilespmem:$0x1C200] =	vst v63  }
0x4e: {  	_ =	swait.ge [sflag:s17], $0x80  }
0x4f: {  	[sflag:s17] =	ssyncset.done $0x0  }
0x50: {  	[sflag:s17] =	ssyncadd.s32 $0xFFFFFF80  }
0x51: {  	[tilespmem:s22], [sflag:$0x2] =	stream.indirect.gather [hbm4b:s4+s19], $0x80, s19, s19, $0xb8;
	[tilespmem:$0x1C200] =	vst v63  }
0x52: {  	s31 =	smov.u32 s29;
	_ =	swait.ge [sflag:s23], $0x4000  }
0x53: {  	s28 =	smov.u32 s31;
	s0 =	sand.u32 $0xFFC00, s26;
	[sflag:s23] =	ssyncset.done $0x0  }
0x54: {  	s31 =	sadd.s32 s7, s0;
	s0 =	sand.u32 $0x300, s26;
	[sflag:s23] =	ssyncadd.s32 $0xFFFFC000  }
0x55: {  	[spmem:s1] =	stream.indirect.scatter.add.f32 [tilespmem:s20], [sflag:$0x3], $0x80, s18, s19, $0xb8;
	[tilespmem:$0x1C200] =	vst v63  }
0x56: {  	s0 =	sor.u32 s0, s31;
	_ =	swait.ge [sflag:s17], $0x4000  }
0x57: {  	s0 =	sshrl.u32 s0, $0x3;
	[sflag:s17] =	ssyncset.done $0x0  }
0x58: {  	s0 =	sadd.s32 s5, s0;
	[sflag:s17] =	ssyncadd.s32 $0xFFFFC000  }
0x59: {  	[tilespmem:s3], [sflag:$0x3] =	stream.linear.gather [hbm4b:s0+s3], $0x80, $0x38;
	[tilespmem:$0x1C200] =	vst v63  }
0x5a: {  	_ =	swait.ge [sflag:s17], $0x80  }
0x5b: {  	[sflag:s17] =	ssyncset.done $0x0  }
0x5c: {  	s31 =	sadd.s32 $0x9E0, s30;
	[sflag:s17] =	ssyncadd.s32 $0xFFFFFF80  }
0x5d: {  	[tilespmem:s18], [sflag:$0x3] =	stream.linear.gather [hbm4b:s31+s3], $0x80, $0x38;
	[tilespmem:$0x1C200] =	vst v63  }
0x5e: {  	p0 =	sne.s32 s29, $0xFFFFFFE0;
	s26 =	sadd.s32 $0x100, s26;
	_ =	swait.ge [sflag:s17], $0x80  }
.Ltmp0:
0x5f: {  	s31 =	sadd.s32 $0xFFFFFF80, s26;
	[sflag:s17] =	ssyncset.done $0x0;
	(pc) =	sbr.rel @p0 .LBB2_2-.Ltmp0, $4  }
0x60: {  	s30 =	sand.u32 $0xFFC00, s31;
	[sflag:s17] =	ssyncadd.s32 $0xFFFFFF80  }
0x61: {  	[tilespmem:s20], [sflag:$0x1] =	stream.indirect.gather [hbm4b:s4+s19], $0x80, s3, s19, $0xb8;
	[tilespmem:$0x1C200] =	vst v63  }
0x62: {  	s0 =	sand.u32 $0x380, s31;
	s30 =	sadd.s32 s7, s30;
	_ =	swait.ge [sflag:s24], $0x4000  }
0x63: {  	s29 =	sadd.s32 $0x20, s29;
	s30 =	sor.u32 s0, s30;
	[sflag:s24] =	ssyncset.done $0x0  }
0x64: {  	[sflag:s24] =	ssyncadd.s32 $0xFFFFC000  }
0x65: {  	[spmem:s1] =	stream.indirect.scatter.add.f32 [tilespmem:s22], [sflag:$0x3], $0x80, s21, s19, $0xb8;
	[tilespmem:$0x1C200] =	vst v63  }
0x66: {  	_ =	swait.ge [sflag:s17], $0x4000  }
0x67: {  	s0 =	sshrl.u32 s30, $0x3;
	[sflag:s17] =	ssyncset.done $0x0  }
0x68: {  	s0 =	sadd.s32 s5, s0;
	[sflag:s17] =	ssyncadd.s32 $0xFFFFC000  }
0x69: {  	[tilespmem:s19], [sflag:$0x3] =	stream.linear.gather [hbm4b:s0+s3], $0x80, $0x38;
	[tilespmem:$0x1C200] =	vst v63  }
0x6a: {  	_ =	swait.ge [sflag:s17], $0x80  }
0x6b: {  	s29 =	rddreg [dreg:$0x3]  }
0x6c: {  	[sflag:s17] =	ssyncset.done $0x0;
	s0 =	sadd.s32 s28, s29  }
0x6d: {  	[sflag:s17] =	ssyncadd.s32 $0xFFFFFF80;
	s28 =	sadd.s32 $0x9D0, s0  }
0x6e: {  	[tilespmem:s21], [sflag:$0x3] =	stream.linear.gather [hbm4b:s28+s3], $0x80, $0x38;
	[tilespmem:$0x1C200] =	vst v63  }
0x6f: {  	_ =	swait.ge [sflag:s17], $0x80  }
0x70: {  	[sflag:s17] =	ssyncset.done $0x0  }
0x71: {  	[sflag:s17] =	ssyncadd.s32 $0xFFFFFF80  }
0x72: {  	[tilespmem:s22], [sflag:$0x2] =	stream.indirect.gather [hbm4b:s4+s19], $0x80, s19, s19, $0xb8;
	[tilespmem:$0x1C200] =	vst v63  }
0x73: {  	_ =	swait.ge [sflag:s23], $0x4000  }
0x74: {  	s30 =	sand.u32 $0xFFC00, s26;
	[sflag:s23] =	ssyncset.done $0x0  }
0x75: {  	s31 =	sand.u32 $0x300, s26;
	s28 =	sadd.s32 s7, s30;
	[sflag:s23] =	ssyncadd.s32 $0xFFFFC000  }
0x76: {  	[spmem:s1] =	stream.indirect.scatter.add.f32 [tilespmem:s20], [sflag:$0x3], $0x80, s18, s19, $0xb8;
	[tilespmem:$0x1C200] =	vst v63  }
0x77: {  	s26 =	sor.u32 s31, s28;
	_ =	swait.ge [sflag:s17], $0x4000  }
0x78: {  	s26 =	sshrl.u32 s26, $0x3;
	[sflag:s17] =	ssyncset.done $0x0  }
0x79: {  	s26 =	sadd.s32 s5, s26;
	[sflag:s17] =	ssyncadd.s32 $0xFFFFC000  }
0x7a: {  	[tilespmem:s3], [sflag:$0x3] =	stream.linear.gather [hbm4b:s26+s3], $0x80, $0x38;
	[tilespmem:$0x1C200] =	vst v63  }
0x7b: {  	_ =	swait.ge [sflag:s17], $0x80  }
0x7c: {  	[sflag:s17] =	ssyncset.done $0x0  }
0x7d: {  	s0 =	sadd.s32 $0x9E0, s0;
	[sflag:s17] =	ssyncadd.s32 $0xFFFFFF80  }
0x7e: {  	[tilespmem:s18], [sflag:$0x3] =	stream.linear.gather [hbm4b:s0+s3], $0x80, $0x38;
	[tilespmem:$0x1C200] =	vst v63  }
0x7f: {  	_ =	swait.ge [sflag:s17], $0x80  }
0x80: {  	[sflag:s17] =	ssyncset.done $0x0  }
0x81: {  	[sflag:s17] =	ssyncadd.s32 $0xFFFFFF80  }
0x82: {  	[tilespmem:s20], [sflag:$0x1] =	stream.indirect.gather [hbm4b:s4+s19], $0x80, s3, s19, $0xb8;
	[tilespmem:$0x1C200] =	vst v63  }
0x83: {  	_ =	swait.ge [sflag:s24], $0x4000  }
0x84: {  	[sflag:s24] =	ssyncset.done $0x0  }
0x85: {  	[sflag:s24] =	ssyncadd.s32 $0xFFFFC000  }
0x86: {  	[spmem:s1] =	stream.indirect.scatter.add.f32 [tilespmem:s22], [sflag:$0x3], $0x80, s21, s19, $0xb8;
	[tilespmem:$0x1C200] =	vst v63  }
0x87: {  	_ =	swait.ge [sflag:s17], $0x4000  }
0x88: {  	[sflag:s17] =	ssyncset.done $0x0  }
0x89: {  	[sflag:s17] =	ssyncadd.s32 $0xFFFFC000  }
0x8a: {  	[tilespmem:s19], [sflag:$0x3] =	stream.linear.gather [hbm4b:s13+s3], $0x80, $0x38;
	[tilespmem:$0x1C200] =	vst v63  }
0x8b: {  	_ =	swait.ge [sflag:s17], $0x80  }
0x8c: {  	[sflag:s17] =	ssyncset.done $0x0  }
0x8d: {  	[sflag:s17] =	ssyncadd.s32 $0xFFFFFF80  }
0x8e: {  	[tilespmem:s21], [sflag:$0x3] =	stream.linear.gather [hbm4b:s14+s3], $0x80, $0x38;
	[tilespmem:$0x1C200] =	vst v63  }
0x8f: {  	_ =	swait.ge [sflag:s17], $0x80  }
0x90: {  	[sflag:s17] =	ssyncset.done $0x0  }
0x91: {  	[sflag:s17] =	ssyncadd.s32 $0xFFFFFF80  }
0x92: {  	[tilespmem:s22], [sflag:$0x2] =	stream.indirect.gather [hbm4b:s4+s19], $0x80, s19, s19, $0xb8;
	[tilespmem:$0x1C200] =	vst v63  }
0x93: {  	_ =	swait.ge [sflag:s23], $0x4000  }
0x94: {  	[sflag:s23] =	ssyncset.done $0x0  }
0x95: {  	[sflag:s23] =	ssyncadd.s32 $0xFFFFC000  }
0x96: {  	[spmem:s1] =	stream.indirect.scatter.add.f32 [tilespmem:s20], [sflag:$0x3], $0x80, s18, s19, $0xb8;
	[tilespmem:$0x1C200] =	vst v63  }
0x97: {  	_ =	swait.ge [sflag:s17], $0x4000  }
0x98: {  	[sflag:s17] =	ssyncset.done $0x0  }
0x99: {  	[sflag:s17] =	ssyncadd.s32 $0xFFFFC000  }
0x9a: {  	_ =	swait.ge [sflag:s24], $0x4000  }
0x9b: {  	[sflag:s24] =	ssyncset.done $0x0  }
0x9c: {  	[sflag:s24] =	ssyncadd.s32 $0xFFFFC000  }
0x9d: {  	[spmem:s1] =	stream.indirect.scatter.add.f32 [tilespmem:s22], [sflag:$0x3], $0x80, s21, s19, $0xb8;
	[tilespmem:$0x1C200] =	vst v63  }
0x9e: {  	_ =	swait.ge [sflag:s17], $0x4000  }
0x9f: {  	s25 =	sadd.s32 $0x1, s25;
	[sflag:s17] =	ssyncset.done $0x0  }
0xa0: {  	p0 =	sne.s32 s25, s12;
	[sflag:s17] =	ssyncadd.s32 $0xFFFFC000  }
.Ltmp1:
0xa1: {  	[bflag:$0x0] =	sbarrier.arrive $0xFFFF;
	(pc) =	sbr.rel @p0 .LBB2_1-.Ltmp1, $4  }
0xa2: {  	[hbm:s11], [sflag:s8] =	dma.local [spmem:s16], $0x2800  }
0xa3: {  	_ =	swait.ge [sflag:s17], $0x2800  }
0xa4: {  	[sflag:s17] =	ssyncset.done $0x0  }
0xa5: {  	[sflag:s17] =	ssyncadd.s32 $0xFFFFD800  }
0xa6: {  	_ =	sfence.sel $0x180000  }
0xa7: {  	[bflag:$0x0] =	sbarrier.arrive $0xFFFF  }
0xa8: {  	_ =	strace $0x9000004D  }
0xa9: {  	[bflag:$0x2] =	sbarrier.arrive $0xFFFF  }
0xaa: {  	p0 =	sne.s32 s2, $0x0;
	s0 =	rddreg [dreg:$0x2]  }
0xab: {  	s0 =	sadd.s32 @!p0 $0x100000, s0  }
0xac: {  	[sflag:s0] =	ssyncadd.tile.s32 @!p0 $0x1;
	_ =	shalt  }
.Lfunc_end2:
_tile_overlayer_lowered:
.L_overlay_start_2:
0xad: {  	(tag) =	ssettag $0x2  }
0xae: {  	s0 =	rddreg [dreg:$0x0];
	s2 =	stileid.u32  }
0xaf: {  	s1 =	rddreg [dreg:$0x1];
	p0 =	sne.s32 s2, $0x0  }
0xb0: {  	s3 =	rddreg [dreg:$0x2];
	[bflag:$0x3] =	sbarrier.arrive $0xFFFF;
	s2 =	simm.s32 @!p0 $0x1C03  }
0xb1: {  	[timem:s3], [sflag:s2] =	dma.local @!p0 [hbm:s0], s1  }
0xb2: {  	s0 =	simm.s32 @!p0 $0x3  }
0xb3: {  	_ =	swait.ge @!p0 [sflag:s0], s1  }
0xb4: {  	s1 =	ssub.s32 @!p0 $0x0, s1;
	[sflag:s0] =	ssyncset.done @!p0 $0x0  }
0xb5: {  	[sflag:s0] =	ssyncadd.s32 @!p0 s1  }
0xb6: {  	[bflag:$0x3] =	sbarrier.arrive $0xFFFF  }
0xb7: {  	_ =	shalt  }

</sc_bundles>
